<compile_context>
chip_gen: v7x
topology: tpu7x:2x2x1
jax: 0.10.2.dev20260603
libtpu: 0.0.44.dev20260713+nightly
codegen_flags: <defaults>
</compile_context>

<pallas_src>
import dataclasses
import functools

import jax
import jax.numpy as jnp
from jax import lax
from jax.experimental import pallas as pl
from jax.experimental.pallas import tpu as pltpu
from jax.experimental.pallas import tpu_sc as plsc

D = 256
L = 16
NC, NS = 2, 16
NW = NC * NS
W = 48


def _build_sc_kernel(E):
    PW = E // NW
    assert PW * NW == E and PW % 8 == 0
    NT = (PW + W - 1) // W
    last_off = PW - W

    cp = pltpu.CompilerParams()
    if "needs_layout_passes" in pltpu.CompilerParams.__dataclass_fields__:
        cp = dataclasses.replace(cp, needs_layout_passes=False)

    @functools.partial(
        pl.kernel,
        compiler_params=cp,
        mesh=plsc.VectorSubcoreMesh(core_axis_name="c", subcore_axis_name="s"),
        out_type=jax.ShapeDtypeStruct((E,), jnp.float32),
        scratch_types=[
            pltpu.VMEM((PW,), jnp.int32),
            pltpu.VMEM((PW,), jnp.int32),
            pltpu.VMEM((W, D), jnp.float32),
            pltpu.VMEM((W, D), jnp.float32),
            pltpu.VMEM((W, D), jnp.float32),
            pltpu.VMEM((W, D), jnp.float32),
            pltpu.VMEM((W, D), jnp.float32),
            pltpu.VMEM((W, D), jnp.float32),
            pltpu.VMEM((W, D), jnp.float32),
            pltpu.VMEM((W, D), jnp.float32),
            pltpu.VMEM((PW,), jnp.float32),
            pltpu.SemaphoreType.DMA,
            pltpu.SemaphoreType.DMA,
            pltpu.SemaphoreType.DMA,
            pltpu.SemaphoreType.DMA,
        ],
    )
    def k(x_hbm, src_hbm, dst_hbm, out_hbm,
          sidx, didx, srows0, drows0, srows1, drows1, srows2, drows2,
          srows3, drows3, outv, sem0, sem1, sem2, sem3):
        wid = lax.axis_index("s") * NC + lax.axis_index("c")
        base = wid * PW

        pltpu.sync_copy(src_hbm.at[pl.ds(base, PW)], sidx)
        pltpu.sync_copy(dst_hbm.at[pl.ds(base, PW)], didx)

        def off(t):
            return jnp.minimum(t * W, last_off)

        def issue(t, sb, db, sem):
            o = off(t)
            pltpu.async_copy(x_hbm.at[sidx.at[pl.ds(o, W)]], sb, sem)
            pltpu.async_copy(x_hbm.at[didx.at[pl.ds(o, W)]], db, sem)

        def drain(sb, db, sem):
            pltpu.make_async_copy(x_hbm.at[sidx.at[pl.ds(0, W)]], sb, sem).wait()
            pltpu.make_async_copy(x_hbm.at[didx.at[pl.ds(0, W)]], db, sem).wait()

        def compute(t, sb, db):
            o = off(t)
            lane = lax.broadcasted_iota(jnp.int32, (L,), 0)
            zero = jnp.zeros((L,), jnp.float32)
            ng = W // L
            for g in range(0, ng - 1, 2):
                e0 = lane + (g * L)
                e1 = lane + ((g + 1) * L)

                def body(k, accs):
                    a0, a1 = accs
                    kv = (lane + k) & (D - 1)
                    sv0 = plsc.load_gather(sb, [e0, kv])
                    dv0 = plsc.load_gather(db, [e0, kv])
                    sv1 = plsc.load_gather(sb, [e1, kv])
                    dv1 = plsc.load_gather(db, [e1, kv])
                    return (a0 + sv0 * dv0, a1 + sv1 * dv1)

                acc0, acc1 = lax.fori_loop(0, D, body, (zero, zero),
                                           unroll=8)
                outv[pl.ds(o + g * L, L)] = acc0
                outv[pl.ds(o + (g + 1) * L, L)] = acc1
            if ng % 2:
                g = ng - 1
                e0 = lane + (g * L)

                def body1(k, acc):
                    kv = (lane + k) & (D - 1)
                    sv = plsc.load_gather(sb, [e0, kv])
                    dv = plsc.load_gather(db, [e0, kv])
                    return acc + sv * dv

                acc = lax.fori_loop(0, D, body1, zero, unroll=8)
                outv[pl.ds(o + g * L, L)] = acc

        issue(0, srows0, drows0, sem0)
        issue(1, srows1, drows1, sem1)
        issue(2, srows2, drows2, sem2)

        bufs = ((srows0, drows0, sem0), (srows1, drows1, sem1),
                (srows2, drows2, sem2), (srows3, drows3, sem3))

        @pl.loop(0, NT, step=4)
        def _(t):
            for i in range(4):
                @pl.when(t + i + 3 < NT)
                def _():
                    sb, db, sem = bufs[(i + 3) % 4]
                    issue(t + i + 3, sb, db, sem)

                @pl.when(t + i < NT)
                def _():
                    sb, db, sem = bufs[i]
                    drain(sb, db, sem)
                    compute(t + i, sb, db)

        pltpu.sync_copy(outv, out_hbm.at[pl.ds(base, PW)])

    return k


@jax.jit
def kernel(x, edge_index):
    src = edge_index[0].astype(jnp.int32)
    dst = edge_index[1].astype(jnp.int32)
    return _build_sc_kernel(src.shape[0])(x, src, dst)

# --- scband reference (transcript-rebuilt; emitter-appended) ---
"""Pipeline reference for scband-dot-product-predictor-55070070670009 (READ-ONLY COPY).

The authoritative reference and input builder live on the scoring server;
editing this copy changes nothing except your own understanding.
"""

import jax, jax.numpy as jnp
import numpy as np


def setup_inputs(seed: int = 0) -> dict:
    key = jax.random.key(seed)
    k1, k2 = jax.random.split(key)
    x = jax.random.normal(k1, (10000, 256), dtype=jnp.float32)
    edge_index = jax.random.randint(k2, (2, 160000), 0, 10000, dtype=jnp.int64)
    return {"x": x, "edge_index": edge_index}


def reference(x, edge_index):
    src = edge_index[0]
    dst = edge_index[1]
    # gather endpoint features and compute per-edge dot product
    score = jnp.sum(jnp.take(x, src, axis=0) * jnp.take(x, dst, axis=0), axis=-1)
    return score

if __name__ == "__main__":
    import jax
    _d = setup_inputs()
    print(jax.jit(kernel)(*tuple(_d.values())))

</pallas_src>

<mosaic_0001>
#map = affine_map<(d0, d1) -> (0, 0)>
#map1 = affine_map<(d0, d1) -> (0)>
module attributes {stable_mosaic.version = 14 : i64} {
  func.func @k(%arg0: i32, %arg1: i32, %arg2: memref<10000x256xf32, #tpu.memory_space<hbm>>, %arg3: memref<160000xi32, #tpu.memory_space<hbm>>, %arg4: memref<160000xi32, #tpu.memory_space<hbm>>, %arg5: memref<160000xf32, #tpu.memory_space<hbm>>, %arg6: memref<5000xi32, #tpu.memory_space<vmem>>, %arg7: memref<5000xi32, #tpu.memory_space<vmem>>, %arg8: memref<48x256xf32, #tpu.memory_space<vmem>>, %arg9: memref<48x256xf32, #tpu.memory_space<vmem>>, %arg10: memref<48x256xf32, #tpu.memory_space<vmem>>, %arg11: memref<48x256xf32, #tpu.memory_space<vmem>>, %arg12: memref<48x256xf32, #tpu.memory_space<vmem>>, %arg13: memref<48x256xf32, #tpu.memory_space<vmem>>, %arg14: memref<48x256xf32, #tpu.memory_space<vmem>>, %arg15: memref<48x256xf32, #tpu.memory_space<vmem>>, %arg16: memref<5000xf32, #tpu.memory_space<vmem>>, %arg17: memref<!tpu.dma_semaphore, #tpu.memory_space<semaphore_mem>>, %arg18: memref<!tpu.dma_semaphore, #tpu.memory_space<semaphore_mem>>, %arg19: memref<!tpu.dma_semaphore, #tpu.memory_space<semaphore_mem>>, %arg20: memref<!tpu.dma_semaphore, #tpu.memory_space<semaphore_mem>>) attributes {dimension_semantics = [#tpu.dimension_semantics<core_parallel>, #tpu.dimension_semantics<subcore_parallel>], iteration_bounds = array<i64: 2, 16>, scalar_prefetch = 0 : i64, scratch_operands = 15 : i64, tpu.core_type = #tpu.core_type<sc_vector_subcore>, window_params = [{transform_indices = #map}, {transform_indices = #map1}, {transform_indices = #map1}, {transform_indices = #map1}]} {
    %mul3A = arith.constant 2 : i32
    %mul3A_0 = arith.muli %arg1, %mul3A : i32
    %add3A = arith.addi %mul3A_0, %arg0 : i32
    %mul3A_1 = arith.constant 5000 : i32
    %mul3A_2 = arith.muli %add3A, %mul3A_1 : i32
    "tpu.region"() ({
      %run_scoped3A = tpu.sem_alloc : memref<!tpu.dma_semaphore, #tpu.memory_space<semaphore_mem>>
      %dma_start3A_38 = tpu.memref_slice %arg3[%mul3A_2] : memref<160000xi32, #tpu.memory_space<hbm>> -> memref<5000xi32, #tpu.memory_space<hbm>>
      %dma_start3A_39 = tpu.memref_slice %arg3[%mul3A_2] : memref<160000xi32, #tpu.memory_space<hbm>> -> memref<5000xi32, #tpu.memory_space<hbm>>
      tpu.enqueue_dma source(%dma_start3A_39 : memref<5000xi32, #tpu.memory_space<hbm>>) target(%arg6 : memref<5000xi32, #tpu.memory_space<vmem>>) target_semaphore(%run_scoped3A : memref<!tpu.dma_semaphore, #tpu.memory_space<semaphore_mem>>)
      %dma_wait3A = tpu.memref_slice %arg3[%mul3A_2] : memref<160000xi32, #tpu.memory_space<hbm>> -> memref<5000xi32, #tpu.memory_space<hbm>>
      %dma_wait3A_40 = tpu.memref_slice %arg3[%mul3A_2] : memref<160000xi32, #tpu.memory_space<hbm>> -> memref<5000xi32, #tpu.memory_space<hbm>>
      tpu.wait_dma2 semaphore(%run_scoped3A : memref<!tpu.dma_semaphore, #tpu.memory_space<semaphore_mem>>) src(%dma_wait3A_40 : memref<5000xi32, #tpu.memory_space<hbm>>) dst(%arg6 : memref<5000xi32, #tpu.memory_space<vmem>>)
      tpu.yield
    }) : () -> ()
    "tpu.region"() ({
      %run_scoped3A = tpu.sem_alloc : memref<!tpu.dma_semaphore, #tpu.memory_space<semaphore_mem>>
      %dma_start3A_38 = tpu.memref_slice %arg4[%mul3A_2] : memref<160000xi32, #tpu.memory_space<hbm>> -> memref<5000xi32, #tpu.memory_space<hbm>>
      %dma_start3A_39 = tpu.memref_slice %arg4[%mul3A_2] : memref<160000xi32, #tpu.memory_space<hbm>> -> memref<5000xi32, #tpu.memory_space<hbm>>
      tpu.enqueue_dma source(%dma_start3A_39 : memref<5000xi32, #tpu.memory_space<hbm>>) target(%arg7 : memref<5000xi32, #tpu.memory_space<vmem>>) target_semaphore(%run_scoped3A : memref<!tpu.dma_semaphore, #tpu.memory_space<semaphore_mem>>)
      %dma_wait3A = tpu.memref_slice %arg4[%mul3A_2] : memref<160000xi32, #tpu.memory_space<hbm>> -> memref<5000xi32, #tpu.memory_space<hbm>>
      %dma_wait3A_40 = tpu.memref_slice %arg4[%mul3A_2] : memref<160000xi32, #tpu.memory_space<hbm>> -> memref<5000xi32, #tpu.memory_space<hbm>>
      tpu.wait_dma2 semaphore(%run_scoped3A : memref<!tpu.dma_semaphore, #tpu.memory_space<semaphore_mem>>) src(%dma_wait3A_40 : memref<5000xi32, #tpu.memory_space<hbm>>) dst(%arg7 : memref<5000xi32, #tpu.memory_space<vmem>>)
      tpu.yield
    }) : () -> ()
    %min3A = arith.constant 0 : i32
    %min3A_3 = arith.constant 4952 : i32
    %min3A_4 = arith.minsi %min3A, %min3A_3 : i32
    %dma_start3A = tpu.memref_slice %arg6[%min3A_4] : memref<5000xi32, #tpu.memory_space<vmem>> -> memref<48xi32, #tpu.memory_space<vmem>>
    %dma_start3A_5 = arith.constant 0 : i32
    %dma_start3A_6 = arith.constant 0 : i32
    %dma_start3A_7 = tpu.memref_slice %arg2[%dma_start3A_5, %dma_start3A_6] : memref<10000x256xf32, #tpu.memory_space<hbm>> -> memref<10000x256xf32, #tpu.memory_space<hbm>>
    tpu.enqueue_indirect_dma source(%dma_start3A_7 : memref<10000x256xf32, #tpu.memory_space<hbm>>) target(%arg8 : memref<48x256xf32, #tpu.memory_space<vmem>>) offsets(%dma_start3A : memref<48xi32, #tpu.memory_space<vmem>>) semaphore(%arg17 : memref<!tpu.dma_semaphore, #tpu.memory_space<semaphore_mem>>)
    %dma_start3A_8 = tpu.memref_slice %arg7[%min3A_4] : memref<5000xi32, #tpu.memory_space<vmem>> -> memref<48xi32, #tpu.memory_space<vmem>>
    %dma_start3A_9 = arith.constant 0 : i32
    %dma_start3A_10 = arith.constant 0 : i32
    %dma_start3A_11 = tpu.memref_slice %arg2[%dma_start3A_9, %dma_start3A_10] : memref<10000x256xf32, #tpu.memory_space<hbm>> -> memref<10000x256xf32, #tpu.memory_space<hbm>>
    tpu.enqueue_indirect_dma source(%dma_start3A_11 : memref<10000x256xf32, #tpu.memory_space<hbm>>) target(%arg9 : memref<48x256xf32, #tpu.memory_space<vmem>>) offsets(%dma_start3A_8 : memref<48xi32, #tpu.memory_space<vmem>>) semaphore(%arg17 : memref<!tpu.dma_semaphore, #tpu.memory_space<semaphore_mem>>)
    %min3A_12 = arith.constant 48 : i32
    %min3A_13 = arith.constant 4952 : i32
    %min3A_14 = arith.minsi %min3A_12, %min3A_13 : i32
    %dma_start3A_15 = tpu.memref_slice %arg6[%min3A_14] : memref<5000xi32, #tpu.memory_space<vmem>> -> memref<48xi32, #tpu.memory_space<vmem>>
    %dma_start3A_16 = arith.constant 0 : i32
    %dma_start3A_17 = arith.constant 0 : i32
    %dma_start3A_18 = tpu.memref_slice %arg2[%dma_start3A_16, %dma_start3A_17] : memref<10000x256xf32, #tpu.memory_space<hbm>> -> memref<10000x256xf32, #tpu.memory_space<hbm>>
    tpu.enqueue_indirect_dma source(%dma_start3A_18 : memref<10000x256xf32, #tpu.memory_space<hbm>>) target(%arg10 : memref<48x256xf32, #tpu.memory_space<vmem>>) offsets(%dma_start3A_15 : memref<48xi32, #tpu.memory_space<vmem>>) semaphore(%arg18 : memref<!tpu.dma_semaphore, #tpu.memory_space<semaphore_mem>>)
    %dma_start3A_19 = tpu.memref_slice %arg7[%min3A_14] : memref<5000xi32, #tpu.memory_space<vmem>> -> memref<48xi32, #tpu.memory_space<vmem>>
    %dma_start3A_20 = arith.constant 0 : i32
    %dma_start3A_21 = arith.constant 0 : i32
    %dma_start3A_22 = tpu.memref_slice %arg2[%dma_start3A_20, %dma_start3A_21] : memref<10000x256xf32, #tpu.memory_space<hbm>> -> memref<10000x256xf32, #tpu.memory_space<hbm>>
    tpu.enqueue_indirect_dma source(%dma_start3A_22 : memref<10000x256xf32, #tpu.memory_space<hbm>>) target(%arg11 : memref<48x256xf32, #tpu.memory_space<vmem>>) offsets(%dma_start3A_19 : memref<48xi32, #tpu.memory_space<vmem>>) semaphore(%arg18 : memref<!tpu.dma_semaphore, #tpu.memory_space<semaphore_mem>>)
    %min3A_23 = arith.constant 96 : i32
    %min3A_24 = arith.constant 4952 : i32
    %min3A_25 = arith.minsi %min3A_23, %min3A_24 : i32
    %dma_start3A_26 = tpu.memref_slice %arg6[%min3A_25] : memref<5000xi32, #tpu.memory_space<vmem>> -> memref<48xi32, #tpu.memory_space<vmem>>
    %dma_start3A_27 = arith.constant 0 : i32
    %dma_start3A_28 = arith.constant 0 : i32
    %dma_start3A_29 = tpu.memref_slice %arg2[%dma_start3A_27, %dma_start3A_28] : memref<10000x256xf32, #tpu.memory_space<hbm>> -> memref<10000x256xf32, #tpu.memory_space<hbm>>
    tpu.enqueue_indirect_dma source(%dma_start3A_29 : memref<10000x256xf32, #tpu.memory_space<hbm>>) target(%arg12 : memref<48x256xf32, #tpu.memory_space<vmem>>) offsets(%dma_start3A_26 : memref<48xi32, #tpu.memory_space<vmem>>) semaphore(%arg19 : memref<!tpu.dma_semaphore, #tpu.memory_space<semaphore_mem>>)
    %dma_start3A_30 = tpu.memref_slice %arg7[%min3A_25] : memref<5000xi32, #tpu.memory_space<vmem>> -> memref<48xi32, #tpu.memory_space<vmem>>
    %dma_start3A_31 = arith.constant 0 : i32
    %dma_start3A_32 = arith.constant 0 : i32
    %dma_start3A_33 = tpu.memref_slice %arg2[%dma_start3A_31, %dma_start3A_32] : memref<10000x256xf32, #tpu.memory_space<hbm>> -> memref<10000x256xf32, #tpu.memory_space<hbm>>
    tpu.enqueue_indirect_dma source(%dma_start3A_33 : memref<10000x256xf32, #tpu.memory_space<hbm>>) target(%arg13 : memref<48x256xf32, #tpu.memory_space<vmem>>) offsets(%dma_start3A_30 : memref<48xi32, #tpu.memory_space<vmem>>) semaphore(%arg19 : memref<!tpu.dma_semaphore, #tpu.memory_space<semaphore_mem>>)
    %scan3A = arith.constant 0 : i32
    %scan3A_34 = arith.constant 27 : i32
    %scan3A_35 = arith.addi %scan3A, %scan3A_34 : i32
    %scan3A_36 = arith.constant 1 : i32
    scf.for %scan3A_38 = %scan3A to %scan3A_35 step %scan3A_36  : i32 {
      %mul3A_39 = arith.constant 4 : i32
      %mul3A_40 = arith.muli %scan3A_38, %mul3A_39 : i32
      %add3A_41 = arith.constant 0 : i32
      %add3A_42 = arith.addi %add3A_41, %mul3A_40 : i32
      %add3A_43 = arith.constant 0 : i32
      %add3A_44 = arith.addi %add3A_42, %add3A_43 : i32
      %add3A_45 = arith.constant 3 : i32
      %add3A_46 = arith.addi %add3A_44, %add3A_45 : i32
      %lt3A = arith.constant 105 : i32
      %lt3A_47 = arith.cmpi slt, %add3A_46, %lt3A : i32
      %convert_element_type3A = arith.extui %lt3A_47 : i1 to i32
      %cond3A = arith.constant 0 : i32
      %cond3A_48 = arith.cmpi ne, %convert_element_type3A, %cond3A : i32
      scf.if %cond3A_48 {
        %add3A_104 = arith.constant 0 : i32
        %add3A_105 = arith.addi %add3A_42, %add3A_104 : i32
        %add3A_106 = arith.constant 3 : i32
        %add3A_107 = arith.addi %add3A_105, %add3A_106 : i32
        %mul3A_108 = arith.constant 48 : i32
        %mul3A_109 = arith.muli %add3A_107, %mul3A_108 : i32
        %min3A_110 = arith.constant 4952 : i32
        %min3A_111 = arith.minsi %mul3A_109, %min3A_110 : i32
        %dma_start3A_112 = tpu.memref_slice %arg6[%min3A_111] : memref<5000xi32, #tpu.memory_space<vmem>> -> memref<48xi32, #tpu.memory_space<vmem>>
        %dma_start3A_113 = arith.constant 0 : i32
        %dma_start3A_114 = arith.constant 0 : i32
        %dma_start3A_115 = tpu.memref_slice %arg2[%dma_start3A_113, %dma_start3A_114] : memref<10000x256xf32, #tpu.memory_space<hbm>> -> memref<10000x256xf32, #tpu.memory_space<hbm>>
        tpu.enqueue_indirect_dma source(%dma_start3A_115 : memref<10000x256xf32, #tpu.memory_space<hbm>>) target(%arg14 : memref<48x256xf32, #tpu.memory_space<vmem>>) offsets(%dma_start3A_112 : memref<48xi32, #tpu.memory_space<vmem>>) semaphore(%arg20 : memref<!tpu.dma_semaphore, #tpu.memory_space<semaphore_mem>>)
        %dma_start3A_116 = tpu.memref_slice %arg7[%min3A_111] : memref<5000xi32, #tpu.memory_space<vmem>> -> memref<48xi32, #tpu.memory_space<vmem>>
        %dma_start3A_117 = arith.constant 0 : i32
        %dma_start3A_118 = arith.constant 0 : i32
        %dma_start3A_119 = tpu.memref_slice %arg2[%dma_start3A_117, %dma_start3A_118] : memref<10000x256xf32, #tpu.memory_space<hbm>> -> memref<10000x256xf32, #tpu.memory_space<hbm>>
        tpu.enqueue_indirect_dma source(%dma_start3A_119 : memref<10000x256xf32, #tpu.memory_space<hbm>>) target(%arg15 : memref<48x256xf32, #tpu.memory_space<vmem>>) offsets(%dma_start3A_116 : memref<48xi32, #tpu.memory_space<vmem>>) semaphore(%arg20 : memref<!tpu.dma_semaphore, #tpu.memory_space<semaphore_mem>>)
      } else {
      }
      %add3A_49 = arith.constant 0 : i32
      %add3A_50 = arith.addi %add3A_42, %add3A_49 : i32
      %lt3A_51 = arith.constant 105 : i32
      %lt3A_52 = arith.cmpi slt, %add3A_50, %lt3A_51 : i32
      %convert_element_type3A_53 = arith.extui %lt3A_52 : i1 to i32
      %cond3A_54 = arith.constant 0 : i32
      %cond3A_55 = arith.cmpi ne, %convert_element_type3A_53, %cond3A_54 : i32
      scf.if %cond3A_55 {
        %dma_wait3A = arith.constant 0 : i32
        %dma_wait3A_104 = tpu.memref_slice %arg6[%dma_wait3A] : memref<5000xi32, #tpu.memory_space<vmem>> -> memref<48xi32, #tpu.memory_space<vmem>>
        %dma_wait3A_105 = arith.constant 0 : i32
        %dma_wait3A_106 = arith.constant 0 : i32
        %dma_wait3A_107 = tpu.memref_slice %arg2[%dma_wait3A_105, %dma_wait3A_106] : memref<10000x256xf32, #tpu.memory_space<hbm>> -> memref<10000x256xf32, #tpu.memory_space<hbm>>
        tpu.wait_indirect_dma semaphore(%arg17 : memref<!tpu.dma_semaphore, #tpu.memory_space<semaphore_mem>>) src(%dma_wait3A_107 : memref<10000x256xf32, #tpu.memory_space<hbm>>) dst(%arg8 : memref<48x256xf32, #tpu.memory_space<vmem>>)
        %dma_wait3A_108 = arith.constant 0 : i32
        %dma_wait3A_109 = tpu.memref_slice %arg7[%dma_wait3A_108] : memref<5000xi32, #tpu.memory_space<vmem>> -> memref<48xi32, #tpu.memory_space<vmem>>
        %dma_wait3A_110 = arith.constant 0 : i32
        %dma_wait3A_111 = arith.constant 0 : i32
        %dma_wait3A_112 = tpu.memref_slice %arg2[%dma_wait3A_110, %dma_wait3A_111] : memref<10000x256xf32, #tpu.memory_space<hbm>> -> memref<10000x256xf32, #tpu.memory_space<hbm>>
        tpu.wait_indirect_dma semaphore(%arg17 : memref<!tpu.dma_semaphore, #tpu.memory_space<semaphore_mem>>) src(%dma_wait3A_112 : memref<10000x256xf32, #tpu.memory_space<hbm>>) dst(%arg9 : memref<48x256xf32, #tpu.memory_space<vmem>>)
        %add3A_113 = arith.constant 0 : i32
        %add3A_114 = arith.addi %add3A_42, %add3A_113 : i32
        %mul3A_115 = arith.constant 48 : i32
        %mul3A_116 = arith.muli %add3A_114, %mul3A_115 : i32
        %min3A_117 = arith.constant 4952 : i32
        %min3A_118 = arith.minsi %mul3A_116, %min3A_117 : i32
        %iota3A = tpu.iota {dimensions = array<i32: 0>} : vector<16xi32>
        %broadcast_in_dim3A = arith.constant 0.000000e+00 : f32
        %broadcast_in_dim3A_119 = vector.broadcast %broadcast_in_dim3A : f32 to vector<16xf32>
        %add3A_120 = arith.constant 0 : i32
        %add3A_121 = vector.broadcast %add3A_120 : i32 to vector<16xi32>
        %add3A_122 = arith.addi %iota3A, %add3A_121 : vector<16xi32>
        %add3A_123 = arith.constant 16 : i32
        %add3A_124 = vector.broadcast %add3A_123 : i32 to vector<16xi32>
        %add3A_125 = arith.addi %iota3A, %add3A_124 : vector<16xi32>
        %scan3A_126 = arith.constant 0 : i32
        %scan3A_127 = arith.constant 256 : i32
        %scan3A_128 = arith.addi %scan3A_126, %scan3A_127 : i32
        %scan3A_129 = arith.constant 8 : i32
        %scan3A_130:2 = scf.for %scan3A_152 = %scan3A_126 to %scan3A_128 step %scan3A_129 iter_args(%scan3A_153 = %broadcast_in_dim3A_119, %scan3A_154 = %broadcast_in_dim3A_119) -> (vector<16xf32>, vector<16xf32>)  : i32 {
          %add3A_155 = vector.broadcast %scan3A_152 : i32 to vector<16xi32>
          %add3A_156 = arith.addi %iota3A, %add3A_155 : vector<16xi32>
          %and3A = arith.constant 255 : i32
          %and3A_157 = vector.broadcast %and3A : i32 to vector<16xi32>
          %and3A_158 = arith.andi %add3A_156, %and3A_157 : vector<16xi32>
          %gather3A = tpu.vector_load_idx %arg8[%add3A_122, %and3A_158] : memref<48x256xf32, #tpu.memory_space<vmem>>[vector<16xi32>, vector<16xi32>], vector<16xf32>,
          %gather3A_159 = tpu.vector_load_idx %arg9[%add3A_122, %and3A_158] : memref<48x256xf32, #tpu.memory_space<vmem>>[vector<16xi32>, vector<16xi32>], vector<16xf32>,
          %gather3A_160 = tpu.vector_load_idx %arg8[%add3A_125, %and3A_158] : memref<48x256xf32, #tpu.memory_space<vmem>>[vector<16xi32>, vector<16xi32>], vector<16xf32>,
          %gather3A_161 = tpu.vector_load_idx %arg9[%add3A_125, %and3A_158] : memref<48x256xf32, #tpu.memory_space<vmem>>[vector<16xi32>, vector<16xi32>], vector<16xf32>,
          %mul3A_162 = arith.mulf %gather3A, %gather3A_159 : vector<16xf32>
          %add3A_163 = arith.addf %scan3A_153, %mul3A_162 : vector<16xf32>
          %mul3A_164 = arith.mulf %gather3A_160, %gather3A_161 : vector<16xf32>
          %add3A_165 = arith.addf %scan3A_154, %mul3A_164 : vector<16xf32>
          %scan3A_166 = arith.constant 1 : i32
          %scan3A_167 = arith.addi %scan3A_152, %scan3A_166 : i32
          %add3A_168 = vector.broadcast %scan3A_167 : i32 to vector<16xi32>
          %add3A_169 = arith.addi %iota3A, %add3A_168 : vector<16xi32>
          %and3A_170 = arith.constant 255 : i32
          %and3A_171 = vector.broadcast %and3A_170 : i32 to vector<16xi32>
          %and3A_172 = arith.andi %add3A_169, %and3A_171 : vector<16xi32>
          %gather3A_173 = tpu.vector_load_idx %arg8[%add3A_122, %and3A_172] : memref<48x256xf32, #tpu.memory_space<vmem>>[vector<16xi32>, vector<16xi32>], vector<16xf32>,
          %gather3A_174 = tpu.vector_load_idx %arg9[%add3A_122, %and3A_172] : memref<48x256xf32, #tpu.memory_space<vmem>>[vector<16xi32>, vector<16xi32>], vector<16xf32>,
          %gather3A_175 = tpu.vector_load_idx %arg8[%add3A_125, %and3A_172] : memref<48x256xf32, #tpu.memory_space<vmem>>[vector<16xi32>, vector<16xi32>], vector<16xf32>,
          %gather3A_176 = tpu.vector_load_idx %arg9[%add3A_125, %and3A_172] : memref<48x256xf32, #tpu.memory_space<vmem>>[vector<16xi32>, vector<16xi32>], vector<16xf32>,
          %mul3A_177 = arith.mulf %gather3A_173, %gather3A_174 : vector<16xf32>
          %add3A_178 = arith.addf %add3A_163, %mul3A_177 : vector<16xf32>
          %mul3A_179 = arith.mulf %gather3A_175, %gather3A_176 : vector<16xf32>
          %add3A_180 = arith.addf %add3A_165, %mul3A_179 : vector<16xf32>
          %scan3A_181 = arith.constant 2 : i32
          %scan3A_182 = arith.addi %scan3A_152, %scan3A_181 : i32
          %add3A_183 = vector.broadcast %scan3A_182 : i32 to vector<16xi32>
          %add3A_184 = arith.addi %iota3A, %add3A_183 : vector<16xi32>
          %and3A_185 = arith.constant 255 : i32
          %and3A_186 = vector.broadcast %and3A_185 : i32 to vector<16xi32>
          %and3A_187 = arith.andi %add3A_184, %and3A_186 : vector<16xi32>
          %gather3A_188 = tpu.vector_load_idx %arg8[%add3A_122, %and3A_187] : memref<48x256xf32, #tpu.memory_space<vmem>>[vector<16xi32>, vector<16xi32>], vector<16xf32>,
          %gather3A_189 = tpu.vector_load_idx %arg9[%add3A_122, %and3A_187] : memref<48x256xf32, #tpu.memory_space<vmem>>[vector<16xi32>, vector<16xi32>], vector<16xf32>,
          %gather3A_190 = tpu.vector_load_idx %arg8[%add3A_125, %and3A_187] : memref<48x256xf32, #tpu.memory_space<vmem>>[vector<16xi32>, vector<16xi32>], vector<16xf32>,
          %gather3A_191 = tpu.vector_load_idx %arg9[%add3A_125, %and3A_187] : memref<48x256xf32, #tpu.memory_space<vmem>>[vector<16xi32>, vector<16xi32>], vector<16xf32>,
          %mul3A_192 = arith.mulf %gather3A_188, %gather3A_189 : vector<16xf32>
          %add3A_193 = arith.addf %add3A_178, %mul3A_192 : vector<16xf32>
          %mul3A_194 = arith.mulf %gather3A_190, %gather3A_191 : vector<16xf32>
          %add3A_195 = arith.addf %add3A_180, %mul3A_194 : vector<16xf32>
          %scan3A_196 = arith.constant 3 : i32
          %scan3A_197 = arith.addi %scan3A_152, %scan3A_196 : i32
          %add3A_198 = vector.broadcast %scan3A_197 : i32 to vector<16xi32>
          %add3A_199 = arith.addi %iota3A, %add3A_198 : vector<16xi32>
          %and3A_200 = arith.constant 255 : i32
          %and3A_201 = vector.broadcast %and3A_200 : i32 to vector<16xi32>
          %and3A_202 = arith.andi %add3A_199, %and3A_201 : vector<16xi32>
          %gather3A_203 = tpu.vector_load_idx %arg8[%add3A_122, %and3A_202] : memref<48x256xf32, #tpu.memory_space<vmem>>[vector<16xi32>, vector<16xi32>], vector<16xf32>,
          %gather3A_204 = tpu.vector_load_idx %arg9[%add3A_122, %and3A_202] : memref<48x256xf32, #tpu.memory_space<vmem>>[vector<16xi32>, vector<16xi32>], vector<16xf32>,
          %gather3A_205 = tpu.vector_load_idx %arg8[%add3A_125, %and3A_202] : memref<48x256xf32, #tpu.memory_space<vmem>>[vector<16xi32>, vector<16xi32>], vector<16xf32>,
          %gather3A_206 = tpu.vector_load_idx %arg9[%add3A_125, %and3A_202] : memref<48x256xf32, #tpu.memory_space<vmem>>[vector<16xi32>, vector<16xi32>], vector<16xf32>,
          %mul3A_207 = arith.mulf %gather3A_203, %gather3A_204 : vector<16xf32>
          %add3A_208 = arith.addf %add3A_193, %mul3A_207 : vector<16xf32>
          %mul3A_209 = arith.mulf %gather3A_205, %gather3A_206 : vector<16xf32>
          %add3A_210 = arith.addf %add3A_195, %mul3A_209 : vector<16xf32>
          %scan3A_211 = arith.constant 4 : i32
          %scan3A_212 = arith.addi %scan3A_152, %scan3A_211 : i32
          %add3A_213 = vector.broadcast %scan3A_212 : i32 to vector<16xi32>
          %add3A_214 = arith.addi %iota3A, %add3A_213 : vector<16xi32>
          %and3A_215 = arith.constant 255 : i32
          %and3A_216 = vector.broadcast %and3A_215 : i32 to vector<16xi32>
          %and3A_217 = arith.andi %add3A_214, %and3A_216 : vector<16xi32>
          %gather3A_218 = tpu.vector_load_idx %arg8[%add3A_122, %and3A_217] : memref<48x256xf32, #tpu.memory_space<vmem>>[vector<16xi32>, vector<16xi32>], vector<16xf32>,
          %gather3A_219 = tpu.vector_load_idx %arg9[%add3A_122, %and3A_217] : memref<48x256xf32, #tpu.memory_space<vmem>>[vector<16xi32>, vector<16xi32>], vector<16xf32>,
          %gather3A_220 = tpu.vector_load_idx %arg8[%add3A_125, %and3A_217] : memref<48x256xf32, #tpu.memory_space<vmem>>[vector<16xi32>, vector<16xi32>], vector<16xf32>,
          %gather3A_221 = tpu.vector_load_idx %arg9[%add3A_125, %and3A_217] : memref<48x256xf32, #tpu.memory_space<vmem>>[vector<16xi32>, vector<16xi32>], vector<16xf32>,
          %mul3A_222 = arith.mulf %gather3A_218, %gather3A_219 : vector<16xf32>
          %add3A_223 = arith.addf %add3A_208, %mul3A_222 : vector<16xf32>
          %mul3A_224 = arith.mulf %gather3A_220, %gather3A_221 : vector<16xf32>
          %add3A_225 = arith.addf %add3A_210, %mul3A_224 : vector<16xf32>
          %scan3A_226 = arith.constant 5 : i32
          %scan3A_227 = arith.addi %scan3A_152, %scan3A_226 : i32
          %add3A_228 = vector.broadcast %scan3A_227 : i32 to vector<16xi32>
          %add3A_229 = arith.addi %iota3A, %add3A_228 : vector<16xi32>
          %and3A_230 = arith.constant 255 : i32
          %and3A_231 = vector.broadcast %and3A_230 : i32 to vector<16xi32>
          %and3A_232 = arith.andi %add3A_229, %and3A_231 : vector<16xi32>
          %gather3A_233 = tpu.vector_load_idx %arg8[%add3A_122, %and3A_232] : memref<48x256xf32, #tpu.memory_space<vmem>>[vector<16xi32>, vector<16xi32>], vector<16xf32>,
          %gather3A_234 = tpu.vector_load_idx %arg9[%add3A_122, %and3A_232] : memref<48x256xf32, #tpu.memory_space<vmem>>[vector<16xi32>, vector<16xi32>], vector<16xf32>,
          %gather3A_235 = tpu.vector_load_idx %arg8[%add3A_125, %and3A_232] : memref<48x256xf32, #tpu.memory_space<vmem>>[vector<16xi32>, vector<16xi32>], vector<16xf32>,
          %gather3A_236 = tpu.vector_load_idx %arg9[%add3A_125, %and3A_232] : memref<48x256xf32, #tpu.memory_space<vmem>>[vector<16xi32>, vector<16xi32>], vector<16xf32>,
          %mul3A_237 = arith.mulf %gather3A_233, %gather3A_234 : vector<16xf32>
          %add3A_238 = arith.addf %add3A_223, %mul3A_237 : vector<16xf32>
          %mul3A_239 = arith.mulf %gather3A_235, %gather3A_236 : vector<16xf32>
          %add3A_240 = arith.addf %add3A_225, %mul3A_239 : vector<16xf32>
          %scan3A_241 = arith.constant 6 : i32
          %scan3A_242 = arith.addi %scan3A_152, %scan3A_241 : i32
          %add3A_243 = vector.broadcast %scan3A_242 : i32 to vector<16xi32>
          %add3A_244 = arith.addi %iota3A, %add3A_243 : vector<16xi32>
          %and3A_245 = arith.constant 255 : i32
          %and3A_246 = vector.broadcast %and3A_245 : i32 to vector<16xi32>
          %and3A_247 = arith.andi %add3A_244, %and3A_246 : vector<16xi32>
          %gather3A_248 = tpu.vector_load_idx %arg8[%add3A_122, %and3A_247] : memref<48x256xf32, #tpu.memory_space<vmem>>[vector<16xi32>, vector<16xi32>], vector<16xf32>,
          %gather3A_249 = tpu.vector_load_idx %arg9[%add3A_122, %and3A_247] : memref<48x256xf32, #tpu.memory_space<vmem>>[vector<16xi32>, vector<16xi32>], vector<16xf32>,
          %gather3A_250 = tpu.vector_load_idx %arg8[%add3A_125, %and3A_247] : memref<48x256xf32, #tpu.memory_space<vmem>>[vector<16xi32>, vector<16xi32>], vector<16xf32>,
          %gather3A_251 = tpu.vector_load_idx %arg9[%add3A_125, %and3A_247] : memref<48x256xf32, #tpu.memory_space<vmem>>[vector<16xi32>, vector<16xi32>], vector<16xf32>,
          %mul3A_252 = arith.mulf %gather3A_248, %gather3A_249 : vector<16xf32>
          %add3A_253 = arith.addf %add3A_238, %mul3A_252 : vector<16xf32>
          %mul3A_254 = arith.mulf %gather3A_250, %gather3A_251 : vector<16xf32>
          %add3A_255 = arith.addf %add3A_240, %mul3A_254 : vector<16xf32>
          %scan3A_256 = arith.constant 7 : i32
          %scan3A_257 = arith.addi %scan3A_152, %scan3A_256 : i32
          %add3A_258 = vector.broadcast %scan3A_257 : i32 to vector<16xi32>
          %add3A_259 = arith.addi %iota3A, %add3A_258 : vector<16xi32>
          %and3A_260 = arith.constant 255 : i32
          %and3A_261 = vector.broadcast %and3A_260 : i32 to vector<16xi32>
          %and3A_262 = arith.andi %add3A_259, %and3A_261 : vector<16xi32>
          %gather3A_263 = tpu.vector_load_idx %arg8[%add3A_122, %and3A_262] : memref<48x256xf32, #tpu.memory_space<vmem>>[vector<16xi32>, vector<16xi32>], vector<16xf32>,
          %gather3A_264 = tpu.vector_load_idx %arg9[%add3A_122, %and3A_262] : memref<48x256xf32, #tpu.memory_space<vmem>>[vector<16xi32>, vector<16xi32>], vector<16xf32>,
          %gather3A_265 = tpu.vector_load_idx %arg8[%add3A_125, %and3A_262] : memref<48x256xf32, #tpu.memory_space<vmem>>[vector<16xi32>, vector<16xi32>], vector<16xf32>,
          %gather3A_266 = tpu.vector_load_idx %arg9[%add3A_125, %and3A_262] : memref<48x256xf32, #tpu.memory_space<vmem>>[vector<16xi32>, vector<16xi32>], vector<16xf32>,
          %mul3A_267 = arith.mulf %gather3A_263, %gather3A_264 : vector<16xf32>
          %add3A_268 = arith.addf %add3A_253, %mul3A_267 : vector<16xf32>
          %mul3A_269 = arith.mulf %gather3A_265, %gather3A_266 : vector<16xf32>
          %add3A_270 = arith.addf %add3A_255, %mul3A_269 : vector<16xf32>
          scf.yield %add3A_268, %add3A_270 : vector<16xf32>, vector<16xf32>
        }
        %scan3A_131 = arith.constant 256 : i32
        %add3A_132 = arith.constant 0 : i32
        %add3A_133 = arith.addi %min3A_118, %add3A_132 : i32
        %swap3A = arith.index_cast %add3A_133 : i32 to index
        %swap3A_134 = tpu.vector_load %arg16[%swap3A] {strides = array<i32>} : memref<5000xf32, #tpu.memory_space<vmem>>, vector<16xf32>,
        tpu.vector_store %arg16[%swap3A], %scan3A_130#0 {strides = array<i32>} : memref<5000xf32, #tpu.memory_space<vmem>>, vector<16xf32>,
        %add3A_135 = arith.constant 16 : i32
        %add3A_136 = arith.addi %min3A_118, %add3A_135 : i32
        %swap3A_137 = arith.index_cast %add3A_136 : i32 to index
        %swap3A_138 = tpu.vector_load %arg16[%swap3A_137] {strides = array<i32>} : memref<5000xf32, #tpu.memory_space<vmem>>, vector<16xf32>,
        tpu.vector_store %arg16[%swap3A_137], %scan3A_130#1 {strides = array<i32>} : memref<5000xf32, #tpu.memory_space<vmem>>, vector<16xf32>,
        %add3A_139 = arith.constant 32 : i32
        %add3A_140 = vector.broadcast %add3A_139 : i32 to vector<16xi32>
        %add3A_141 = arith.addi %iota3A, %add3A_140 : vector<16xi32>
        %scan3A_142 = arith.constant 0 : i32
        %scan3A_143 = arith.constant 256 : i32
        %scan3A_144 = arith.addi %scan3A_142, %scan3A_143 : i32
        %scan3A_145 = arith.constant 8 : i32
        %scan3A_146 = scf.for %scan3A_152 = %scan3A_142 to %scan3A_144 step %scan3A_145 iter_args(%scan3A_153 = %broadcast_in_dim3A_119) -> (vector<16xf32>)  : i32 {
          %add3A_154 = vector.broadcast %scan3A_152 : i32 to vector<16xi32>
          %add3A_155 = arith.addi %iota3A, %add3A_154 : vector<16xi32>
          %and3A = arith.constant 255 : i32
          %and3A_156 = vector.broadcast %and3A : i32 to vector<16xi32>
          %and3A_157 = arith.andi %add3A_155, %and3A_156 : vector<16xi32>
          %gather3A = tpu.vector_load_idx %arg8[%add3A_141, %and3A_157] : memref<48x256xf32, #tpu.memory_space<vmem>>[vector<16xi32>, vector<16xi32>], vector<16xf32>,
          %gather3A_158 = tpu.vector_load_idx %arg9[%add3A_141, %and3A_157] : memref<48x256xf32, #tpu.memory_space<vmem>>[vector<16xi32>, vector<16xi32>], vector<16xf32>,
          %mul3A_159 = arith.mulf %gather3A, %gather3A_158 : vector<16xf32>
          %add3A_160 = arith.addf %scan3A_153, %mul3A_159 : vector<16xf32>
          %scan3A_161 = arith.constant 1 : i32
          %scan3A_162 = arith.addi %scan3A_152, %scan3A_161 : i32
          %add3A_163 = vector.broadcast %scan3A_162 : i32 to vector<16xi32>
          %add3A_164 = arith.addi %iota3A, %add3A_163 : vector<16xi32>
          %and3A_165 = arith.constant 255 : i32
          %and3A_166 = vector.broadcast %and3A_165 : i32 to vector<16xi32>
          %and3A_167 = arith.andi %add3A_164, %and3A_166 : vector<16xi32>
          %gather3A_168 = tpu.vector_load_idx %arg8[%add3A_141, %and3A_167] : memref<48x256xf32, #tpu.memory_space<vmem>>[vector<16xi32>, vector<16xi32>], vector<16xf32>,
          %gather3A_169 = tpu.vector_load_idx %arg9[%add3A_141, %and3A_167] : memref<48x256xf32, #tpu.memory_space<vmem>>[vector<16xi32>, vector<16xi32>], vector<16xf32>,
          %mul3A_170 = arith.mulf %gather3A_168, %gather3A_169 : vector<16xf32>
          %add3A_171 = arith.addf %add3A_160, %mul3A_170 : vector<16xf32>
          %scan3A_172 = arith.constant 2 : i32
          %scan3A_173 = arith.addi %scan3A_152, %scan3A_172 : i32
          %add3A_174 = vector.broadcast %scan3A_173 : i32 to vector<16xi32>
          %add3A_175 = arith.addi %iota3A, %add3A_174 : vector<16xi32>
          %and3A_176 = arith.constant 255 : i32
          %and3A_177 = vector.broadcast %and3A_176 : i32 to vector<16xi32>
          %and3A_178 = arith.andi %add3A_175, %and3A_177 : vector<16xi32>
          %gather3A_179 = tpu.vector_load_idx %arg8[%add3A_141, %and3A_178] : memref<48x256xf32, #tpu.memory_space<vmem>>[vector<16xi32>, vector<16xi32>], vector<16xf32>,
          %gather3A_180 = tpu.vector_load_idx %arg9[%add3A_141, %and3A_178] : memref<48x256xf32, #tpu.memory_space<vmem>>[vector<16xi32>, vector<16xi32>], vector<16xf32>,
          %mul3A_181 = arith.mulf %gather3A_179, %gather3A_180 : vector<16xf32>
          %add3A_182 = arith.addf %add3A_171, %mul3A_181 : vector<16xf32>
          %scan3A_183 = arith.constant 3 : i32
          %scan3A_184 = arith.addi %scan3A_152, %scan3A_183 : i32
          %add3A_185 = vector.broadcast %scan3A_184 : i32 to vector<16xi32>
          %add3A_186 = arith.addi %iota3A, %add3A_185 : vector<16xi32>
          %and3A_187 = arith.constant 255 : i32
          %and3A_188 = vector.broadcast %and3A_187 : i32 to vector<16xi32>
          %and3A_189 = arith.andi %add3A_186, %and3A_188 : vector<16xi32>
          %gather3A_190 = tpu.vector_load_idx %arg8[%add3A_141, %and3A_189] : memref<48x256xf32, #tpu.memory_space<vmem>>[vector<16xi32>, vector<16xi32>], vector<16xf32>,
          %gather3A_191 = tpu.vector_load_idx %arg9[%add3A_141, %and3A_189] : memref<48x256xf32, #tpu.memory_space<vmem>>[vector<16xi32>, vector<16xi32>], vector<16xf32>,
          %mul3A_192 = arith.mulf %gather3A_190, %gather3A_191 : vector<16xf32>
          %add3A_193 = arith.addf %add3A_182, %mul3A_192 : vector<16xf32>
          %scan3A_194 = arith.constant 4 : i32
          %scan3A_195 = arith.addi %scan3A_152, %scan3A_194 : i32
          %add3A_196 = vector.broadcast %scan3A_195 : i32 to vector<16xi32>
          %add3A_197 = arith.addi %iota3A, %add3A_196 : vector<16xi32>
          %and3A_198 = arith.constant 255 : i32
          %and3A_199 = vector.broadcast %and3A_198 : i32 to vector<16xi32>
          %and3A_200 = arith.andi %add3A_197, %and3A_199 : vector<16xi32>
          %gather3A_201 = tpu.vector_load_idx %arg8[%add3A_141, %and3A_200] : memref<48x256xf32, #tpu.memory_space<vmem>>[vector<16xi32>, vector<16xi32>], vector<16xf32>,
          %gather3A_202 = tpu.vector_load_idx %arg9[%add3A_141, %and3A_200] : memref<48x256xf32, #tpu.memory_space<vmem>>[vector<16xi32>, vector<16xi32>], vector<16xf32>,
          %mul3A_203 = arith.mulf %gather3A_201, %gather3A_202 : vector<16xf32>
          %add3A_204 = arith.addf %add3A_193, %mul3A_203 : vector<16xf32>
          %scan3A_205 = arith.constant 5 : i32
          %scan3A_206 = arith.addi %scan3A_152, %scan3A_205 : i32
          %add3A_207 = vector.broadcast %scan3A_206 : i32 to vector<16xi32>
          %add3A_208 = arith.addi %iota3A, %add3A_207 : vector<16xi32>
          %and3A_209 = arith.constant 255 : i32
          %and3A_210 = vector.broadcast %and3A_209 : i32 to vector<16xi32>
          %and3A_211 = arith.andi %add3A_208, %and3A_210 : vector<16xi32>
          %gather3A_212 = tpu.vector_load_idx %arg8[%add3A_141, %and3A_211] : memref<48x256xf32, #tpu.memory_space<vmem>>[vector<16xi32>, vector<16xi32>], vector<16xf32>,
          %gather3A_213 = tpu.vector_load_idx %arg9[%add3A_141, %and3A_211] : memref<48x256xf32, #tpu.memory_space<vmem>>[vector<16xi32>, vector<16xi32>], vector<16xf32>,
          %mul3A_214 = arith.mulf %gather3A_212, %gather3A_213 : vector<16xf32>
          %add3A_215 = arith.addf %add3A_204, %mul3A_214 : vector<16xf32>
          %scan3A_216 = arith.constant 6 : i32
          %scan3A_217 = arith.addi %scan3A_152, %scan3A_216 : i32
          %add3A_218 = vector.broadcast %scan3A_217 : i32 to vector<16xi32>
          %add3A_219 = arith.addi %iota3A, %add3A_218 : vector<16xi32>
          %and3A_220 = arith.constant 255 : i32
          %and3A_221 = vector.broadcast %and3A_220 : i32 to vector<16xi32>
          %and3A_222 = arith.andi %add3A_219, %and3A_221 : vector<16xi32>
          %gather3A_223 = tpu.vector_load_idx %arg8[%add3A_141, %and3A_222] : memref<48x256xf32, #tpu.memory_space<vmem>>[vector<16xi32>, vector<16xi32>], vector<16xf32>,
          %gather3A_224 = tpu.vector_load_idx %arg9[%add3A_141, %and3A_222] : memref<48x256xf32, #tpu.memory_space<vmem>>[vector<16xi32>, vector<16xi32>], vector<16xf32>,
          %mul3A_225 = arith.mulf %gather3A_223, %gather3A_224 : vector<16xf32>
          %add3A_226 = arith.addf %add3A_215, %mul3A_225 : vector<16xf32>
          %scan3A_227 = arith.constant 7 : i32
          %scan3A_228 = arith.addi %scan3A_152, %scan3A_227 : i32
          %add3A_229 = vector.broadcast %scan3A_228 : i32 to vector<16xi32>
          %add3A_230 = arith.addi %iota3A, %add3A_229 : vector<16xi32>
          %and3A_231 = arith.constant 255 : i32
          %and3A_232 = vector.broadcast %and3A_231 : i32 to vector<16xi32>
          %and3A_233 = arith.andi %add3A_230, %and3A_232 : vector<16xi32>
          %gather3A_234 = tpu.vector_load_idx %arg8[%add3A_141, %and3A_233] : memref<48x256xf32, #tpu.memory_space<vmem>>[vector<16xi32>, vector<16xi32>], vector<16xf32>,
          %gather3A_235 = tpu.vector_load_idx %arg9[%add3A_141, %and3A_233] : memref<48x256xf32, #tpu.memory_space<vmem>>[vector<16xi32>, vector<16xi32>], vector<16xf32>,
          %mul3A_236 = arith.mulf %gather3A_234, %gather3A_235 : vector<16xf32>
          %add3A_237 = arith.addf %add3A_226, %mul3A_236 : vector<16xf32>
          scf.yield %add3A_237 : vector<16xf32>
        }
        %scan3A_147 = arith.constant 256 : i32
        %add3A_148 = arith.constant 32 : i32
        %add3A_149 = arith.addi %min3A_118, %add3A_148 : i32
        %swap3A_150 = arith.index_cast %add3A_149 : i32 to index
        %swap3A_151 = tpu.vector_load %arg16[%swap3A_150] {strides = array<i32>} : memref<5000xf32, #tpu.memory_space<vmem>>, vector<16xf32>,
        tpu.vector_store %arg16[%swap3A_150], %scan3A_146 {strides = array<i32>} : memref<5000xf32, #tpu.memory_space<vmem>>, vector<16xf32>,
      } else {
      }
      %add3A_56 = arith.constant 1 : i32
      %add3A_57 = arith.addi %add3A_42, %add3A_56 : i32
      %add3A_58 = arith.constant 3 : i32
      %add3A_59 = arith.addi %add3A_57, %add3A_58 : i32
      %lt3A_60 = arith.constant 105 : i32
      %lt3A_61 = arith.cmpi slt, %add3A_59, %lt3A_60 : i32
      %convert_element_type3A_62 = arith.extui %lt3A_61 : i1 to i32
      %cond3A_63 = arith.constant 0 : i32
      %cond3A_64 = arith.cmpi ne, %convert_element_type3A_62, %cond3A_63 : i32
      scf.if %cond3A_64 {
        %add3A_104 = arith.constant 1 : i32
        %add3A_105 = arith.addi %add3A_42, %add3A_104 : i32
        %add3A_106 = arith.constant 3 : i32
        %add3A_107 = arith.addi %add3A_105, %add3A_106 : i32
        %mul3A_108 = arith.constant 48 : i32
        %mul3A_109 = arith.muli %add3A_107, %mul3A_108 : i32
        %min3A_110 = arith.constant 4952 : i32
        %min3A_111 = arith.minsi %mul3A_109, %min3A_110 : i32
        %dma_start3A_112 = tpu.memref_slice %arg6[%min3A_111] : memref<5000xi32, #tpu.memory_space<vmem>> -> memref<48xi32, #tpu.memory_space<vmem>>
        %dma_start3A_113 = arith.constant 0 : i32
        %dma_start3A_114 = arith.constant 0 : i32
        %dma_start3A_115 = tpu.memref_slice %arg2[%dma_start3A_113, %dma_start3A_114] : memref<10000x256xf32, #tpu.memory_space<hbm>> -> memref<10000x256xf32, #tpu.memory_space<hbm>>
        tpu.enqueue_indirect_dma source(%dma_start3A_115 : memref<10000x256xf32, #tpu.memory_space<hbm>>) target(%arg8 : memref<48x256xf32, #tpu.memory_space<vmem>>) offsets(%dma_start3A_112 : memref<48xi32, #tpu.memory_space<vmem>>) semaphore(%arg17 : memref<!tpu.dma_semaphore, #tpu.memory_space<semaphore_mem>>)
        %dma_start3A_116 = tpu.memref_slice %arg7[%min3A_111] : memref<5000xi32, #tpu.memory_space<vmem>> -> memref<48xi32, #tpu.memory_space<vmem>>
        %dma_start3A_117 = arith.constant 0 : i32
        %dma_start3A_118 = arith.constant 0 : i32
        %dma_start3A_119 = tpu.memref_slice %arg2[%dma_start3A_117, %dma_start3A_118] : memref<10000x256xf32, #tpu.memory_space<hbm>> -> memref<10000x256xf32, #tpu.memory_space<hbm>>
        tpu.enqueue_indirect_dma source(%dma_start3A_119 : memref<10000x256xf32, #tpu.memory_space<hbm>>) target(%arg9 : memref<48x256xf32, #tpu.memory_space<vmem>>) offsets(%dma_start3A_116 : memref<48xi32, #tpu.memory_space<vmem>>) semaphore(%arg17 : memref<!tpu.dma_semaphore, #tpu.memory_space<semaphore_mem>>)
      } else {
      }
      %add3A_65 = arith.constant 1 : i32
      %add3A_66 = arith.addi %add3A_42, %add3A_65 : i32
      %lt3A_67 = arith.constant 105 : i32
      %lt3A_68 = arith.cmpi slt, %add3A_66, %lt3A_67 : i32
      %convert_element_type3A_69 = arith.extui %lt3A_68 : i1 to i32
      %cond3A_70 = arith.constant 0 : i32
      %cond3A_71 = arith.cmpi ne, %convert_element_type3A_69, %cond3A_70 : i32
      scf.if %cond3A_71 {
        %dma_wait3A = arith.constant 0 : i32
        %dma_wait3A_104 = tpu.memref_slice %arg6[%dma_wait3A] : memref<5000xi32, #tpu.memory_space<vmem>> -> memref<48xi32, #tpu.memory_space<vmem>>
        %dma_wait3A_105 = arith.constant 0 : i32
        %dma_wait3A_106 = arith.constant 0 : i32
        %dma_wait3A_107 = tpu.memref_slice %arg2[%dma_wait3A_105, %dma_wait3A_106] : memref<10000x256xf32, #tpu.memory_space<hbm>> -> memref<10000x256xf32, #tpu.memory_space<hbm>>
        tpu.wait_indirect_dma semaphore(%arg18 : memref<!tpu.dma_semaphore, #tpu.memory_space<semaphore_mem>>) src(%dma_wait3A_107 : memref<10000x256xf32, #tpu.memory_space<hbm>>) dst(%arg10 : memref<48x256xf32, #tpu.memory_space<vmem>>)
        %dma_wait3A_108 = arith.constant 0 : i32
        %dma_wait3A_109 = tpu.memref_slice %arg7[%dma_wait3A_108] : memref<5000xi32, #tpu.memory_space<vmem>> -> memref<48xi32, #tpu.memory_space<vmem>>
        %dma_wait3A_110 = arith.constant 0 : i32
        %dma_wait3A_111 = arith.constant 0 : i32
        %dma_wait3A_112 = tpu.memref_slice %arg2[%dma_wait3A_110, %dma_wait3A_111] : memref<10000x256xf32, #tpu.memory_space<hbm>> -> memref<10000x256xf32, #tpu.memory_space<hbm>>
        tpu.wait_indirect_dma semaphore(%arg18 : memref<!tpu.dma_semaphore, #tpu.memory_space<semaphore_mem>>) src(%dma_wait3A_112 : memref<10000x256xf32, #tpu.memory_space<hbm>>) dst(%arg11 : memref<48x256xf32, #tpu.memory_space<vmem>>)
        %add3A_113 = arith.constant 1 : i32
        %add3A_114 = arith.addi %add3A_42, %add3A_113 : i32
        %mul3A_115 = arith.constant 48 : i32
        %mul3A_116 = arith.muli %add3A_114, %mul3A_115 : i32
        %min3A_117 = arith.constant 4952 : i32
        %min3A_118 = arith.minsi %mul3A_116, %min3A_117 : i32
        %iota3A = tpu.iota {dimensions = array<i32: 0>} : vector<16xi32>
        %broadcast_in_dim3A = arith.constant 0.000000e+00 : f32
        %broadcast_in_dim3A_119 = vector.broadcast %broadcast_in_dim3A : f32 to vector<16xf32>
        %add3A_120 = arith.constant 0 : i32
        %add3A_121 = vector.broadcast %add3A_120 : i32 to vector<16xi32>
        %add3A_122 = arith.addi %iota3A, %add3A_121 : vector<16xi32>
        %add3A_123 = arith.constant 16 : i32
        %add3A_124 = vector.broadcast %add3A_123 : i32 to vector<16xi32>
        %add3A_125 = arith.addi %iota3A, %add3A_124 : vector<16xi32>
        %scan3A_126 = arith.constant 0 : i32
        %scan3A_127 = arith.constant 256 : i32
        %scan3A_128 = arith.addi %scan3A_126, %scan3A_127 : i32
        %scan3A_129 = arith.constant 8 : i32
        %scan3A_130:2 = scf.for %scan3A_152 = %scan3A_126 to %scan3A_128 step %scan3A_129 iter_args(%scan3A_153 = %broadcast_in_dim3A_119, %scan3A_154 = %broadcast_in_dim3A_119) -> (vector<16xf32>, vector<16xf32>)  : i32 {
          %add3A_155 = vector.broadcast %scan3A_152 : i32 to vector<16xi32>
          %add3A_156 = arith.addi %iota3A, %add3A_155 : vector<16xi32>
          %and3A = arith.constant 255 : i32
          %and3A_157 = vector.broadcast %and3A : i32 to vector<16xi32>
          %and3A_158 = arith.andi %add3A_156, %and3A_157 : vector<16xi32>
          %gather3A = tpu.vector_load_idx %arg10[%add3A_122, %and3A_158] : memref<48x256xf32, #tpu.memory_space<vmem>>[vector<16xi32>, vector<16xi32>], vector<16xf32>,
          %gather3A_159 = tpu.vector_load_idx %arg11[%add3A_122, %and3A_158] : memref<48x256xf32, #tpu.memory_space<vmem>>[vector<16xi32>, vector<16xi32>], vector<16xf32>,
          %gather3A_160 = tpu.vector_load_idx %arg10[%add3A_125, %and3A_158] : memref<48x256xf32, #tpu.memory_space<vmem>>[vector<16xi32>, vector<16xi32>], vector<16xf32>,
          %gather3A_161 = tpu.vector_load_idx %arg11[%add3A_125, %and3A_158] : memref<48x256xf32, #tpu.memory_space<vmem>>[vector<16xi32>, vector<16xi32>], vector<16xf32>,
          %mul3A_162 = arith.mulf %gather3A, %gather3A_159 : vector<16xf32>
          %add3A_163 = arith.addf %scan3A_153, %mul3A_162 : vector<16xf32>
          %mul3A_164 = arith.mulf %gather3A_160, %gather3A_161 : vector<16xf32>
          %add3A_165 = arith.addf %scan3A_154, %mul3A_164 : vector<16xf32>
          %scan3A_166 = arith.constant 1 : i32
          %scan3A_167 = arith.addi %scan3A_152, %scan3A_166 : i32
          %add3A_168 = vector.broadcast %scan3A_167 : i32 to vector<16xi32>
          %add3A_169 = arith.addi %iota3A, %add3A_168 : vector<16xi32>
          %and3A_170 = arith.constant 255 : i32
          %and3A_171 = vector.broadcast %and3A_170 : i32 to vector<16xi32>
          %and3A_172 = arith.andi %add3A_169, %and3A_171 : vector<16xi32>
          %gather3A_173 = tpu.vector_load_idx %arg10[%add3A_122, %and3A_172] : memref<48x256xf32, #tpu.memory_space<vmem>>[vector<16xi32>, vector<16xi32>], vector<16xf32>,
          %gather3A_174 = tpu.vector_load_idx %arg11[%add3A_122, %and3A_172] : memref<48x256xf32, #tpu.memory_space<vmem>>[vector<16xi32>, vector<16xi32>], vector<16xf32>,
          %gather3A_175 = tpu.vector_load_idx %arg10[%add3A_125, %and3A_172] : memref<48x256xf32, #tpu.memory_space<vmem>>[vector<16xi32>, vector<16xi32>], vector<16xf32>,
          %gather3A_176 = tpu.vector_load_idx %arg11[%add3A_125, %and3A_172] : memref<48x256xf32, #tpu.memory_space<vmem>>[vector<16xi32>, vector<16xi32>], vector<16xf32>,
          %mul3A_177 = arith.mulf %gather3A_173, %gather3A_174 : vector<16xf32>
          %add3A_178 = arith.addf %add3A_163, %mul3A_177 : vector<16xf32>
          %mul3A_179 = arith.mulf %gather3A_175, %gather3A_176 : vector<16xf32>
          %add3A_180 = arith.addf %add3A_165, %mul3A_179 : vector<16xf32>
          %scan3A_181 = arith.constant 2 : i32
          %scan3A_182 = arith.addi %scan3A_152, %scan3A_181 : i32
          %add3A_183 = vector.broadcast %scan3A_182 : i32 to vector<16xi32>
          %add3A_184 = arith.addi %iota3A, %add3A_183 : vector<16xi32>
          %and3A_185 = arith.constant 255 : i32
          %and3A_186 = vector.broadcast %and3A_185 : i32 to vector<16xi32>
          %and3A_187 = arith.andi %add3A_184, %and3A_186 : vector<16xi32>
          %gather3A_188 = tpu.vector_load_idx %arg10[%add3A_122, %and3A_187] : memref<48x256xf32, #tpu.memory_space<vmem>>[vector<16xi32>, vector<16xi32>], vector<16xf32>,
          %gather3A_189 = tpu.vector_load_idx %arg11[%add3A_122, %and3A_187] : memref<48x256xf32, #tpu.memory_space<vmem>>[vector<16xi32>, vector<16xi32>], vector<16xf32>,
          %gather3A_190 = tpu.vector_load_idx %arg10[%add3A_125, %and3A_187] : memref<48x256xf32, #tpu.memory_space<vmem>>[vector<16xi32>, vector<16xi32>], vector<16xf32>,
          %gather3A_191 = tpu.vector_load_idx %arg11[%add3A_125, %and3A_187] : memref<48x256xf32, #tpu.memory_space<vmem>>[vector<16xi32>, vector<16xi32>], vector<16xf32>,
          %mul3A_192 = arith.mulf %gather3A_188, %gather3A_189 : vector<16xf32>
          %add3A_193 = arith.addf %add3A_178, %mul3A_192 : vector<16xf32>
          %mul3A_194 = arith.mulf %gather3A_190, %gather3A_191 : vector<16xf32>
          %add3A_195 = arith.addf %add3A_180, %mul3A_194 : vector<16xf32>
          %scan3A_196 = arith.constant 3 : i32
          %scan3A_197 = arith.addi %scan3A_152, %scan3A_196 : i32
          %add3A_198 = vector.broadcast %scan3A_197 : i32 to vector<16xi32>
          %add3A_199 = arith.addi %iota3A, %add3A_198 : vector<16xi32>
          %and3A_200 = arith.constant 255 : i32
          %and3A_201 = vector.broadcast %and3A_200 : i32 to vector<16xi32>
          %and3A_202 = arith.andi %add3A_199, %and3A_201 : vector<16xi32>
          %gather3A_203 = tpu.vector_load_idx %arg10[%add3A_122, %and3A_202] : memref<48x256xf32, #tpu.memory_space<vmem>>[vector<16xi32>, vector<16xi32>], vector<16xf32>,
          %gather3A_204 = tpu.vector_load_idx %arg11[%add3A_122, %and3A_202] : memref<48x256xf32, #tpu.memory_space<vmem>>[vector<16xi32>, vector<16xi32>], vector<16xf32>,
          %gather3A_205 = tpu.vector_load_idx %arg10[%add3A_125, %and3A_202] : memref<48x256xf32, #tpu.memory_space<vmem>>[vector<16xi32>, vector<16xi32>], vector<16xf32>,
          %gather3A_206 = tpu.vector_load_idx %arg11[%add3A_125, %and3A_202] : memref<48x256xf32, #tpu.memory_space<vmem>>[vector<16xi32>, vector<16xi32>], vector<16xf32>,
          %mul3A_207 = arith.mulf %gather3A_203, %gather3A_204 : vector<16xf32>
          %add3A_208 = arith.addf %add3A_193, %mul3A_207 : vector<16xf32>
          %mul3A_209 = arith.mulf %gather3A_205, %gather3A_206 : vector<16xf32>
          %add3A_210 = arith.addf %add3A_195, %mul3A_209 : vector<16xf32>
          %scan3A_211 = arith.constant 4 : i32
          %scan3A_212 = arith.addi %scan3A_152, %scan3A_211 : i32
          %add3A_213 = vector.broadcast %scan3A_212 : i32 to vector<16xi32>
          %add3A_214 = arith.addi %iota3A, %add3A_213 : vector<16xi32>
          %and3A_215 = arith.constant 255 : i32
          %and3A_216 = vector.broadcast %and3A_215 : i32 to vector<16xi32>
          %and3A_217 = arith.andi %add3A_214, %and3A_216 : vector<16xi32>
          %gather3A_218 = tpu.vector_load_idx %arg10[%add3A_122, %and3A_217] : memref<48x256xf32, #tpu.memory_space<vmem>>[vector<16xi32>, vector<16xi32>], vector<16xf32>,
          %gather3A_219 = tpu.vector_load_idx %arg11[%add3A_122, %and3A_217] : memref<48x256xf32, #tpu.memory_space<vmem>>[vector<16xi32>, vector<16xi32>], vector<16xf32>,
          %gather3A_220 = tpu.vector_load_idx %arg10[%add3A_125, %and3A_217] : memref<48x256xf32, #tpu.memory_space<vmem>>[vector<16xi32>, vector<16xi32>], vector<16xf32>,
          %gather3A_221 = tpu.vector_load_idx %arg11[%add3A_125, %and3A_217] : memref<48x256xf32, #tpu.memory_space<vmem>>[vector<16xi32>, vector<16xi32>], vector<16xf32>,
          %mul3A_222 = arith.mulf %gather3A_218, %gather3A_219 : vector<16xf32>
          %add3A_223 = arith.addf %add3A_208, %mul3A_222 : vector<16xf32>
          %mul3A_224 = arith.mulf %gather3A_220, %gather3A_221 : vector<16xf32>
          %add3A_225 = arith.addf %add3A_210, %mul3A_224 : vector<16xf32>
          %scan3A_226 = arith.constant 5 : i32
          %scan3A_227 = arith.addi %scan3A_152, %scan3A_226 : i32
          %add3A_228 = vector.broadcast %scan3A_227 : i32 to vector<16xi32>
          %add3A_229 = arith.addi %iota3A, %add3A_228 : vector<16xi32>
          %and3A_230 = arith.constant 255 : i32
          %and3A_231 = vector.broadcast %and3A_230 : i32 to vector<16xi32>
          %and3A_232 = arith.andi %add3A_229, %and3A_231 : vector<16xi32>
          %gather3A_233 = tpu.vector_load_idx %arg10[%add3A_122, %and3A_232] : memref<48x256xf32, #tpu.memory_space<vmem>>[vector<16xi32>, vector<16xi32>], vector<16xf32>,
          %gather3A_234 = tpu.vector_load_idx %arg11[%add3A_122, %and3A_232] : memref<48x256xf32, #tpu.memory_space<vmem>>[vector<16xi32>, vector<16xi32>], vector<16xf32>,
          %gather3A_235 = tpu.vector_load_idx %arg10[%add3A_125, %and3A_232] : memref<48x256xf32, #tpu.memory_space<vmem>>[vector<16xi32>, vector<16xi32>], vector<16xf32>,
          %gather3A_236 = tpu.vector_load_idx %arg11[%add3A_125, %and3A_232] : memref<48x256xf32, #tpu.memory_space<vmem>>[vector<16xi32>, vector<16xi32>], vector<16xf32>,
          %mul3A_237 = arith.mulf %gather3A_233, %gather3A_234 : vector<16xf32>
          %add3A_238 = arith.addf %add3A_223, %mul3A_237 : vector<16xf32>
          %mul3A_239 = arith.mulf %gather3A_235, %gather3A_236 : vector<16xf32>
          %add3A_240 = arith.addf %add3A_225, %mul3A_239 : vector<16xf32>
          %scan3A_241 = arith.constant 6 : i32
          %scan3A_242 = arith.addi %scan3A_152, %scan3A_241 : i32
          %add3A_243 = vector.broadcast %scan3A_242 : i32 to vector<16xi32>
          %add3A_244 = arith.addi %iota3A, %add3A_243 : vector<16xi32>
          %and3A_245 = arith.constant 255 : i32
          %and3A_246 = vector.broadcast %and3A_245 : i32 to vector<16xi32>
          %and3A_247 = arith.andi %add3A_244, %and3A_246 : vector<16xi32>
          %gather3A_248 = tpu.vector_load_idx %arg10[%add3A_122, %and3A_247] : memref<48x256xf32, #tpu.memory_space<vmem>>[vector<16xi32>, vector<16xi32>], vector<16xf32>,
          %gather3A_249 = tpu.vector_load_idx %arg11[%add3A_122, %and3A_247] : memref<48x256xf32, #tpu.memory_space<vmem>>[vector<16xi32>, vector<16xi32>], vector<16xf32>,
          %gather3A_250 = tpu.vector_load_idx %arg10[%add3A_125, %and3A_247] : memref<48x256xf32, #tpu.memory_space<vmem>>[vector<16xi32>, vector<16xi32>], vector<16xf32>,
          %gather3A_251 = tpu.vector_load_idx %arg11[%add3A_125, %and3A_247] : memref<48x256xf32, #tpu.memory_space<vmem>>[vector<16xi32>, vector<16xi32>], vector<16xf32>,
          %mul3A_252 = arith.mulf %gather3A_248, %gather3A_249 : vector<16xf32>
          %add3A_253 = arith.addf %add3A_238, %mul3A_252 : vector<16xf32>
          %mul3A_254 = arith.mulf %gather3A_250, %gather3A_251 : vector<16xf32>
          %add3A_255 = arith.addf %add3A_240, %mul3A_254 : vector<16xf32>
          %scan3A_256 = arith.constant 7 : i32
          %scan3A_257 = arith.addi %scan3A_152, %scan3A_256 : i32
          %add3A_258 = vector.broadcast %scan3A_257 : i32 to vector<16xi32>
          %add3A_259 = arith.addi %iota3A, %add3A_258 : vector<16xi32>
          %and3A_260 = arith.constant 255 : i32
          %and3A_261 = vector.broadcast %and3A_260 : i32 to vector<16xi32>
          %and3A_262 = arith.andi %add3A_259, %and3A_261 : vector<16xi32>
          %gather3A_263 = tpu.vector_load_idx %arg10[%add3A_122, %and3A_262] : memref<48x256xf32, #tpu.memory_space<vmem>>[vector<16xi32>, vector<16xi32>], vector<16xf32>,
          %gather3A_264 = tpu.vector_load_idx %arg11[%add3A_122, %and3A_262] : memref<48x256xf32, #tpu.memory_space<vmem>>[vector<16xi32>, vector<16xi32>], vector<16xf32>,
          %gather3A_265 = tpu.vector_load_idx %arg10[%add3A_125, %and3A_262] : memref<48x256xf32, #tpu.memory_space<vmem>>[vector<16xi32>, vector<16xi32>], vector<16xf32>,
          %gather3A_266 = tpu.vector_load_idx %arg11[%add3A_125, %and3A_262] : memref<48x256xf32, #tpu.memory_space<vmem>>[vector<16xi32>, vector<16xi32>], vector<16xf32>,
          %mul3A_267 = arith.mulf %gather3A_263, %gather3A_264 : vector<16xf32>
          %add3A_268 = arith.addf %add3A_253, %mul3A_267 : vector<16xf32>
          %mul3A_269 = arith.mulf %gather3A_265, %gather3A_266 : vector<16xf32>
          %add3A_270 = arith.addf %add3A_255, %mul3A_269 : vector<16xf32>
          scf.yield %add3A_268, %add3A_270 : vector<16xf32>, vector<16xf32>
        }
        %scan3A_131 = arith.constant 256 : i32
        %add3A_132 = arith.constant 0 : i32
        %add3A_133 = arith.addi %min3A_118, %add3A_132 : i32
        %swap3A = arith.index_cast %add3A_133 : i32 to index
        %swap3A_134 = tpu.vector_load %arg16[%swap3A] {strides = array<i32>} : memref<5000xf32, #tpu.memory_space<vmem>>, vector<16xf32>,
        tpu.vector_store %arg16[%swap3A], %scan3A_130#0 {strides = array<i32>} : memref<5000xf32, #tpu.memory_space<vmem>>, vector<16xf32>,
        %add3A_135 = arith.constant 16 : i32
        %add3A_136 = arith.addi %min3A_118, %add3A_135 : i32
        %swap3A_137 = arith.index_cast %add3A_136 : i32 to index
        %swap3A_138 = tpu.vector_load %arg16[%swap3A_137] {strides = array<i32>} : memref<5000xf32, #tpu.memory_space<vmem>>, vector<16xf32>,
        tpu.vector_store %arg16[%swap3A_137], %scan3A_130#1 {strides = array<i32>} : memref<5000xf32, #tpu.memory_space<vmem>>, vector<16xf32>,
        %add3A_139 = arith.constant 32 : i32
        %add3A_140 = vector.broadcast %add3A_139 : i32 to vector<16xi32>
        %add3A_141 = arith.addi %iota3A, %add3A_140 : vector<16xi32>
        %scan3A_142 = arith.constant 0 : i32
        %scan3A_143 = arith.constant 256 : i32
        %scan3A_144 = arith.addi %scan3A_142, %scan3A_143 : i32
        %scan3A_145 = arith.constant 8 : i32
        %scan3A_146 = scf.for %scan3A_152 = %scan3A_142 to %scan3A_144 step %scan3A_145 iter_args(%scan3A_153 = %broadcast_in_dim3A_119) -> (vector<16xf32>)  : i32 {
          %add3A_154 = vector.broadcast %scan3A_152 : i32 to vector<16xi32>
          %add3A_155 = arith.addi %iota3A, %add3A_154 : vector<16xi32>
          %and3A = arith.constant 255 : i32
          %and3A_156 = vector.broadcast %and3A : i32 to vector<16xi32>
          %and3A_157 = arith.andi %add3A_155, %and3A_156 : vector<16xi32>
          %gather3A = tpu.vector_load_idx %arg10[%add3A_141, %and3A_157] : memref<48x256xf32, #tpu.memory_space<vmem>>[vector<16xi32>, vector<16xi32>], vector<16xf32>,
          %gather3A_158 = tpu.vector_load_idx %arg11[%add3A_141, %and3A_157] : memref<48x256xf32, #tpu.memory_space<vmem>>[vector<16xi32>, vector<16xi32>], vector<16xf32>,
          %mul3A_159 = arith.mulf %gather3A, %gather3A_158 : vector<16xf32>
          %add3A_160 = arith.addf %scan3A_153, %mul3A_159 : vector<16xf32>
          %scan3A_161 = arith.constant 1 : i32
          %scan3A_162 = arith.addi %scan3A_152, %scan3A_161 : i32
          %add3A_163 = vector.broadcast %scan3A_162 : i32 to vector<16xi32>
          %add3A_164 = arith.addi %iota3A, %add3A_163 : vector<16xi32>
          %and3A_165 = arith.constant 255 : i32
          %and3A_166 = vector.broadcast %and3A_165 : i32 to vector<16xi32>
          %and3A_167 = arith.andi %add3A_164, %and3A_166 : vector<16xi32>
          %gather3A_168 = tpu.vector_load_idx %arg10[%add3A_141, %and3A_167] : memref<48x256xf32, #tpu.memory_space<vmem>>[vector<16xi32>, vector<16xi32>], vector<16xf32>,
          %gather3A_169 = tpu.vector_load_idx %arg11[%add3A_141, %and3A_167] : memref<48x256xf32, #tpu.memory_space<vmem>>[vector<16xi32>, vector<16xi32>], vector<16xf32>,
          %mul3A_170 = arith.mulf %gather3A_168, %gather3A_169 : vector<16xf32>
          %add3A_171 = arith.addf %add3A_160, %mul3A_170 : vector<16xf32>
          %scan3A_172 = arith.constant 2 : i32
          %scan3A_173 = arith.addi %scan3A_152, %scan3A_172 : i32
          %add3A_174 = vector.broadcast %scan3A_173 : i32 to vector<16xi32>
          %add3A_175 = arith.addi %iota3A, %add3A_174 : vector<16xi32>
          %and3A_176 = arith.constant 255 : i32
          %and3A_177 = vector.broadcast %and3A_176 : i32 to vector<16xi32>
          %and3A_178 = arith.andi %add3A_175, %and3A_177 : vector<16xi32>
          %gather3A_179 = tpu.vector_load_idx %arg10[%add3A_141, %and3A_178] : memref<48x256xf32, #tpu.memory_space<vmem>>[vector<16xi32>, vector<16xi32>], vector<16xf32>,
          %gather3A_180 = tpu.vector_load_idx %arg11[%add3A_141, %and3A_178] : memref<48x256xf32, #tpu.memory_space<vmem>>[vector<16xi32>, vector<16xi32>], vector<16xf32>,
          %mul3A_181 = arith.mulf %gather3A_179, %gather3A_180 : vector<16xf32>
          %add3A_182 = arith.addf %add3A_171, %mul3A_181 : vector<16xf32>
          %scan3A_183 = arith.constant 3 : i32
          %scan3A_184 = arith.addi %scan3A_152, %scan3A_183 : i32
          %add3A_185 = vector.broadcast %scan3A_184 : i32 to vector<16xi32>
          %add3A_186 = arith.addi %iota3A, %add3A_185 : vector<16xi32>
          %and3A_187 = arith.constant 255 : i32
          %and3A_188 = vector.broadcast %and3A_187 : i32 to vector<16xi32>
          %and3A_189 = arith.andi %add3A_186, %and3A_188 : vector<16xi32>
          %gather3A_190 = tpu.vector_load_idx %arg10[%add3A_141, %and3A_189] : memref<48x256xf32, #tpu.memory_space<vmem>>[vector<16xi32>, vector<16xi32>], vector<16xf32>,
          %gather3A_191 = tpu.vector_load_idx %arg11[%add3A_141, %and3A_189] : memref<48x256xf32, #tpu.memory_space<vmem>>[vector<16xi32>, vector<16xi32>], vector<16xf32>,
          %mul3A_192 = arith.mulf %gather3A_190, %gather3A_191 : vector<16xf32>
          %add3A_193 = arith.addf %add3A_182, %mul3A_192 : vector<16xf32>
          %scan3A_194 = arith.constant 4 : i32
          %scan3A_195 = arith.addi %scan3A_152, %scan3A_194 : i32
          %add3A_196 = vector.broadcast %scan3A_195 : i32 to vector<16xi32>
          %add3A_197 = arith.addi %iota3A, %add3A_196 : vector<16xi32>
          %and3A_198 = arith.constant 255 : i32
          %and3A_199 = vector.broadcast %and3A_198 : i32 to vector<16xi32>
          %and3A_200 = arith.andi %add3A_197, %and3A_199 : vector<16xi32>
          %gather3A_201 = tpu.vector_load_idx %arg10[%add3A_141, %and3A_200] : memref<48x256xf32, #tpu.memory_space<vmem>>[vector<16xi32>, vector<16xi32>], vector<16xf32>,
          %gather3A_202 = tpu.vector_load_idx %arg11[%add3A_141, %and3A_200] : memref<48x256xf32, #tpu.memory_space<vmem>>[vector<16xi32>, vector<16xi32>], vector<16xf32>,
          %mul3A_203 = arith.mulf %gather3A_201, %gather3A_202 : vector<16xf32>
          %add3A_204 = arith.addf %add3A_193, %mul3A_203 : vector<16xf32>
          %scan3A_205 = arith.constant 5 : i32
          %scan3A_206 = arith.addi %scan3A_152, %scan3A_205 : i32
          %add3A_207 = vector.broadcast %scan3A_206 : i32 to vector<16xi32>
          %add3A_208 = arith.addi %iota3A, %add3A_207 : vector<16xi32>
          %and3A_209 = arith.constant 255 : i32
          %and3A_210 = vector.broadcast %and3A_209 : i32 to vector<16xi32>
          %and3A_211 = arith.andi %add3A_208, %and3A_210 : vector<16xi32>
          %gather3A_212 = tpu.vector_load_idx %arg10[%add3A_141, %and3A_211] : memref<48x256xf32, #tpu.memory_space<vmem>>[vector<16xi32>, vector<16xi32>], vector<16xf32>,
          %gather3A_213 = tpu.vector_load_idx %arg11[%add3A_141, %and3A_211] : memref<48x256xf32, #tpu.memory_space<vmem>>[vector<16xi32>, vector<16xi32>], vector<16xf32>,
          %mul3A_214 = arith.mulf %gather3A_212, %gather3A_213 : vector<16xf32>
          %add3A_215 = arith.addf %add3A_204, %mul3A_214 : vector<16xf32>
          %scan3A_216 = arith.constant 6 : i32
          %scan3A_217 = arith.addi %scan3A_152, %scan3A_216 : i32
          %add3A_218 = vector.broadcast %scan3A_217 : i32 to vector<16xi32>
          %add3A_219 = arith.addi %iota3A, %add3A_218 : vector<16xi32>
          %and3A_220 = arith.constant 255 : i32
          %and3A_221 = vector.broadcast %and3A_220 : i32 to vector<16xi32>
          %and3A_222 = arith.andi %add3A_219, %and3A_221 : vector<16xi32>
          %gather3A_223 = tpu.vector_load_idx %arg10[%add3A_141, %and3A_222] : memref<48x256xf32, #tpu.memory_space<vmem>>[vector<16xi32>, vector<16xi32>], vector<16xf32>,
          %gather3A_224 = tpu.vector_load_idx %arg11[%add3A_141, %and3A_222] : memref<48x256xf32, #tpu.memory_space<vmem>>[vector<16xi32>, vector<16xi32>], vector<16xf32>,
          %mul3A_225 = arith.mulf %gather3A_223, %gather3A_224 : vector<16xf32>
          %add3A_226 = arith.addf %add3A_215, %mul3A_225 : vector<16xf32>
          %scan3A_227 = arith.constant 7 : i32
          %scan3A_228 = arith.addi %scan3A_152, %scan3A_227 : i32
          %add3A_229 = vector.broadcast %scan3A_228 : i32 to vector<16xi32>
          %add3A_230 = arith.addi %iota3A, %add3A_229 : vector<16xi32>
          %and3A_231 = arith.constant 255 : i32
          %and3A_232 = vector.broadcast %and3A_231 : i32 to vector<16xi32>
          %and3A_233 = arith.andi %add3A_230, %and3A_232 : vector<16xi32>
          %gather3A_234 = tpu.vector_load_idx %arg10[%add3A_141, %and3A_233] : memref<48x256xf32, #tpu.memory_space<vmem>>[vector<16xi32>, vector<16xi32>], vector<16xf32>,
          %gather3A_235 = tpu.vector_load_idx %arg11[%add3A_141, %and3A_233] : memref<48x256xf32, #tpu.memory_space<vmem>>[vector<16xi32>, vector<16xi32>], vector<16xf32>,
          %mul3A_236 = arith.mulf %gather3A_234, %gather3A_235 : vector<16xf32>
          %add3A_237 = arith.addf %add3A_226, %mul3A_236 : vector<16xf32>
          scf.yield %add3A_237 : vector<16xf32>
        }
        %scan3A_147 = arith.constant 256 : i32
        %add3A_148 = arith.constant 32 : i32
        %add3A_149 = arith.addi %min3A_118, %add3A_148 : i32
        %swap3A_150 = arith.index_cast %add3A_149 : i32 to index
        %swap3A_151 = tpu.vector_load %arg16[%swap3A_150] {strides = array<i32>} : memref<5000xf32, #tpu.memory_space<vmem>>, vector<16xf32>,
        tpu.vector_store %arg16[%swap3A_150], %scan3A_146 {strides = array<i32>} : memref<5000xf32, #tpu.memory_space<vmem>>, vector<16xf32>,
      } else {
      }
      %add3A_72 = arith.constant 2 : i32
      %add3A_73 = arith.addi %add3A_42, %add3A_72 : i32
      %add3A_74 = arith.constant 3 : i32
      %add3A_75 = arith.addi %add3A_73, %add3A_74 : i32
      %lt3A_76 = arith.constant 105 : i32
      %lt3A_77 = arith.cmpi slt, %add3A_75, %lt3A_76 : i32
      %convert_element_type3A_78 = arith.extui %lt3A_77 : i1 to i32
      %cond3A_79 = arith.constant 0 : i32
      %cond3A_80 = arith.cmpi ne, %convert_element_type3A_78, %cond3A_79 : i32
      scf.if %cond3A_80 {
        %add3A_104 = arith.constant 2 : i32
        %add3A_105 = arith.addi %add3A_42, %add3A_104 : i32
        %add3A_106 = arith.constant 3 : i32
        %add3A_107 = arith.addi %add3A_105, %add3A_106 : i32
        %mul3A_108 = arith.constant 48 : i32
        %mul3A_109 = arith.muli %add3A_107, %mul3A_108 : i32
        %min3A_110 = arith.constant 4952 : i32
        %min3A_111 = arith.minsi %mul3A_109, %min3A_110 : i32
        %dma_start3A_112 = tpu.memref_slice %arg6[%min3A_111] : memref<5000xi32, #tpu.memory_space<vmem>> -> memref<48xi32, #tpu.memory_space<vmem>>
        %dma_start3A_113 = arith.constant 0 : i32
        %dma_start3A_114 = arith.constant 0 : i32
        %dma_start3A_115 = tpu.memref_slice %arg2[%dma_start3A_113, %dma_start3A_114] : memref<10000x256xf32, #tpu.memory_space<hbm>> -> memref<10000x256xf32, #tpu.memory_space<hbm>>
        tpu.enqueue_indirect_dma source(%dma_start3A_115 : memref<10000x256xf32, #tpu.memory_space<hbm>>) target(%arg10 : memref<48x256xf32, #tpu.memory_space<vmem>>) offsets(%dma_start3A_112 : memref<48xi32, #tpu.memory_space<vmem>>) semaphore(%arg18 : memref<!tpu.dma_semaphore, #tpu.memory_space<semaphore_mem>>)
        %dma_start3A_116 = tpu.memref_slice %arg7[%min3A_111] : memref<5000xi32, #tpu.memory_space<vmem>> -> memref<48xi32, #tpu.memory_space<vmem>>
        %dma_start3A_117 = arith.constant 0 : i32
        %dma_start3A_118 = arith.constant 0 : i32
        %dma_start3A_119 = tpu.memref_slice %arg2[%dma_start3A_117, %dma_start3A_118] : memref<10000x256xf32, #tpu.memory_space<hbm>> -> memref<10000x256xf32, #tpu.memory_space<hbm>>
        tpu.enqueue_indirect_dma source(%dma_start3A_119 : memref<10000x256xf32, #tpu.memory_space<hbm>>) target(%arg11 : memref<48x256xf32, #tpu.memory_space<vmem>>) offsets(%dma_start3A_116 : memref<48xi32, #tpu.memory_space<vmem>>) semaphore(%arg18 : memref<!tpu.dma_semaphore, #tpu.memory_space<semaphore_mem>>)
      } else {
      }
      %add3A_81 = arith.constant 2 : i32
      %add3A_82 = arith.addi %add3A_42, %add3A_81 : i32
      %lt3A_83 = arith.constant 105 : i32
      %lt3A_84 = arith.cmpi slt, %add3A_82, %lt3A_83 : i32
      %convert_element_type3A_85 = arith.extui %lt3A_84 : i1 to i32
      %cond3A_86 = arith.constant 0 : i32
      %cond3A_87 = arith.cmpi ne, %convert_element_type3A_85, %cond3A_86 : i32
      scf.if %cond3A_87 {
        %dma_wait3A = arith.constant 0 : i32
        %dma_wait3A_104 = tpu.memref_slice %arg6[%dma_wait3A] : memref<5000xi32, #tpu.memory_space<vmem>> -> memref<48xi32, #tpu.memory_space<vmem>>
        %dma_wait3A_105 = arith.constant 0 : i32
        %dma_wait3A_106 = arith.constant 0 : i32
        %dma_wait3A_107 = tpu.memref_slice %arg2[%dma_wait3A_105, %dma_wait3A_106] : memref<10000x256xf32, #tpu.memory_space<hbm>> -> memref<10000x256xf32, #tpu.memory_space<hbm>>
        tpu.wait_indirect_dma semaphore(%arg19 : memref<!tpu.dma_semaphore, #tpu.memory_space<semaphore_mem>>) src(%dma_wait3A_107 : memref<10000x256xf32, #tpu.memory_space<hbm>>) dst(%arg12 : memref<48x256xf32, #tpu.memory_space<vmem>>)
        %dma_wait3A_108 = arith.constant 0 : i32
        %dma_wait3A_109 = tpu.memref_slice %arg7[%dma_wait3A_108] : memref<5000xi32, #tpu.memory_space<vmem>> -> memref<48xi32, #tpu.memory_space<vmem>>
        %dma_wait3A_110 = arith.constant 0 : i32
        %dma_wait3A_111 = arith.constant 0 : i32
        %dma_wait3A_112 = tpu.memref_slice %arg2[%dma_wait3A_110, %dma_wait3A_111] : memref<10000x256xf32, #tpu.memory_space<hbm>> -> memref<10000x256xf32, #tpu.memory_space<hbm>>
        tpu.wait_indirect_dma semaphore(%arg19 : memref<!tpu.dma_semaphore, #tpu.memory_space<semaphore_mem>>) src(%dma_wait3A_112 : memref<10000x256xf32, #tpu.memory_space<hbm>>) dst(%arg13 : memref<48x256xf32, #tpu.memory_space<vmem>>)
        %add3A_113 = arith.constant 2 : i32
        %add3A_114 = arith.addi %add3A_42, %add3A_113 : i32
        %mul3A_115 = arith.constant 48 : i32
        %mul3A_116 = arith.muli %add3A_114, %mul3A_115 : i32
        %min3A_117 = arith.constant 4952 : i32
        %min3A_118 = arith.minsi %mul3A_116, %min3A_117 : i32
        %iota3A = tpu.iota {dimensions = array<i32: 0>} : vector<16xi32>
        %broadcast_in_dim3A = arith.constant 0.000000e+00 : f32
        %broadcast_in_dim3A_119 = vector.broadcast %broadcast_in_dim3A : f32 to vector<16xf32>
        %add3A_120 = arith.constant 0 : i32
        %add3A_121 = vector.broadcast %add3A_120 : i32 to vector<16xi32>
        %add3A_122 = arith.addi %iota3A, %add3A_121 : vector<16xi32>
        %add3A_123 = arith.constant 16 : i32
        %add3A_124 = vector.broadcast %add3A_123 : i32 to vector<16xi32>
        %add3A_125 = arith.addi %iota3A, %add3A_124 : vector<16xi32>
        %scan3A_126 = arith.constant 0 : i32
        %scan3A_127 = arith.constant 256 : i32
        %scan3A_128 = arith.addi %scan3A_126, %scan3A_127 : i32
        %scan3A_129 = arith.constant 8 : i32
        %scan3A_130:2 = scf.for %scan3A_152 = %scan3A_126 to %scan3A_128 step %scan3A_129 iter_args(%scan3A_153 = %broadcast_in_dim3A_119, %scan3A_154 = %broadcast_in_dim3A_119) -> (vector<16xf32>, vector<16xf32>)  : i32 {
          %add3A_155 = vector.broadcast %scan3A_152 : i32 to vector<16xi32>
          %add3A_156 = arith.addi %iota3A, %add3A_155 : vector<16xi32>
          %and3A = arith.constant 255 : i32
          %and3A_157 = vector.broadcast %and3A : i32 to vector<16xi32>
          %and3A_158 = arith.andi %add3A_156, %and3A_157 : vector<16xi32>
          %gather3A = tpu.vector_load_idx %arg12[%add3A_122, %and3A_158] : memref<48x256xf32, #tpu.memory_space<vmem>>[vector<16xi32>, vector<16xi32>], vector<16xf32>,
          %gather3A_159 = tpu.vector_load_idx %arg13[%add3A_122, %and3A_158] : memref<48x256xf32, #tpu.memory_space<vmem>>[vector<16xi32>, vector<16xi32>], vector<16xf32>,
          %gather3A_160 = tpu.vector_load_idx %arg12[%add3A_125, %and3A_158] : memref<48x256xf32, #tpu.memory_space<vmem>>[vector<16xi32>, vector<16xi32>], vector<16xf32>,
          %gather3A_161 = tpu.vector_load_idx %arg13[%add3A_125, %and3A_158] : memref<48x256xf32, #tpu.memory_space<vmem>>[vector<16xi32>, vector<16xi32>], vector<16xf32>,
          %mul3A_162 = arith.mulf %gather3A, %gather3A_159 : vector<16xf32>
          %add3A_163 = arith.addf %scan3A_153, %mul3A_162 : vector<16xf32>
          %mul3A_164 = arith.mulf %gather3A_160, %gather3A_161 : vector<16xf32>
          %add3A_165 = arith.addf %scan3A_154, %mul3A_164 : vector<16xf32>
          %scan3A_166 = arith.constant 1 : i32
          %scan3A_167 = arith.addi %scan3A_152, %scan3A_166 : i32
          %add3A_168 = vector.broadcast %scan3A_167 : i32 to vector<16xi32>
          %add3A_169 = arith.addi %iota3A, %add3A_168 : vector<16xi32>
          %and3A_170 = arith.constant 255 : i32
          %and3A_171 = vector.broadcast %and3A_170 : i32 to vector<16xi32>
          %and3A_172 = arith.andi %add3A_169, %and3A_171 : vector<16xi32>
          %gather3A_173 = tpu.vector_load_idx %arg12[%add3A_122, %and3A_172] : memref<48x256xf32, #tpu.memory_space<vmem>>[vector<16xi32>, vector<16xi32>], vector<16xf32>,
          %gather3A_174 = tpu.vector_load_idx %arg13[%add3A_122, %and3A_172] : memref<48x256xf32, #tpu.memory_space<vmem>>[vector<16xi32>, vector<16xi32>], vector<16xf32>,
          %gather3A_175 = tpu.vector_load_idx %arg12[%add3A_125, %and3A_172] : memref<48x256xf32, #tpu.memory_space<vmem>>[vector<16xi32>, vector<16xi32>], vector<16xf32>,
          %gather3A_176 = tpu.vector_load_idx %arg13[%add3A_125, %and3A_172] : memref<48x256xf32, #tpu.memory_space<vmem>>[vector<16xi32>, vector<16xi32>], vector<16xf32>,
          %mul3A_177 = arith.mulf %gather3A_173, %gather3A_174 : vector<16xf32>
          %add3A_178 = arith.addf %add3A_163, %mul3A_177 : vector<16xf32>
          %mul3A_179 = arith.mulf %gather3A_175, %gather3A_176 : vector<16xf32>
          %add3A_180 = arith.addf %add3A_165, %mul3A_179 : vector<16xf32>
          %scan3A_181 = arith.constant 2 : i32
          %scan3A_182 = arith.addi %scan3A_152, %scan3A_181 : i32
          %add3A_183 = vector.broadcast %scan3A_182 : i32 to vector<16xi32>
          %add3A_184 = arith.addi %iota3A, %add3A_183 : vector<16xi32>
          %and3A_185 = arith.constant 255 : i32
          %and3A_186 = vector.broadcast %and3A_185 : i32 to vector<16xi32>
          %and3A_187 = arith.andi %add3A_184, %and3A_186 : vector<16xi32>
          %gather3A_188 = tpu.vector_load_idx %arg12[%add3A_122, %and3A_187] : memref<48x256xf32, #tpu.memory_space<vmem>>[vector<16xi32>, vector<16xi32>], vector<16xf32>,
          %gather3A_189 = tpu.vector_load_idx %arg13[%add3A_122, %and3A_187] : memref<48x256xf32, #tpu.memory_space<vmem>>[vector<16xi32>, vector<16xi32>], vector<16xf32>,
          %gather3A_190 = tpu.vector_load_idx %arg12[%add3A_125, %and3A_187] : memref<48x256xf32, #tpu.memory_space<vmem>>[vector<16xi32>, vector<16xi32>], vector<16xf32>,
          %gather3A_191 = tpu.vector_load_idx %arg13[%add3A_125, %and3A_187] : memref<48x256xf32, #tpu.memory_space<vmem>>[vector<16xi32>, vector<16xi32>], vector<16xf32>,
          %mul3A_192 = arith.mulf %gather3A_188, %gather3A_189 : vector<16xf32>
          %add3A_193 = arith.addf %add3A_178, %mul3A_192 : vector<16xf32>
          %mul3A_194 = arith.mulf %gather3A_190, %gather3A_191 : vector<16xf32>
          %add3A_195 = arith.addf %add3A_180, %mul3A_194 : vector<16xf32>
          %scan3A_196 = arith.constant 3 : i32
          %scan3A_197 = arith.addi %scan3A_152, %scan3A_196 : i32
          %add3A_198 = vector.broadcast %scan3A_197 : i32 to vector<16xi32>
          %add3A_199 = arith.addi %iota3A, %add3A_198 : vector<16xi32>
          %and3A_200 = arith.constant 255 : i32
          %and3A_201 = vector.broadcast %and3A_200 : i32 to vector<16xi32>
          %and3A_202 = arith.andi %add3A_199, %and3A_201 : vector<16xi32>
          %gather3A_203 = tpu.vector_load_idx %arg12[%add3A_122, %and3A_202] : memref<48x256xf32, #tpu.memory_space<vmem>>[vector<16xi32>, vector<16xi32>], vector<16xf32>,
          %gather3A_204 = tpu.vector_load_idx %arg13[%add3A_122, %and3A_202] : memref<48x256xf32, #tpu.memory_space<vmem>>[vector<16xi32>, vector<16xi32>], vector<16xf32>,
          %gather3A_205 = tpu.vector_load_idx %arg12[%add3A_125, %and3A_202] : memref<48x256xf32, #tpu.memory_space<vmem>>[vector<16xi32>, vector<16xi32>], vector<16xf32>,
          %gather3A_206 = tpu.vector_load_idx %arg13[%add3A_125, %and3A_202] : memref<48x256xf32, #tpu.memory_space<vmem>>[vector<16xi32>, vector<16xi32>], vector<16xf32>,
          %mul3A_207 = arith.mulf %gather3A_203, %gather3A_204 : vector<16xf32>
          %add3A_208 = arith.addf %add3A_193, %mul3A_207 : vector<16xf32>
          %mul3A_209 = arith.mulf %gather3A_205, %gather3A_206 : vector<16xf32>
          %add3A_210 = arith.addf %add3A_195, %mul3A_209 : vector<16xf32>
          %scan3A_211 = arith.constant 4 : i32
          %scan3A_212 = arith.addi %scan3A_152, %scan3A_211 : i32
          %add3A_213 = vector.broadcast %scan3A_212 : i32 to vector<16xi32>
          %add3A_214 = arith.addi %iota3A, %add3A_213 : vector<16xi32>
          %and3A_215 = arith.constant 255 : i32
          %and3A_216 = vector.broadcast %and3A_215 : i32 to vector<16xi32>
          %and3A_217 = arith.andi %add3A_214, %and3A_216 : vector<16xi32>
          %gather3A_218 = tpu.vector_load_idx %arg12[%add3A_122, %and3A_217] : memref<48x256xf32, #tpu.memory_space<vmem>>[vector<16xi32>, vector<16xi32>], vector<16xf32>,
          %gather3A_219 = tpu.vector_load_idx %arg13[%add3A_122, %and3A_217] : memref<48x256xf32, #tpu.memory_space<vmem>>[vector<16xi32>, vector<16xi32>], vector<16xf32>,
          %gather3A_220 = tpu.vector_load_idx %arg12[%add3A_125, %and3A_217] : memref<48x256xf32, #tpu.memory_space<vmem>>[vector<16xi32>, vector<16xi32>], vector<16xf32>,
          %gather3A_221 = tpu.vector_load_idx %arg13[%add3A_125, %and3A_217] : memref<48x256xf32, #tpu.memory_space<vmem>>[vector<16xi32>, vector<16xi32>], vector<16xf32>,
          %mul3A_222 = arith.mulf %gather3A_218, %gather3A_219 : vector<16xf32>
          %add3A_223 = arith.addf %add3A_208, %mul3A_222 : vector<16xf32>
          %mul3A_224 = arith.mulf %gather3A_220, %gather3A_221 : vector<16xf32>
          %add3A_225 = arith.addf %add3A_210, %mul3A_224 : vector<16xf32>
          %scan3A_226 = arith.constant 5 : i32
          %scan3A_227 = arith.addi %scan3A_152, %scan3A_226 : i32
          %add3A_228 = vector.broadcast %scan3A_227 : i32 to vector<16xi32>
          %add3A_229 = arith.addi %iota3A, %add3A_228 : vector<16xi32>
          %and3A_230 = arith.constant 255 : i32
          %and3A_231 = vector.broadcast %and3A_230 : i32 to vector<16xi32>
          %and3A_232 = arith.andi %add3A_229, %and3A_231 : vector<16xi32>
          %gather3A_233 = tpu.vector_load_idx %arg12[%add3A_122, %and3A_232] : memref<48x256xf32, #tpu.memory_space<vmem>>[vector<16xi32>, vector<16xi32>], vector<16xf32>,
          %gather3A_234 = tpu.vector_load_idx %arg13[%add3A_122, %and3A_232] : memref<48x256xf32, #tpu.memory_space<vmem>>[vector<16xi32>, vector<16xi32>], vector<16xf32>,
          %gather3A_235 = tpu.vector_load_idx %arg12[%add3A_125, %and3A_232] : memref<48x256xf32, #tpu.memory_space<vmem>>[vector<16xi32>, vector<16xi32>], vector<16xf32>,
          %gather3A_236 = tpu.vector_load_idx %arg13[%add3A_125, %and3A_232] : memref<48x256xf32, #tpu.memory_space<vmem>>[vector<16xi32>, vector<16xi32>], vector<16xf32>,
          %mul3A_237 = arith.mulf %gather3A_233, %gather3A_234 : vector<16xf32>
          %add3A_238 = arith.addf %add3A_223, %mul3A_237 : vector<16xf32>
          %mul3A_239 = arith.mulf %gather3A_235, %gather3A_236 : vector<16xf32>
          %add3A_240 = arith.addf %add3A_225, %mul3A_239 : vector<16xf32>
          %scan3A_241 = arith.constant 6 : i32
          %scan3A_242 = arith.addi %scan3A_152, %scan3A_241 : i32
          %add3A_243 = vector.broadcast %scan3A_242 : i32 to vector<16xi32>
          %add3A_244 = arith.addi %iota3A, %add3A_243 : vector<16xi32>
          %and3A_245 = arith.constant 255 : i32
          %and3A_246 = vector.broadcast %and3A_245 : i32 to vector<16xi32>
          %and3A_247 = arith.andi %add3A_244, %and3A_246 : vector<16xi32>
          %gather3A_248 = tpu.vector_load_idx %arg12[%add3A_122, %and3A_247] : memref<48x256xf32, #tpu.memory_space<vmem>>[vector<16xi32>, vector<16xi32>], vector<16xf32>,
          %gather3A_249 = tpu.vector_load_idx %arg13[%add3A_122, %and3A_247] : memref<48x256xf32, #tpu.memory_space<vmem>>[vector<16xi32>, vector<16xi32>], vector<16xf32>,
          %gather3A_250 = tpu.vector_load_idx %arg12[%add3A_125, %and3A_247] : memref<48x256xf32, #tpu.memory_space<vmem>>[vector<16xi32>, vector<16xi32>], vector<16xf32>,
          %gather3A_251 = tpu.vector_load_idx %arg13[%add3A_125, %and3A_247] : memref<48x256xf32, #tpu.memory_space<vmem>>[vector<16xi32>, vector<16xi32>], vector<16xf32>,
          %mul3A_252 = arith.mulf %gather3A_248, %gather3A_249 : vector<16xf32>
          %add3A_253 = arith.addf %add3A_238, %mul3A_252 : vector<16xf32>
          %mul3A_254 = arith.mulf %gather3A_250, %gather3A_251 : vector<16xf32>
          %add3A_255 = arith.addf %add3A_240, %mul3A_254 : vector<16xf32>
          %scan3A_256 = arith.constant 7 : i32
          %scan3A_257 = arith.addi %scan3A_152, %scan3A_256 : i32
          %add3A_258 = vector.broadcast %scan3A_257 : i32 to vector<16xi32>
          %add3A_259 = arith.addi %iota3A, %add3A_258 : vector<16xi32>
          %and3A_260 = arith.constant 255 : i32
          %and3A_261 = vector.broadcast %and3A_260 : i32 to vector<16xi32>
          %and3A_262 = arith.andi %add3A_259, %and3A_261 : vector<16xi32>
          %gather3A_263 = tpu.vector_load_idx %arg12[%add3A_122, %and3A_262] : memref<48x256xf32, #tpu.memory_space<vmem>>[vector<16xi32>, vector<16xi32>], vector<16xf32>,
          %gather3A_264 = tpu.vector_load_idx %arg13[%add3A_122, %and3A_262] : memref<48x256xf32, #tpu.memory_space<vmem>>[vector<16xi32>, vector<16xi32>], vector<16xf32>,
          %gather3A_265 = tpu.vector_load_idx %arg12[%add3A_125, %and3A_262] : memref<48x256xf32, #tpu.memory_space<vmem>>[vector<16xi32>, vector<16xi32>], vector<16xf32>,
          %gather3A_266 = tpu.vector_load_idx %arg13[%add3A_125, %and3A_262] : memref<48x256xf32, #tpu.memory_space<vmem>>[vector<16xi32>, vector<16xi32>], vector<16xf32>,
          %mul3A_267 = arith.mulf %gather3A_263, %gather3A_264 : vector<16xf32>
          %add3A_268 = arith.addf %add3A_253, %mul3A_267 : vector<16xf32>
          %mul3A_269 = arith.mulf %gather3A_265, %gather3A_266 : vector<16xf32>
          %add3A_270 = arith.addf %add3A_255, %mul3A_269 : vector<16xf32>
          scf.yield %add3A_268, %add3A_270 : vector<16xf32>, vector<16xf32>
        }
        %scan3A_131 = arith.constant 256 : i32
        %add3A_132 = arith.constant 0 : i32
        %add3A_133 = arith.addi %min3A_118, %add3A_132 : i32
        %swap3A = arith.index_cast %add3A_133 : i32 to index
        %swap3A_134 = tpu.vector_load %arg16[%swap3A] {strides = array<i32>} : memref<5000xf32, #tpu.memory_space<vmem>>, vector<16xf32>,
        tpu.vector_store %arg16[%swap3A], %scan3A_130#0 {strides = array<i32>} : memref<5000xf32, #tpu.memory_space<vmem>>, vector<16xf32>,
        %add3A_135 = arith.constant 16 : i32
        %add3A_136 = arith.addi %min3A_118, %add3A_135 : i32
        %swap3A_137 = arith.index_cast %add3A_136 : i32 to index
        %swap3A_138 = tpu.vector_load %arg16[%swap3A_137] {strides = array<i32>} : memref<5000xf32, #tpu.memory_space<vmem>>, vector<16xf32>,
        tpu.vector_store %arg16[%swap3A_137], %scan3A_130#1 {strides = array<i32>} : memref<5000xf32, #tpu.memory_space<vmem>>, vector<16xf32>,
        %add3A_139 = arith.constant 32 : i32
        %add3A_140 = vector.broadcast %add3A_139 : i32 to vector<16xi32>
        %add3A_141 = arith.addi %iota3A, %add3A_140 : vector<16xi32>
        %scan3A_142 = arith.constant 0 : i32
        %scan3A_143 = arith.constant 256 : i32
        %scan3A_144 = arith.addi %scan3A_142, %scan3A_143 : i32
        %scan3A_145 = arith.constant 8 : i32
        %scan3A_146 = scf.for %scan3A_152 = %scan3A_142 to %scan3A_144 step %scan3A_145 iter_args(%scan3A_153 = %broadcast_in_dim3A_119) -> (vector<16xf32>)  : i32 {
          %add3A_154 = vector.broadcast %scan3A_152 : i32 to vector<16xi32>
          %add3A_155 = arith.addi %iota3A, %add3A_154 : vector<16xi32>
          %and3A = arith.constant 255 : i32
          %and3A_156 = vector.broadcast %and3A : i32 to vector<16xi32>
          %and3A_157 = arith.andi %add3A_155, %and3A_156 : vector<16xi32>
          %gather3A = tpu.vector_load_idx %arg12[%add3A_141, %and3A_157] : memref<48x256xf32, #tpu.memory_space<vmem>>[vector<16xi32>, vector<16xi32>], vector<16xf32>,
          %gather3A_158 = tpu.vector_load_idx %arg13[%add3A_141, %and3A_157] : memref<48x256xf32, #tpu.memory_space<vmem>>[vector<16xi32>, vector<16xi32>], vector<16xf32>,
          %mul3A_159 = arith.mulf %gather3A, %gather3A_158 : vector<16xf32>
          %add3A_160 = arith.addf %scan3A_153, %mul3A_159 : vector<16xf32>
          %scan3A_161 = arith.constant 1 : i32
          %scan3A_162 = arith.addi %scan3A_152, %scan3A_161 : i32
          %add3A_163 = vector.broadcast %scan3A_162 : i32 to vector<16xi32>
          %add3A_164 = arith.addi %iota3A, %add3A_163 : vector<16xi32>
          %and3A_165 = arith.constant 255 : i32
          %and3A_166 = vector.broadcast %and3A_165 : i32 to vector<16xi32>
          %and3A_167 = arith.andi %add3A_164, %and3A_166 : vector<16xi32>
          %gather3A_168 = tpu.vector_load_idx %arg12[%add3A_141, %and3A_167] : memref<48x256xf32, #tpu.memory_space<vmem>>[vector<16xi32>, vector<16xi32>], vector<16xf32>,
          %gather3A_169 = tpu.vector_load_idx %arg13[%add3A_141, %and3A_167] : memref<48x256xf32, #tpu.memory_space<vmem>>[vector<16xi32>, vector<16xi32>], vector<16xf32>,
          %mul3A_170 = arith.mulf %gather3A_168, %gather3A_169 : vector<16xf32>
          %add3A_171 = arith.addf %add3A_160, %mul3A_170 : vector<16xf32>
          %scan3A_172 = arith.constant 2 : i32
          %scan3A_173 = arith.addi %scan3A_152, %scan3A_172 : i32
          %add3A_174 = vector.broadcast %scan3A_173 : i32 to vector<16xi32>
          %add3A_175 = arith.addi %iota3A, %add3A_174 : vector<16xi32>
          %and3A_176 = arith.constant 255 : i32
          %and3A_177 = vector.broadcast %and3A_176 : i32 to vector<16xi32>
          %and3A_178 = arith.andi %add3A_175, %and3A_177 : vector<16xi32>
          %gather3A_179 = tpu.vector_load_idx %arg12[%add3A_141, %and3A_178] : memref<48x256xf32, #tpu.memory_space<vmem>>[vector<16xi32>, vector<16xi32>], vector<16xf32>,
          %gather3A_180 = tpu.vector_load_idx %arg13[%add3A_141, %and3A_178] : memref<48x256xf32, #tpu.memory_space<vmem>>[vector<16xi32>, vector<16xi32>], vector<16xf32>,
          %mul3A_181 = arith.mulf %gather3A_179, %gather3A_180 : vector<16xf32>
          %add3A_182 = arith.addf %add3A_171, %mul3A_181 : vector<16xf32>
          %scan3A_183 = arith.constant 3 : i32
          %scan3A_184 = arith.addi %scan3A_152, %scan3A_183 : i32
          %add3A_185 = vector.broadcast %scan3A_184 : i32 to vector<16xi32>
          %add3A_186 = arith.addi %iota3A, %add3A_185 : vector<16xi32>
          %and3A_187 = arith.constant 255 : i32
          %and3A_188 = vector.broadcast %and3A_187 : i32 to vector<16xi32>
          %and3A_189 = arith.andi %add3A_186, %and3A_188 : vector<16xi32>
          %gather3A_190 = tpu.vector_load_idx %arg12[%add3A_141, %and3A_189] : memref<48x256xf32, #tpu.memory_space<vmem>>[vector<16xi32>, vector<16xi32>], vector<16xf32>,
          %gather3A_191 = tpu.vector_load_idx %arg13[%add3A_141, %and3A_189] : memref<48x256xf32, #tpu.memory_space<vmem>>[vector<16xi32>, vector<16xi32>], vector<16xf32>,
          %mul3A_192 = arith.mulf %gather3A_190, %gather3A_191 : vector<16xf32>
          %add3A_193 = arith.addf %add3A_182, %mul3A_192 : vector<16xf32>
          %scan3A_194 = arith.constant 4 : i32
          %scan3A_195 = arith.addi %scan3A_152, %scan3A_194 : i32
          %add3A_196 = vector.broadcast %scan3A_195 : i32 to vector<16xi32>
          %add3A_197 = arith.addi %iota3A, %add3A_196 : vector<16xi32>
          %and3A_198 = arith.constant 255 : i32
          %and3A_199 = vector.broadcast %and3A_198 : i32 to vector<16xi32>
          %and3A_200 = arith.andi %add3A_197, %and3A_199 : vector<16xi32>
          %gather3A_201 = tpu.vector_load_idx %arg12[%add3A_141, %and3A_200] : memref<48x256xf32, #tpu.memory_space<vmem>>[vector<16xi32>, vector<16xi32>], vector<16xf32>,
          %gather3A_202 = tpu.vector_load_idx %arg13[%add3A_141, %and3A_200] : memref<48x256xf32, #tpu.memory_space<vmem>>[vector<16xi32>, vector<16xi32>], vector<16xf32>,
          %mul3A_203 = arith.mulf %gather3A_201, %gather3A_202 : vector<16xf32>
          %add3A_204 = arith.addf %add3A_193, %mul3A_203 : vector<16xf32>
          %scan3A_205 = arith.constant 5 : i32
          %scan3A_206 = arith.addi %scan3A_152, %scan3A_205 : i32
          %add3A_207 = vector.broadcast %scan3A_206 : i32 to vector<16xi32>
          %add3A_208 = arith.addi %iota3A, %add3A_207 : vector<16xi32>
          %and3A_209 = arith.constant 255 : i32
          %and3A_210 = vector.broadcast %and3A_209 : i32 to vector<16xi32>
          %and3A_211 = arith.andi %add3A_208, %and3A_210 : vector<16xi32>
          %gather3A_212 = tpu.vector_load_idx %arg12[%add3A_141, %and3A_211] : memref<48x256xf32, #tpu.memory_space<vmem>>[vector<16xi32>, vector<16xi32>], vector<16xf32>,
          %gather3A_213 = tpu.vector_load_idx %arg13[%add3A_141, %and3A_211] : memref<48x256xf32, #tpu.memory_space<vmem>>[vector<16xi32>, vector<16xi32>], vector<16xf32>,
          %mul3A_214 = arith.mulf %gather3A_212, %gather3A_213 : vector<16xf32>
          %add3A_215 = arith.addf %add3A_204, %mul3A_214 : vector<16xf32>
          %scan3A_216 = arith.constant 6 : i32
          %scan3A_217 = arith.addi %scan3A_152, %scan3A_216 : i32
          %add3A_218 = vector.broadcast %scan3A_217 : i32 to vector<16xi32>
          %add3A_219 = arith.addi %iota3A, %add3A_218 : vector<16xi32>
          %and3A_220 = arith.constant 255 : i32
          %and3A_221 = vector.broadcast %and3A_220 : i32 to vector<16xi32>
          %and3A_222 = arith.andi %add3A_219, %and3A_221 : vector<16xi32>
          %gather3A_223 = tpu.vector_load_idx %arg12[%add3A_141, %and3A_222] : memref<48x256xf32, #tpu.memory_space<vmem>>[vector<16xi32>, vector<16xi32>], vector<16xf32>,
          %gather3A_224 = tpu.vector_load_idx %arg13[%add3A_141, %and3A_222] : memref<48x256xf32, #tpu.memory_space<vmem>>[vector<16xi32>, vector<16xi32>], vector<16xf32>,
          %mul3A_225 = arith.mulf %gather3A_223, %gather3A_224 : vector<16xf32>
          %add3A_226 = arith.addf %add3A_215, %mul3A_225 : vector<16xf32>
          %scan3A_227 = arith.constant 7 : i32
          %scan3A_228 = arith.addi %scan3A_152, %scan3A_227 : i32
          %add3A_229 = vector.broadcast %scan3A_228 : i32 to vector<16xi32>
          %add3A_230 = arith.addi %iota3A, %add3A_229 : vector<16xi32>
          %and3A_231 = arith.constant 255 : i32
          %and3A_232 = vector.broadcast %and3A_231 : i32 to vector<16xi32>
          %and3A_233 = arith.andi %add3A_230, %and3A_232 : vector<16xi32>
          %gather3A_234 = tpu.vector_load_idx %arg12[%add3A_141, %and3A_233] : memref<48x256xf32, #tpu.memory_space<vmem>>[vector<16xi32>, vector<16xi32>], vector<16xf32>,
          %gather3A_235 = tpu.vector_load_idx %arg13[%add3A_141, %and3A_233] : memref<48x256xf32, #tpu.memory_space<vmem>>[vector<16xi32>, vector<16xi32>], vector<16xf32>,
          %mul3A_236 = arith.mulf %gather3A_234, %gather3A_235 : vector<16xf32>
          %add3A_237 = arith.addf %add3A_226, %mul3A_236 : vector<16xf32>
          scf.yield %add3A_237 : vector<16xf32>
        }
        %scan3A_147 = arith.constant 256 : i32
        %add3A_148 = arith.constant 32 : i32
        %add3A_149 = arith.addi %min3A_118, %add3A_148 : i32
        %swap3A_150 = arith.index_cast %add3A_149 : i32 to index
        %swap3A_151 = tpu.vector_load %arg16[%swap3A_150] {strides = array<i32>} : memref<5000xf32, #tpu.memory_space<vmem>>, vector<16xf32>,
        tpu.vector_store %arg16[%swap3A_150], %scan3A_146 {strides = array<i32>} : memref<5000xf32, #tpu.memory_space<vmem>>, vector<16xf32>,
      } else {
      }
      %add3A_88 = arith.constant 3 : i32
      %add3A_89 = arith.addi %add3A_42, %add3A_88 : i32
      %add3A_90 = arith.constant 3 : i32
      %add3A_91 = arith.addi %add3A_89, %add3A_90 : i32
      %lt3A_92 = arith.constant 105 : i32
      %lt3A_93 = arith.cmpi slt, %add3A_91, %lt3A_92 : i32
      %convert_element_type3A_94 = arith.extui %lt3A_93 : i1 to i32
      %cond3A_95 = arith.constant 0 : i32
      %cond3A_96 = arith.cmpi ne, %convert_element_type3A_94, %cond3A_95 : i32
      scf.if %cond3A_96 {
        %add3A_104 = arith.constant 3 : i32
        %add3A_105 = arith.addi %add3A_42, %add3A_104 : i32
        %add3A_106 = arith.constant 3 : i32
        %add3A_107 = arith.addi %add3A_105, %add3A_106 : i32
        %mul3A_108 = arith.constant 48 : i32
        %mul3A_109 = arith.muli %add3A_107, %mul3A_108 : i32
        %min3A_110 = arith.constant 4952 : i32
        %min3A_111 = arith.minsi %mul3A_109, %min3A_110 : i32
        %dma_start3A_112 = tpu.memref_slice %arg6[%min3A_111] : memref<5000xi32, #tpu.memory_space<vmem>> -> memref<48xi32, #tpu.memory_space<vmem>>
        %dma_start3A_113 = arith.constant 0 : i32
        %dma_start3A_114 = arith.constant 0 : i32
        %dma_start3A_115 = tpu.memref_slice %arg2[%dma_start3A_113, %dma_start3A_114] : memref<10000x256xf32, #tpu.memory_space<hbm>> -> memref<10000x256xf32, #tpu.memory_space<hbm>>
        tpu.enqueue_indirect_dma source(%dma_start3A_115 : memref<10000x256xf32, #tpu.memory_space<hbm>>) target(%arg12 : memref<48x256xf32, #tpu.memory_space<vmem>>) offsets(%dma_start3A_112 : memref<48xi32, #tpu.memory_space<vmem>>) semaphore(%arg19 : memref<!tpu.dma_semaphore, #tpu.memory_space<semaphore_mem>>)
        %dma_start3A_116 = tpu.memref_slice %arg7[%min3A_111] : memref<5000xi32, #tpu.memory_space<vmem>> -> memref<48xi32, #tpu.memory_space<vmem>>
        %dma_start3A_117 = arith.constant 0 : i32
        %dma_start3A_118 = arith.constant 0 : i32
        %dma_start3A_119 = tpu.memref_slice %arg2[%dma_start3A_117, %dma_start3A_118] : memref<10000x256xf32, #tpu.memory_space<hbm>> -> memref<10000x256xf32, #tpu.memory_space<hbm>>
        tpu.enqueue_indirect_dma source(%dma_start3A_119 : memref<10000x256xf32, #tpu.memory_space<hbm>>) target(%arg13 : memref<48x256xf32, #tpu.memory_space<vmem>>) offsets(%dma_start3A_116 : memref<48xi32, #tpu.memory_space<vmem>>) semaphore(%arg19 : memref<!tpu.dma_semaphore, #tpu.memory_space<semaphore_mem>>)
      } else {
      }
      %add3A_97 = arith.constant 3 : i32
      %add3A_98 = arith.addi %add3A_42, %add3A_97 : i32
      %lt3A_99 = arith.constant 105 : i32
      %lt3A_100 = arith.cmpi slt, %add3A_98, %lt3A_99 : i32
      %convert_element_type3A_101 = arith.extui %lt3A_100 : i1 to i32
      %cond3A_102 = arith.constant 0 : i32
      %cond3A_103 = arith.cmpi ne, %convert_element_type3A_101, %cond3A_102 : i32
      scf.if %cond3A_103 {
        %dma_wait3A = arith.constant 0 : i32
        %dma_wait3A_104 = tpu.memref_slice %arg6[%dma_wait3A] : memref<5000xi32, #tpu.memory_space<vmem>> -> memref<48xi32, #tpu.memory_space<vmem>>
        %dma_wait3A_105 = arith.constant 0 : i32
        %dma_wait3A_106 = arith.constant 0 : i32
        %dma_wait3A_107 = tpu.memref_slice %arg2[%dma_wait3A_105, %dma_wait3A_106] : memref<10000x256xf32, #tpu.memory_space<hbm>> -> memref<10000x256xf32, #tpu.memory_space<hbm>>
        tpu.wait_indirect_dma semaphore(%arg20 : memref<!tpu.dma_semaphore, #tpu.memory_space<semaphore_mem>>) src(%dma_wait3A_107 : memref<10000x256xf32, #tpu.memory_space<hbm>>) dst(%arg14 : memref<48x256xf32, #tpu.memory_space<vmem>>)
        %dma_wait3A_108 = arith.constant 0 : i32
        %dma_wait3A_109 = tpu.memref_slice %arg7[%dma_wait3A_108] : memref<5000xi32, #tpu.memory_space<vmem>> -> memref<48xi32, #tpu.memory_space<vmem>>
        %dma_wait3A_110 = arith.constant 0 : i32
        %dma_wait3A_111 = arith.constant 0 : i32
        %dma_wait3A_112 = tpu.memref_slice %arg2[%dma_wait3A_110, %dma_wait3A_111] : memref<10000x256xf32, #tpu.memory_space<hbm>> -> memref<10000x256xf32, #tpu.memory_space<hbm>>
        tpu.wait_indirect_dma semaphore(%arg20 : memref<!tpu.dma_semaphore, #tpu.memory_space<semaphore_mem>>) src(%dma_wait3A_112 : memref<10000x256xf32, #tpu.memory_space<hbm>>) dst(%arg15 : memref<48x256xf32, #tpu.memory_space<vmem>>)
        %add3A_113 = arith.constant 3 : i32
        %add3A_114 = arith.addi %add3A_42, %add3A_113 : i32
        %mul3A_115 = arith.constant 48 : i32
        %mul3A_116 = arith.muli %add3A_114, %mul3A_115 : i32
        %min3A_117 = arith.constant 4952 : i32
        %min3A_118 = arith.minsi %mul3A_116, %min3A_117 : i32
        %iota3A = tpu.iota {dimensions = array<i32: 0>} : vector<16xi32>
        %broadcast_in_dim3A = arith.constant 0.000000e+00 : f32
        %broadcast_in_dim3A_119 = vector.broadcast %broadcast_in_dim3A : f32 to vector<16xf32>
        %add3A_120 = arith.constant 0 : i32
        %add3A_121 = vector.broadcast %add3A_120 : i32 to vector<16xi32>
        %add3A_122 = arith.addi %iota3A, %add3A_121 : vector<16xi32>
        %add3A_123 = arith.constant 16 : i32
        %add3A_124 = vector.broadcast %add3A_123 : i32 to vector<16xi32>
        %add3A_125 = arith.addi %iota3A, %add3A_124 : vector<16xi32>
        %scan3A_126 = arith.constant 0 : i32
        %scan3A_127 = arith.constant 256 : i32
        %scan3A_128 = arith.addi %scan3A_126, %scan3A_127 : i32
        %scan3A_129 = arith.constant 8 : i32
        %scan3A_130:2 = scf.for %scan3A_152 = %scan3A_126 to %scan3A_128 step %scan3A_129 iter_args(%scan3A_153 = %broadcast_in_dim3A_119, %scan3A_154 = %broadcast_in_dim3A_119) -> (vector<16xf32>, vector<16xf32>)  : i32 {
          %add3A_155 = vector.broadcast %scan3A_152 : i32 to vector<16xi32>
          %add3A_156 = arith.addi %iota3A, %add3A_155 : vector<16xi32>
          %and3A = arith.constant 255 : i32
          %and3A_157 = vector.broadcast %and3A : i32 to vector<16xi32>
          %and3A_158 = arith.andi %add3A_156, %and3A_157 : vector<16xi32>
          %gather3A = tpu.vector_load_idx %arg14[%add3A_122, %and3A_158] : memref<48x256xf32, #tpu.memory_space<vmem>>[vector<16xi32>, vector<16xi32>], vector<16xf32>,
          %gather3A_159 = tpu.vector_load_idx %arg15[%add3A_122, %and3A_158] : memref<48x256xf32, #tpu.memory_space<vmem>>[vector<16xi32>, vector<16xi32>], vector<16xf32>,
          %gather3A_160 = tpu.vector_load_idx %arg14[%add3A_125, %and3A_158] : memref<48x256xf32, #tpu.memory_space<vmem>>[vector<16xi32>, vector<16xi32>], vector<16xf32>,
          %gather3A_161 = tpu.vector_load_idx %arg15[%add3A_125, %and3A_158] : memref<48x256xf32, #tpu.memory_space<vmem>>[vector<16xi32>, vector<16xi32>], vector<16xf32>,
          %mul3A_162 = arith.mulf %gather3A, %gather3A_159 : vector<16xf32>
          %add3A_163 = arith.addf %scan3A_153, %mul3A_162 : vector<16xf32>
          %mul3A_164 = arith.mulf %gather3A_160, %gather3A_161 : vector<16xf32>
          %add3A_165 = arith.addf %scan3A_154, %mul3A_164 : vector<16xf32>
          %scan3A_166 = arith.constant 1 : i32
          %scan3A_167 = arith.addi %scan3A_152, %scan3A_166 : i32
          %add3A_168 = vector.broadcast %scan3A_167 : i32 to vector<16xi32>
          %add3A_169 = arith.addi %iota3A, %add3A_168 : vector<16xi32>
          %and3A_170 = arith.constant 255 : i32
          %and3A_171 = vector.broadcast %and3A_170 : i32 to vector<16xi32>
          %and3A_172 = arith.andi %add3A_169, %and3A_171 : vector<16xi32>
          %gather3A_173 = tpu.vector_load_idx %arg14[%add3A_122, %and3A_172] : memref<48x256xf32, #tpu.memory_space<vmem>>[vector<16xi32>, vector<16xi32>], vector<16xf32>,
          %gather3A_174 = tpu.vector_load_idx %arg15[%add3A_122, %and3A_172] : memref<48x256xf32, #tpu.memory_space<vmem>>[vector<16xi32>, vector<16xi32>], vector<16xf32>,
          %gather3A_175 = tpu.vector_load_idx %arg14[%add3A_125, %and3A_172] : memref<48x256xf32, #tpu.memory_space<vmem>>[vector<16xi32>, vector<16xi32>], vector<16xf32>,
          %gather3A_176 = tpu.vector_load_idx %arg15[%add3A_125, %and3A_172] : memref<48x256xf32, #tpu.memory_space<vmem>>[vector<16xi32>, vector<16xi32>], vector<16xf32>,
          %mul3A_177 = arith.mulf %gather3A_173, %gather3A_174 : vector<16xf32>
          %add3A_178 = arith.addf %add3A_163, %mul3A_177 : vector<16xf32>
          %mul3A_179 = arith.mulf %gather3A_175, %gather3A_176 : vector<16xf32>
          %add3A_180 = arith.addf %add3A_165, %mul3A_179 : vector<16xf32>
          %scan3A_181 = arith.constant 2 : i32
          %scan3A_182 = arith.addi %scan3A_152, %scan3A_181 : i32
          %add3A_183 = vector.broadcast %scan3A_182 : i32 to vector<16xi32>
          %add3A_184 = arith.addi %iota3A, %add3A_183 : vector<16xi32>
          %and3A_185 = arith.constant 255 : i32
          %and3A_186 = vector.broadcast %and3A_185 : i32 to vector<16xi32>
          %and3A_187 = arith.andi %add3A_184, %and3A_186 : vector<16xi32>
          %gather3A_188 = tpu.vector_load_idx %arg14[%add3A_122, %and3A_187] : memref<48x256xf32, #tpu.memory_space<vmem>>[vector<16xi32>, vector<16xi32>], vector<16xf32>,
          %gather3A_189 = tpu.vector_load_idx %arg15[%add3A_122, %and3A_187] : memref<48x256xf32, #tpu.memory_space<vmem>>[vector<16xi32>, vector<16xi32>], vector<16xf32>,
          %gather3A_190 = tpu.vector_load_idx %arg14[%add3A_125, %and3A_187] : memref<48x256xf32, #tpu.memory_space<vmem>>[vector<16xi32>, vector<16xi32>], vector<16xf32>,
          %gather3A_191 = tpu.vector_load_idx %arg15[%add3A_125, %and3A_187] : memref<48x256xf32, #tpu.memory_space<vmem>>[vector<16xi32>, vector<16xi32>], vector<16xf32>,
          %mul3A_192 = arith.mulf %gather3A_188, %gather3A_189 : vector<16xf32>
          %add3A_193 = arith.addf %add3A_178, %mul3A_192 : vector<16xf32>
          %mul3A_194 = arith.mulf %gather3A_190, %gather3A_191 : vector<16xf32>
          %add3A_195 = arith.addf %add3A_180, %mul3A_194 : vector<16xf32>
          %scan3A_196 = arith.constant 3 : i32
          %scan3A_197 = arith.addi %scan3A_152, %scan3A_196 : i32
          %add3A_198 = vector.broadcast %scan3A_197 : i32 to vector<16xi32>
          %add3A_199 = arith.addi %iota3A, %add3A_198 : vector<16xi32>
          %and3A_200 = arith.constant 255 : i32
          %and3A_201 = vector.broadcast %and3A_200 : i32 to vector<16xi32>
          %and3A_202 = arith.andi %add3A_199, %and3A_201 : vector<16xi32>
          %gather3A_203 = tpu.vector_load_idx %arg14[%add3A_122, %and3A_202] : memref<48x256xf32, #tpu.memory_space<vmem>>[vector<16xi32>, vector<16xi32>], vector<16xf32>,
          %gather3A_204 = tpu.vector_load_idx %arg15[%add3A_122, %and3A_202] : memref<48x256xf32, #tpu.memory_space<vmem>>[vector<16xi32>, vector<16xi32>], vector<16xf32>,
          %gather3A_205 = tpu.vector_load_idx %arg14[%add3A_125, %and3A_202] : memref<48x256xf32, #tpu.memory_space<vmem>>[vector<16xi32>, vector<16xi32>], vector<16xf32>,
          %gather3A_206 = tpu.vector_load_idx %arg15[%add3A_125, %and3A_202] : memref<48x256xf32, #tpu.memory_space<vmem>>[vector<16xi32>, vector<16xi32>], vector<16xf32>,
          %mul3A_207 = arith.mulf %gather3A_203, %gather3A_204 : vector<16xf32>
          %add3A_208 = arith.addf %add3A_193, %mul3A_207 : vector<16xf32>
          %mul3A_209 = arith.mulf %gather3A_205, %gather3A_206 : vector<16xf32>
          %add3A_210 = arith.addf %add3A_195, %mul3A_209 : vector<16xf32>
          %scan3A_211 = arith.constant 4 : i32
          %scan3A_212 = arith.addi %scan3A_152, %scan3A_211 : i32
          %add3A_213 = vector.broadcast %scan3A_212 : i32 to vector<16xi32>
          %add3A_214 = arith.addi %iota3A, %add3A_213 : vector<16xi32>
          %and3A_215 = arith.constant 255 : i32
          %and3A_216 = vector.broadcast %and3A_215 : i32 to vector<16xi32>
          %and3A_217 = arith.andi %add3A_214, %and3A_216 : vector<16xi32>
          %gather3A_218 = tpu.vector_load_idx %arg14[%add3A_122, %and3A_217] : memref<48x256xf32, #tpu.memory_space<vmem>>[vector<16xi32>, vector<16xi32>], vector<16xf32>,
          %gather3A_219 = tpu.vector_load_idx %arg15[%add3A_122, %and3A_217] : memref<48x256xf32, #tpu.memory_space<vmem>>[vector<16xi32>, vector<16xi32>], vector<16xf32>,
          %gather3A_220 = tpu.vector_load_idx %arg14[%add3A_125, %and3A_217] : memref<48x256xf32, #tpu.memory_space<vmem>>[vector<16xi32>, vector<16xi32>], vector<16xf32>,
          %gather3A_221 = tpu.vector_load_idx %arg15[%add3A_125, %and3A_217] : memref<48x256xf32, #tpu.memory_space<vmem>>[vector<16xi32>, vector<16xi32>], vector<16xf32>,
          %mul3A_222 = arith.mulf %gather3A_218, %gather3A_219 : vector<16xf32>
          %add3A_223 = arith.addf %add3A_208, %mul3A_222 : vector<16xf32>
          %mul3A_224 = arith.mulf %gather3A_220, %gather3A_221 : vector<16xf32>
          %add3A_225 = arith.addf %add3A_210, %mul3A_224 : vector<16xf32>
          %scan3A_226 = arith.constant 5 : i32
          %scan3A_227 = arith.addi %scan3A_152, %scan3A_226 : i32
          %add3A_228 = vector.broadcast %scan3A_227 : i32 to vector<16xi32>
          %add3A_229 = arith.addi %iota3A, %add3A_228 : vector<16xi32>
          %and3A_230 = arith.constant 255 : i32
          %and3A_231 = vector.broadcast %and3A_230 : i32 to vector<16xi32>
          %and3A_232 = arith.andi %add3A_229, %and3A_231 : vector<16xi32>
          %gather3A_233 = tpu.vector_load_idx %arg14[%add3A_122, %and3A_232] : memref<48x256xf32, #tpu.memory_space<vmem>>[vector<16xi32>, vector<16xi32>], vector<16xf32>,
          %gather3A_234 = tpu.vector_load_idx %arg15[%add3A_122, %and3A_232] : memref<48x256xf32, #tpu.memory_space<vmem>>[vector<16xi32>, vector<16xi32>], vector<16xf32>,
          %gather3A_235 = tpu.vector_load_idx %arg14[%add3A_125, %and3A_232] : memref<48x256xf32, #tpu.memory_space<vmem>>[vector<16xi32>, vector<16xi32>], vector<16xf32>,
          %gather3A_236 = tpu.vector_load_idx %arg15[%add3A_125, %and3A_232] : memref<48x256xf32, #tpu.memory_space<vmem>>[vector<16xi32>, vector<16xi32>], vector<16xf32>,
          %mul3A_237 = arith.mulf %gather3A_233, %gather3A_234 : vector<16xf32>
          %add3A_238 = arith.addf %add3A_223, %mul3A_237 : vector<16xf32>
          %mul3A_239 = arith.mulf %gather3A_235, %gather3A_236 : vector<16xf32>
          %add3A_240 = arith.addf %add3A_225, %mul3A_239 : vector<16xf32>
          %scan3A_241 = arith.constant 6 : i32
          %scan3A_242 = arith.addi %scan3A_152, %scan3A_241 : i32
          %add3A_243 = vector.broadcast %scan3A_242 : i32 to vector<16xi32>
          %add3A_244 = arith.addi %iota3A, %add3A_243 : vector<16xi32>
          %and3A_245 = arith.constant 255 : i32
          %and3A_246 = vector.broadcast %and3A_245 : i32 to vector<16xi32>
          %and3A_247 = arith.andi %add3A_244, %and3A_246 : vector<16xi32>
          %gather3A_248 = tpu.vector_load_idx %arg14[%add3A_122, %and3A_247] : memref<48x256xf32, #tpu.memory_space<vmem>>[vector<16xi32>, vector<16xi32>], vector<16xf32>,
          %gather3A_249 = tpu.vector_load_idx %arg15[%add3A_122, %and3A_247] : memref<48x256xf32, #tpu.memory_space<vmem>>[vector<16xi32>, vector<16xi32>], vector<16xf32>,
          %gather3A_250 = tpu.vector_load_idx %arg14[%add3A_125, %and3A_247] : memref<48x256xf32, #tpu.memory_space<vmem>>[vector<16xi32>, vector<16xi32>], vector<16xf32>,
          %gather3A_251 = tpu.vector_load_idx %arg15[%add3A_125, %and3A_247] : memref<48x256xf32, #tpu.memory_space<vmem>>[vector<16xi32>, vector<16xi32>], vector<16xf32>,
          %mul3A_252 = arith.mulf %gather3A_248, %gather3A_249 : vector<16xf32>
          %add3A_253 = arith.addf %add3A_238, %mul3A_252 : vector<16xf32>
          %mul3A_254 = arith.mulf %gather3A_250, %gather3A_251 : vector<16xf32>
          %add3A_255 = arith.addf %add3A_240, %mul3A_254 : vector<16xf32>
          %scan3A_256 = arith.constant 7 : i32
          %scan3A_257 = arith.addi %scan3A_152, %scan3A_256 : i32
          %add3A_258 = vector.broadcast %scan3A_257 : i32 to vector<16xi32>
          %add3A_259 = arith.addi %iota3A, %add3A_258 : vector<16xi32>
          %and3A_260 = arith.constant 255 : i32
          %and3A_261 = vector.broadcast %and3A_260 : i32 to vector<16xi32>
          %and3A_262 = arith.andi %add3A_259, %and3A_261 : vector<16xi32>
          %gather3A_263 = tpu.vector_load_idx %arg14[%add3A_122, %and3A_262] : memref<48x256xf32, #tpu.memory_space<vmem>>[vector<16xi32>, vector<16xi32>], vector<16xf32>,
          %gather3A_264 = tpu.vector_load_idx %arg15[%add3A_122, %and3A_262] : memref<48x256xf32, #tpu.memory_space<vmem>>[vector<16xi32>, vector<16xi32>], vector<16xf32>,
          %gather3A_265 = tpu.vector_load_idx %arg14[%add3A_125, %and3A_262] : memref<48x256xf32, #tpu.memory_space<vmem>>[vector<16xi32>, vector<16xi32>], vector<16xf32>,
          %gather3A_266 = tpu.vector_load_idx %arg15[%add3A_125, %and3A_262] : memref<48x256xf32, #tpu.memory_space<vmem>>[vector<16xi32>, vector<16xi32>], vector<16xf32>,
          %mul3A_267 = arith.mulf %gather3A_263, %gather3A_264 : vector<16xf32>
          %add3A_268 = arith.addf %add3A_253, %mul3A_267 : vector<16xf32>
          %mul3A_269 = arith.mulf %gather3A_265, %gather3A_266 : vector<16xf32>
          %add3A_270 = arith.addf %add3A_255, %mul3A_269 : vector<16xf32>
          scf.yield %add3A_268, %add3A_270 : vector<16xf32>, vector<16xf32>
        }
        %scan3A_131 = arith.constant 256 : i32
        %add3A_132 = arith.constant 0 : i32
        %add3A_133 = arith.addi %min3A_118, %add3A_132 : i32
        %swap3A = arith.index_cast %add3A_133 : i32 to index
        %swap3A_134 = tpu.vector_load %arg16[%swap3A] {strides = array<i32>} : memref<5000xf32, #tpu.memory_space<vmem>>, vector<16xf32>,
        tpu.vector_store %arg16[%swap3A], %scan3A_130#0 {strides = array<i32>} : memref<5000xf32, #tpu.memory_space<vmem>>, vector<16xf32>,
        %add3A_135 = arith.constant 16 : i32
        %add3A_136 = arith.addi %min3A_118, %add3A_135 : i32
        %swap3A_137 = arith.index_cast %add3A_136 : i32 to index
        %swap3A_138 = tpu.vector_load %arg16[%swap3A_137] {strides = array<i32>} : memref<5000xf32, #tpu.memory_space<vmem>>, vector<16xf32>,
        tpu.vector_store %arg16[%swap3A_137], %scan3A_130#1 {strides = array<i32>} : memref<5000xf32, #tpu.memory_space<vmem>>, vector<16xf32>,
        %add3A_139 = arith.constant 32 : i32
        %add3A_140 = vector.broadcast %add3A_139 : i32 to vector<16xi32>
        %add3A_141 = arith.addi %iota3A, %add3A_140 : vector<16xi32>
        %scan3A_142 = arith.constant 0 : i32
        %scan3A_143 = arith.constant 256 : i32
        %scan3A_144 = arith.addi %scan3A_142, %scan3A_143 : i32
        %scan3A_145 = arith.constant 8 : i32
        %scan3A_146 = scf.for %scan3A_152 = %scan3A_142 to %scan3A_144 step %scan3A_145 iter_args(%scan3A_153 = %broadcast_in_dim3A_119) -> (vector<16xf32>)  : i32 {
          %add3A_154 = vector.broadcast %scan3A_152 : i32 to vector<16xi32>
          %add3A_155 = arith.addi %iota3A, %add3A_154 : vector<16xi32>
          %and3A = arith.constant 255 : i32
          %and3A_156 = vector.broadcast %and3A : i32 to vector<16xi32>
          %and3A_157 = arith.andi %add3A_155, %and3A_156 : vector<16xi32>
          %gather3A = tpu.vector_load_idx %arg14[%add3A_141, %and3A_157] : memref<48x256xf32, #tpu.memory_space<vmem>>[vector<16xi32>, vector<16xi32>], vector<16xf32>,
          %gather3A_158 = tpu.vector_load_idx %arg15[%add3A_141, %and3A_157] : memref<48x256xf32, #tpu.memory_space<vmem>>[vector<16xi32>, vector<16xi32>], vector<16xf32>,
          %mul3A_159 = arith.mulf %gather3A, %gather3A_158 : vector<16xf32>
          %add3A_160 = arith.addf %scan3A_153, %mul3A_159 : vector<16xf32>
          %scan3A_161 = arith.constant 1 : i32
          %scan3A_162 = arith.addi %scan3A_152, %scan3A_161 : i32
          %add3A_163 = vector.broadcast %scan3A_162 : i32 to vector<16xi32>
          %add3A_164 = arith.addi %iota3A, %add3A_163 : vector<16xi32>
          %and3A_165 = arith.constant 255 : i32
          %and3A_166 = vector.broadcast %and3A_165 : i32 to vector<16xi32>
          %and3A_167 = arith.andi %add3A_164, %and3A_166 : vector<16xi32>
          %gather3A_168 = tpu.vector_load_idx %arg14[%add3A_141, %and3A_167] : memref<48x256xf32, #tpu.memory_space<vmem>>[vector<16xi32>, vector<16xi32>], vector<16xf32>,
          %gather3A_169 = tpu.vector_load_idx %arg15[%add3A_141, %and3A_167] : memref<48x256xf32, #tpu.memory_space<vmem>>[vector<16xi32>, vector<16xi32>], vector<16xf32>,
          %mul3A_170 = arith.mulf %gather3A_168, %gather3A_169 : vector<16xf32>
          %add3A_171 = arith.addf %add3A_160, %mul3A_170 : vector<16xf32>
          %scan3A_172 = arith.constant 2 : i32
          %scan3A_173 = arith.addi %scan3A_152, %scan3A_172 : i32
          %add3A_174 = vector.broadcast %scan3A_173 : i32 to vector<16xi32>
          %add3A_175 = arith.addi %iota3A, %add3A_174 : vector<16xi32>
          %and3A_176 = arith.constant 255 : i32
          %and3A_177 = vector.broadcast %and3A_176 : i32 to vector<16xi32>
          %and3A_178 = arith.andi %add3A_175, %and3A_177 : vector<16xi32>
          %gather3A_179 = tpu.vector_load_idx %arg14[%add3A_141, %and3A_178] : memref<48x256xf32, #tpu.memory_space<vmem>>[vector<16xi32>, vector<16xi32>], vector<16xf32>,
          %gather3A_180 = tpu.vector_load_idx %arg15[%add3A_141, %and3A_178] : memref<48x256xf32, #tpu.memory_space<vmem>>[vector<16xi32>, vector<16xi32>], vector<16xf32>,
          %mul3A_181 = arith.mulf %gather3A_179, %gather3A_180 : vector<16xf32>
          %add3A_182 = arith.addf %add3A_171, %mul3A_181 : vector<16xf32>
          %scan3A_183 = arith.constant 3 : i32
          %scan3A_184 = arith.addi %scan3A_152, %scan3A_183 : i32
          %add3A_185 = vector.broadcast %scan3A_184 : i32 to vector<16xi32>
          %add3A_186 = arith.addi %iota3A, %add3A_185 : vector<16xi32>
          %and3A_187 = arith.constant 255 : i32
          %and3A_188 = vector.broadcast %and3A_187 : i32 to vector<16xi32>
          %and3A_189 = arith.andi %add3A_186, %and3A_188 : vector<16xi32>
          %gather3A_190 = tpu.vector_load_idx %arg14[%add3A_141, %and3A_189] : memref<48x256xf32, #tpu.memory_space<vmem>>[vector<16xi32>, vector<16xi32>], vector<16xf32>,
          %gather3A_191 = tpu.vector_load_idx %arg15[%add3A_141, %and3A_189] : memref<48x256xf32, #tpu.memory_space<vmem>>[vector<16xi32>, vector<16xi32>], vector<16xf32>,
          %mul3A_192 = arith.mulf %gather3A_190, %gather3A_191 : vector<16xf32>
          %add3A_193 = arith.addf %add3A_182, %mul3A_192 : vector<16xf32>
          %scan3A_194 = arith.constant 4 : i32
          %scan3A_195 = arith.addi %scan3A_152, %scan3A_194 : i32
          %add3A_196 = vector.broadcast %scan3A_195 : i32 to vector<16xi32>
          %add3A_197 = arith.addi %iota3A, %add3A_196 : vector<16xi32>
          %and3A_198 = arith.constant 255 : i32
          %and3A_199 = vector.broadcast %and3A_198 : i32 to vector<16xi32>
          %and3A_200 = arith.andi %add3A_197, %and3A_199 : vector<16xi32>
          %gather3A_201 = tpu.vector_load_idx %arg14[%add3A_141, %and3A_200] : memref<48x256xf32, #tpu.memory_space<vmem>>[vector<16xi32>, vector<16xi32>], vector<16xf32>,
          %gather3A_202 = tpu.vector_load_idx %arg15[%add3A_141, %and3A_200] : memref<48x256xf32, #tpu.memory_space<vmem>>[vector<16xi32>, vector<16xi32>], vector<16xf32>,
          %mul3A_203 = arith.mulf %gather3A_201, %gather3A_202 : vector<16xf32>
          %add3A_204 = arith.addf %add3A_193, %mul3A_203 : vector<16xf32>
          %scan3A_205 = arith.constant 5 : i32
          %scan3A_206 = arith.addi %scan3A_152, %scan3A_205 : i32
          %add3A_207 = vector.broadcast %scan3A_206 : i32 to vector<16xi32>
          %add3A_208 = arith.addi %iota3A, %add3A_207 : vector<16xi32>
          %and3A_209 = arith.constant 255 : i32
          %and3A_210 = vector.broadcast %and3A_209 : i32 to vector<16xi32>
          %and3A_211 = arith.andi %add3A_208, %and3A_210 : vector<16xi32>
          %gather3A_212 = tpu.vector_load_idx %arg14[%add3A_141, %and3A_211] : memref<48x256xf32, #tpu.memory_space<vmem>>[vector<16xi32>, vector<16xi32>], vector<16xf32>,
          %gather3A_213 = tpu.vector_load_idx %arg15[%add3A_141, %and3A_211] : memref<48x256xf32, #tpu.memory_space<vmem>>[vector<16xi32>, vector<16xi32>], vector<16xf32>,
          %mul3A_214 = arith.mulf %gather3A_212, %gather3A_213 : vector<16xf32>
          %add3A_215 = arith.addf %add3A_204, %mul3A_214 : vector<16xf32>
          %scan3A_216 = arith.constant 6 : i32
          %scan3A_217 = arith.addi %scan3A_152, %scan3A_216 : i32
          %add3A_218 = vector.broadcast %scan3A_217 : i32 to vector<16xi32>
          %add3A_219 = arith.addi %iota3A, %add3A_218 : vector<16xi32>
          %and3A_220 = arith.constant 255 : i32
          %and3A_221 = vector.broadcast %and3A_220 : i32 to vector<16xi32>
          %and3A_222 = arith.andi %add3A_219, %and3A_221 : vector<16xi32>
          %gather3A_223 = tpu.vector_load_idx %arg14[%add3A_141, %and3A_222] : memref<48x256xf32, #tpu.memory_space<vmem>>[vector<16xi32>, vector<16xi32>], vector<16xf32>,
          %gather3A_224 = tpu.vector_load_idx %arg15[%add3A_141, %and3A_222] : memref<48x256xf32, #tpu.memory_space<vmem>>[vector<16xi32>, vector<16xi32>], vector<16xf32>,
          %mul3A_225 = arith.mulf %gather3A_223, %gather3A_224 : vector<16xf32>
          %add3A_226 = arith.addf %add3A_215, %mul3A_225 : vector<16xf32>
          %scan3A_227 = arith.constant 7 : i32
          %scan3A_228 = arith.addi %scan3A_152, %scan3A_227 : i32
          %add3A_229 = vector.broadcast %scan3A_228 : i32 to vector<16xi32>
          %add3A_230 = arith.addi %iota3A, %add3A_229 : vector<16xi32>
          %and3A_231 = arith.constant 255 : i32
          %and3A_232 = vector.broadcast %and3A_231 : i32 to vector<16xi32>
          %and3A_233 = arith.andi %add3A_230, %and3A_232 : vector<16xi32>
          %gather3A_234 = tpu.vector_load_idx %arg14[%add3A_141, %and3A_233] : memref<48x256xf32, #tpu.memory_space<vmem>>[vector<16xi32>, vector<16xi32>], vector<16xf32>,
          %gather3A_235 = tpu.vector_load_idx %arg15[%add3A_141, %and3A_233] : memref<48x256xf32, #tpu.memory_space<vmem>>[vector<16xi32>, vector<16xi32>], vector<16xf32>,
          %mul3A_236 = arith.mulf %gather3A_234, %gather3A_235 : vector<16xf32>
          %add3A_237 = arith.addf %add3A_226, %mul3A_236 : vector<16xf32>
          scf.yield %add3A_237 : vector<16xf32>
        }
        %scan3A_147 = arith.constant 256 : i32
        %add3A_148 = arith.constant 32 : i32
        %add3A_149 = arith.addi %min3A_118, %add3A_148 : i32
        %swap3A_150 = arith.index_cast %add3A_149 : i32 to index
        %swap3A_151 = tpu.vector_load %arg16[%swap3A_150] {strides = array<i32>} : memref<5000xf32, #tpu.memory_space<vmem>>, vector<16xf32>,
        tpu.vector_store %arg16[%swap3A_150], %scan3A_146 {strides = array<i32>} : memref<5000xf32, #tpu.memory_space<vmem>>, vector<16xf32>,
      } else {
      }
    }
    %scan3A_37 = arith.constant 27 : i32
    "tpu.region"() ({
      %run_scoped3A = tpu.sem_alloc : memref<!tpu.dma_semaphore, #tpu.memory_space<semaphore_mem>>
      %dma_start3A_38 = tpu.memref_slice %arg5[%mul3A_2] : memref<160000xf32, #tpu.memory_space<hbm>> -> memref<5000xf32, #tpu.memory_space<hbm>>
      %dma_start3A_39 = tpu.memref_slice %arg5[%mul3A_2] : memref<160000xf32, #tpu.memory_space<hbm>> -> memref<5000xf32, #tpu.memory_space<hbm>>
      tpu.enqueue_dma source(%arg16 : memref<5000xf32, #tpu.memory_space<vmem>>) target(%dma_start3A_39 : memref<5000xf32, #tpu.memory_space<hbm>>) target_semaphore(%run_scoped3A : memref<!tpu.dma_semaphore, #tpu.memory_space<semaphore_mem>>)
      %dma_wait3A = tpu.memref_slice %arg5[%mul3A_2] : memref<160000xf32, #tpu.memory_space<hbm>> -> memref<5000xf32, #tpu.memory_space<hbm>>
      %dma_wait3A_40 = tpu.memref_slice %arg5[%mul3A_2] : memref<160000xf32, #tpu.memory_space<hbm>> -> memref<5000xf32, #tpu.memory_space<hbm>>
      tpu.wait_dma2 semaphore(%run_scoped3A : memref<!tpu.dma_semaphore, #tpu.memory_space<semaphore_mem>>) src(%arg16 : memref<5000xf32, #tpu.memory_space<vmem>>) dst(%dma_wait3A_40 : memref<5000xf32, #tpu.memory_space<hbm>>)
      tpu.yield
    }) : () -> ()
    return
  }
}

</mosaic_0001>

<sc_bundles>
// kernel: kernel.3.cloned.1.call-start
scs
__scs_entry_jumppad:
0x0: {  	(pc) =	sbr.rel $0x88, $3  }
0x1: {  	(tag) =	ssettag $0x0;
	lr =	simm.s32 $0x1  }
0x2: {  	[smem:$0x3F9F] =	sst lr;
	_ =	strace $0xD0000000  }
0x3: {  	_ = 	snop  }
0x4: {  	_ = 	snop  }
0x5: {  	_ = 	snop  }
0x6: {  	_ = 	snop  }
0x7: {  	_ = 	snop  }
__scs_overlays_trampoline_lowered:
0x8: {  	[smem:$0x3FAE] =	sst s0  }
0x9: {  	[smem:$0x3FAF] =	sst s1  }
0xa: {  	[smem:$0x3FB0] =	sst s2  }
0xb: {  	[smem:$0x3FB1] =	sst s3  }
0xc: {  	[smem:$0x3FB2] =	sst s4  }
0xd: {  	[smem:$0x3FB3] =	sst s5  }
0xe: {  	[smem:$0x3FB4] =	sst s6  }
0xf: {  	[smem:$0x3FB5] =	sst s7  }
0x10: {  	[smem:$0x3FB6] =	sst s8  }
0x11: {  	[smem:$0x3FB7] =	sst s9;
	s0 =	simm.s32 @!p0 $0x0  }
0x12: {  	s1 =	sld [smem:$0x3F9D];
	s0 =	simm.s32 @p0 $0x1  }
0x13: {  	[smem:$0x3FB8] =	sst s0;
	s0 =	simm.s32 @!p1 $0x0  }
0x14: {  	s2 =	sld [smem:$0x3F9C];
	s0 =	simm.s32 @p1 $0x1  }
0x15: {  	[smem:$0x3FB9] =	sst s0;
	s0 =	simm.s32 @!p2 $0x0  }
0x16: {  	s3 =	sld [smem:$0x3FDB];
	s0 =	simm.s32 @p2 $0x1  }
0x17: {  	s4 =	simm.s32 $0x1BF5;
	[smem:$0x3FBB] =	sst s0  }
0x18: {  	s0 =	sld [smem:$0x3F9E];
	_ =	swait.ge [sflag:s4], $0x0  }
0x19: {  	s7 =	sld [smem:$0x3F9F]  }
0x1a: {  	s8 =	sadd.s32 $0xFFFFE003, lr  }
0x1b: {  	s9 =	sadd.s32 $0xFFFFFEF7, lr;
	s5 =	simm.s32 $0xFFFFFFFF;
	p2 =	slt.u32 s8, $0xFFFFF086  }
0x1c: {  	p1 =	slt.u32 s9, $0xF7A;
	s5 =	simm.s32 @!p2 $0x0  }
0x1d: {  	s5 =	simm.s32 @p1 $0x1;
	p0 =	seq.s32 s7, s2  }
0x1e: {  	s7 =	smul.u32 @!p0 $0xF7A, s2;
	p2 =	seq.s32 @!p0 s5, $0x0  }
0x1f: {  	s9 =	smul.u32 $0xF7A, s1;
	s8 =	simm.s32 @!p0 $0x1BF5;
	p2 =	por !p2, p0  }
0x20: {  	[sflag:s8] =	ssyncset.s32 @!p0 $0xFFFFF086;
	s6 =	sadd.s32 @!p0 s3, s7;
	s7 =	simm.s32 @!p0 $0x108  }
0x21: {  	s3 =	sadd.s32 s3, s9;
	s6 =	sadd.s32 @!p0 $0x88, s6;
	s7 =	simm.s32 @p2 $0x1082  }
0x22: {  	[simem:s7], [sflag:s8] =	dma.local @!p0 [hbm:s6], $0xF7A  }
0x23: {  	s9 =	sor.u32 $0xD0000000, s2;
	s6 =	simm.s32 $0x108;
	_ =	swait.ge @!p0 [sflag:s8], $0x0  }
0x24: {  	s3 =	sadd.s32 $0x88, s3;
	s6 =	simm.s32 @!p1 $0x1082;
	[sflag:s4] =	ssyncset.s32 $0xFFFFF086  }
0x25: {  	[simem:s6], [sflag:s4] =	dma.local [hbm:s3], $0xF7A  }
0x26: {  	[smem:$0x3F9F] =	sst s1;
	(tag) =	ssettag s2;
	_ =	strace s9  }
0x27: {  	s1 =	sld [smem:$0x3FAF]  }
0x28: {  	s2 =	sld [smem:$0x3FB0]  }
0x29: {  	s4 =	sld [smem:$0x3FB2]  }
0x2a: {  	p0 =	seq.s32 s5, $0x0;
	s5 =	sld [smem:$0x3FB3]  }
0x2b: {  	s6 =	sld [smem:$0x3FB4]  }
0x2c: {  	s7 =	sld [smem:$0x3FB5]  }
0x2d: {  	s3 =	simm.s32 $0x108;
	s8 =	sld [smem:$0x3FB6]  }
0x2e: {  	s3 =	simm.s32 @!p0 $0x1082;
	s9 =	sld [smem:$0x3FB7]  }
0x2f: {  	lr =	sadd.s32 s0, s3;
	s0 =	sld [smem:$0x3FAE]  }
0x30: {  	s3 =	sld [smem:$0x3FB1]  }
0x31: {  	[smem:$0x3FBA] =	sst s10  }
0x32: {  	s10 =	sld [smem:$0x3FB8];
	_ =	sdelay $0x3  }
0x33: {  	p0 =	seq.s32 s10, $0x1;
	s10 =	sld [smem:$0x3FBA];
	_ =	sdelay $0x3  }
0x34: {  	[smem:$0x3FBA] =	sst s10  }
0x35: {  	s10 =	sld [smem:$0x3FB9];
	_ =	sdelay $0x3  }
0x36: {  	p1 =	seq.s32 s10, $0x1;
	s10 =	sld [smem:$0x3FBA];
	_ =	sdelay $0x3  }
0x37: {  	[smem:$0x3FBA] =	sst s10  }
0x38: {  	s10 =	sld [smem:$0x3FBB]  }
0x39: {  	_ = 	snop;
	(pc) =	sbr.ind lr, $3  }
0x3a: {  	_ = 	snop  }
0x3b: {  	_ = 	snop  }
0x3c: {  	p2 =	seq.s32 s10, $0x1;
	s10 =	sld [smem:$0x3FBA]  }
0x3d: {  	_ =	shalt  }
0x3e: {  	_ =	shalt  }
0x3f: {  	_ =	shalt  }
0x40: {  	_ =	shalt  }
0x41: {  	_ =	shalt  }
0x42: {  	_ =	shalt  }
0x43: {  	_ =	shalt  }
0x44: {  	_ =	shalt  }
0x45: {  	_ =	shalt  }
0x46: {  	_ =	shalt  }
0x47: {  	_ =	shalt  }
0x48: {  	_ =	shalt  }
0x49: {  	_ =	shalt  }
0x4a: {  	_ =	shalt  }
0x4b: {  	_ =	shalt  }
0x4c: {  	_ =	shalt  }
0x4d: {  	_ =	shalt  }
0x4e: {  	_ =	shalt  }
0x4f: {  	_ =	shalt  }
0x50: {  	_ =	shalt  }
0x51: {  	_ =	shalt  }
0x52: {  	_ =	shalt  }
0x53: {  	_ =	shalt  }
0x54: {  	_ =	shalt  }
0x55: {  	_ =	shalt  }
0x56: {  	_ =	shalt  }
0x57: {  	_ =	shalt  }
0x58: {  	_ =	shalt  }
0x59: {  	_ =	shalt  }
0x5a: {  	_ =	shalt  }
0x5b: {  	_ =	shalt  }
0x5c: {  	_ =	shalt  }
0x5d: {  	_ =	shalt  }
0x5e: {  	_ =	shalt  }
0x5f: {  	_ =	shalt  }
0x60: {  	_ =	shalt  }
0x61: {  	_ =	shalt  }
0x62: {  	_ =	shalt  }
0x63: {  	_ =	shalt  }
0x64: {  	_ =	shalt  }
0x65: {  	_ =	shalt  }
0x66: {  	_ =	shalt  }
0x67: {  	_ =	shalt  }
0x68: {  	_ =	shalt  }
0x69: {  	_ =	shalt  }
0x6a: {  	_ =	shalt  }
0x6b: {  	_ =	shalt  }
0x6c: {  	_ =	shalt  }
0x6d: {  	_ =	shalt  }
0x6e: {  	_ =	shalt  }
0x6f: {  	_ =	shalt  }
0x70: {  	_ =	shalt  }
0x71: {  	_ =	shalt  }
0x72: {  	_ =	shalt  }
0x73: {  	_ =	shalt  }
0x74: {  	_ =	shalt  }
0x75: {  	_ =	shalt  }
0x76: {  	_ =	shalt  }
0x77: {  	_ =	shalt  }
0x78: {  	_ =	shalt  }
0x79: {  	_ =	shalt  }
0x7a: {  	_ =	shalt  }
0x7b: {  	_ =	shalt  }
0x7c: {  	_ =	shalt  }
0x7d: {  	_ =	shalt  }
0x7e: {  	_ =	shalt  }
0x7f: {  	_ =	shalt  }
0x80: {  	_ =	shalt  }
0x81: {  	_ =	shalt  }
0x82: {  	_ =	shalt  }
0x83: {  	_ =	shalt  }
0x84: {  	_ =	shalt  }
0x85: {  	_ =	shalt  }
0x86: {  	_ =	shalt  }
0x87: {  	_ =	shalt  }
.Lfunc_end0:
.L_simem_size_0:
called_computation_lowered:
.L_overlay_start_0:
0x88: {  	s2 =	sld [smem:$0x3FD9]  }
0x89: {  	s3 =	sld [smem:$0x3FFE];
	_ =	sdelay $0x1  }
0x8a: {  	s1 =	srdreg.scid  }
0x8b: {  	s0 =	sand.u32 $0x1, s1  }
0x8c: {  	s17 =	sshll.u32 s0, $0xA;
	s2 =	sadd.s32 s3, s2  }
0x8d: {  	s2 =	sadd.s32 s2, s17  }
0x8e: {  	[smem:$0x3FC6] =	sst s2  }
0x8f: {  	_ = 	snop  }
0x90: {  	s2 =	sld [smem:$0x3FC9]  }
0x91: {  	s18 =	sld [smem:$0x3FD0];
	(tm) =	ssettm $0x1  }
0x92: {  	s4 =	sld [smem:$0x3FFB];
	_ =	sdelay $0x3  }
0x93: {  	_ =	strace s4  }
0x94: {  	s4 =	sld [smem:$0x3FFC];
	_ =	sdelay $0x3  }
0x95: {  	_ =	strace s4  }
0x96: {  	s4 =	sld [smem:$0x3FFD];
	_ =	sdelay $0x3  }
0x97: {  	_ =	strace s4  }
0x98: {  	_ =	strace $0x8FFFFFFF  }
0x99: {  	s19 =	sld [smem:$0x3FDB];
	_ =	sdelay $0x1  }
0x9a: {  	s5 =	simm.s32 $_scs_section_size  }
0x9b: {  	s6 =	simm.s32 $_size__tile_overlayer_lowered;
	s7 =	simm.s32 $_tile_overlayer_lowered  }
0x9c: {  	s22 =	simm.s32 $0x1BFF;
	s21 =	sshll.u32 s7, $0x1;
	s4 =	sadd.s32 s5, s19  }
0x9d: {  	s8 =	simm.s32 $0x0;
	s20 =	sshll.u32 s6, $0x1;
	s6 =	sadd.s32 s21, s4  }
0x9e: {  	[timem:s8], [sflag:s22] =	dma.local [hbm:s6], s20  }
0x9f: {  	_ =	swait.ge [sflag:s22], s20  }
0xa0: {  	s5 =	ssub.s32 $0x0, s20;
	[sflag:s22] =	ssyncset.done $0x0  }
0xa1: {  	[sflag:s22] =	ssyncadd.s32 s5;
	_ =	sdelay $0x1  }
0xa2: {  	s23 =	simm.s32 $0x1B8B  }
0xa3: {  	_ =	swait.ge [sflag:s23], $0x1  }
0xa4: {  	[sflag:s23] =	ssyncset.done $0x0  }
0xa5: {  	s25 =	simm.s32 $0x1B8E;
	s24 =	sld [smem:$0x3FFE];
	[sflag:s23] =	ssyncadd.s32 $0xFFFFFFFF  }
0xa6: {  	s26 =	simm.s32 $execute0_lowered;
	[smem:$0x3FD2] =	sst s25  }
0xa7: {  	s6 =	sshll.u32 s26, $0x1;
	_ =	strace $0x80000046;
	[dreg:$0x1] =	wrdreg $0xFFFFFFFF  }
0xa8: {  	s28 =	simm.s32 $_size_execute0_lowered;
	s4 =	sadd.s32 s4, s6;
	[dreg:$0x0] =	wrdreg $0x0  }
0xa9: {  	s6 =	sshll.u32 s28, $0x1;
	[dreg:$0x2] =	wrdreg s4  }
0xaa: {  	[dreg:$0x3] =	wrdreg s6  }
0xab: {  	[dreg:$0x4] =	wrdreg $0xC0  }
0xac: {  	_ =	task [dreg:s8], $0x5FFFF  }
0xad: {  	[dreg:$0x1] =	wrdreg $0xFFFFFFFF  }
0xae: {  	[dreg:$0x0] =	wrdreg $0x60  }
0xaf: {  	[dreg:$0x2] =	wrdreg s2  }
0xb0: {  	[dreg:$0x3] =	wrdreg s24  }
0xb1: {  	[dreg:$0x4] =	wrdreg s18  }
0xb2: {  	[dreg:$0x5] =	wrdreg $0x9  }
0xb3: {  	_ =	task.clear_ibuf [dreg:s8], $0x6FFFF;
	_ =	strace $0x90000046  }
0xb4: {  	s29 =	simm.s32 $0x9;
	_ =	strace $0x80000048  }
0xb5: {  	_ =	swait.ge [sflag:s29], $0x1  }
0xb6: {  	[sflag:s29] =	ssyncadd.s32 $0xFFFFFFFF  }
0xb7: {  	_ =	strace $0x90000048  }
0xb8: {  	_ =	sfence  }
0xb9: {  	s30 =	sld [smem:$0x0];
	_ =	sdelay $0x2  }
0xba: {  	s31 =	sshll.u32 s1, $0xD;
	s1 =	sshrl.u32 s1, $0x2  }
0xbb: {  	s3 =	sand.u32 $0x4000, s31;
	s1 =	sadd.s32 s1, s30  }
0xbc: {  	s0 =	sor.u32 s3, s0;
	s1 =	sshll.u32 s1, $0x11  }
0xbd: {  	s0 =	sor.u32 s1, s0  }
0xbe: {  	s0 =	sadd.s32 $0x8F2B, s0  }
0xbf: {  	[sflag:s0] =	ssyncadd.remote.s32 $0x1  }
0xc0: {  	_ =	sfence.sel $0xFFFF  }
0xc1: {  	[dreg:$0x0] =	wrdreg $0xFFFFFFFF;
	(pc) =	sbr.abs _section_cstart, $3  }
0xc2: {  	[dreg:$0x1] =	wrdreg $0xFFFFFFFF  }
0xc3: {  	_ =	task.clear_ibuf [dreg:s8], $0x2FFFF;
	_ =	strace $0x9FFFFFFF  }
0xc4: {  	(tm) =	ssettm $0x7FFFFFFF  }
0xc5: {  	_ =	shalt  }
tec
execute0_lowered:
.L_overlay_start_1:
0x0: {  	(tag) =	ssettag $0x1  }
0x1: {  	v0 =	vimm.s32 $0xB80;
	vm3 =	vcmask $0x300;
	vm1 =	vcmask $0x704  }
0x2: {  	vm2 =	vcmask $0xB08;
	vm4 =	vcmask $0xF0C;
	vm5 =	vcmask $0x1310  }
0x3: {  	vm6 =	vcmask $0x1714;
	vm7 =	vcmask $0x1B18;
	vm0 =	vmmov $0xffff  }
0x4: {  	vm8 =	vcmask $0x1F1C;
	v5 =	vimm.s32 $0x1B80;
	v6 =	vimm.s32 $0x2B80  }
0x5: {  	vm15 =	vcmask $0x2F2C;
	v0 =	vsel vm3, $0x0, v0;
	v5 =	vsel vm3, $0x1000, v5  }
0x6: {  	v6 =	vsel vm3, $0x2000, v6;
	vm3 =	vcmask $0x2320;
	v1 =	vsel vm1, $0x80, v0  }
0x7: {  	v0 =	vlaneseq.u32;
	v5 =	vsel vm1, $0x1080, v5;
	v6 =	vsel vm1, $0x2080, v6  }
0x8: {  	s1 =	rddreg [dreg:$0x0];
	vm1 =	vcmask $0x2724;
	v2 =	vsel vm2, $0x100, v1;
	v1 =	vand.u32 $0x7, v0  }
0x9: {  	s0 =	srdreg.scid;
	s2 =	rddreg [dreg:$0x1];
	v3 =	vshrl.u32 v0, $0x3;
	v5 =	vsel vm2, $0x1100, v5;
	v6 =	vsel vm2, $0x2100, v6  }
0xa: {  	s3 =	stileid.u32;
	s4 =	rddreg [dreg:$0x2];
	vm2 =	vcmask $0x2B28;
	v2 =	vsel vm4, $0x180, v2;
	v5 =	vsel vm4, $0x1180, v5  }
0xb: {  	s10 =	simm.s32 $0x2800;
	s15 =	simm.s32 $0x5000;
	s16 =	simm.s32 $0x5800;
	v6 =	vsel vm4, $0x2180, v6;
	v4 =	vsel vm5, $0x200, v2;
	v2 =	vmul.u32 $0x8, v3  }
0xc: {  	s17 =	simm.s32 $0x6000;
	s18 =	simm.s32 $0x6800;
	s19 =	simm.s32 $0x7000;
	v3 =	vor.u32 $0x8, v0;
	v5 =	vsel vm5, $0x1200, v5;
	v6 =	vsel vm5, $0x2200, v6  }
0xd: {  	s20 =	simm.s32 $0x7800;
	s21 =	simm.s32 $0x8000;
	s22 =	simm.s32 $0x8800;
	v4 =	vsel vm6, $0x280, v4;
	v5 =	vsel vm6, $0x1280, v5;
	v6 =	vsel vm6, $0x2280, v6  }
0xe: {  	s29 =	simm.s32 $0xB800;
	s7 =	simm.s32 $0x14800;
	s26 =	simm.s32 $0x17800;
	v4 =	vsel vm7, $0x300, v4;
	v5 =	vsel vm7, $0x1300, v5;
	v6 =	vsel vm7, $0x2300, v6  }
0xf: {  	s9 =	simm.s32 $0x1;
	s0 =	sand.u32 $0x1, s0;
	s3 =	sshll.u32 s3, $0x1;
	v4 =	vsel vm8, $0x380, v4;
	v5 =	vsel vm8, $0x1380, v5;
	v6 =	vsel vm8, $0x2380, v6  }
0x10: {  	s8 =	simm.s32 $0x2;
	s23 =	simm.s32 $0x3;
	s5 =	sor.u32 s0, s3;
	v4 =	vsel vm3, $0x800, v4;
	v5 =	vsel vm3, $0x1800, v5;
	v6 =	vsel vm3, $0x2800, v6  }
0x11: {  	s3 =	simm.s32 $0x0;
	s0 =	ssub.s32 $0x2, s0;
	s5 =	smul.u32 $0x271, s5;
	vm3 =	vcmask $0x3330;
	v4 =	vsel vm1, $0x880, v4;
	v5 =	vsel vm1, $0x1880, v5  }
0x12: {  	s11 =	simm.s32 $0x0;
	[smem:$0x7FF] =	sst s3;
	s6 =	sshrl.u32 s0, $0x1;
	v6 =	vsel vm1, $0x2880, v6;
	vm1 =	vcmask $0x3734;
	v4 =	vsel vm2, $0x900, v4  }
.Ltmp0:
0x13: {  	_ =	strace $0x80000047;
	s2 =	sadd.s32 s2, s5;
	v5 =	vsel vm2, $0x1900, v5;
	v6 =	vsel vm2, $0x2900, v6;
	vm2 =	vcmask $0x3B38;
	(pc) =	sbr.rel .LBB2_1-.Ltmp0, $4  }
0x14: {  	s0 =	ssub.s32 s0, s6;
	s31 =	sadd.s32 s4, s5;
	[dreg:$0x4] =	wrdreg s2;
	v4 =	vsel vm15, $0x980, v4;
	v5 =	vsel vm15, $0x1980, v5;
	v6 =	vsel vm15, $0x2980, v6  }
0x15: {  	s6 =	simm.s32 $0x4;
	s0 =	smax.u32 s0, $0x1;
	[dreg:$0x6] =	wrdreg s31;
	v4 =	vsel vm3, $0xA00, v4;
	v5 =	vsel vm3, $0x1A00, v5;
	v6 =	vsel vm3, $0x2A00, v6  }
0x16: {  	s5 =	simm.s32 $0xE800;
	s2 =	sadd.s32 $0x5000, s2;
	[dreg:$0x7] =	wrdreg s0;
	v4 =	vsel vm1, $0xA80, v4;
	v5 =	vsel vm1, $0x1A80, v5;
	v6 =	vsel vm1, $0x2A80, v6  }
0x17: {  	s4 =	simm.s32 $0x11800;
	[dreg:$0x5] =	wrdreg s2;
	s2 =	simm.s32 $0x5;
	v4 =	vsel vm2, $0xB00, v4;
	v5 =	vsel vm2, $0x1B00, v5;
	v6 =	vsel vm2, $0x2B00, v6  }
.LBB2_31:
0x18: {  	s0 =	rddreg [dreg:$0x6];
	s2 =	simm.s32 $0x1A800  }
0x19: {  	[hbm4b:s0+s3] =	stream.linear.scatter [tilespmem:s2], [sflag:$0x5], $0x1388, $0x38;
	[tilespmem:$0x1BC00] =	vst v63  }
0x1a: {  	s2 =	simm.s32 $0x5  }
0x1b: {  	_ =	swait.ge [sflag:s2], $0x1388  }
0x1c: {  	s11 =	rddreg [dreg:$0x8]  }
0x1d: {  	s31 =	rddreg [dreg:$0x7];
	s11 =	sadd.s32 $0x1, s11  }
0x1e: {  	p0 =	sne.s32 s11, s31  }
.Ltmp1:
0x1f: {  	_ = 	snop;
	(pc) =	sbr.rel @!p0 .LBB2_32-.Ltmp1, $3  }
0x20: {  	_ =	sdelay $0x1  }
0x21: {  	[sflag:s2] =	ssyncset.done $0x0  }
0x22: {  	[sflag:s2] =	ssyncadd.s32 $0xFFFFEC78  }
.LBB2_1:
0x23: {  	[dreg:$0x8] =	wrdreg s11  }
0x24: {  	s0 =	rddreg [dreg:$0x5]  }
0x25: {  	[tilespmem:s3], [sflag:$0x5] =	stream.linear.gather [hbm4b:s0+s3], $0x1388, $0x38;
	[tilespmem:$0x1BC00] =	vst v63  }
0x26: {  	_ =	swait.ge [sflag:s2], $0x1388  }
0x27: {  	[sflag:s2] =	ssyncset.done $0x0  }
0x28: {  	s24 =	simm.s32 $0x1400;
	s14 =	rddreg [dreg:$0x4];
	[sflag:s2] =	ssyncadd.s32 $0xFFFFEC78  }
0x29: {  	[tilespmem:s24], [sflag:$0x5] =	stream.linear.gather [hbm4b:s14+s3], $0x1388, $0x38;
	[tilespmem:$0x1BC00] =	vst v63  }
0x2a: {  	_ =	swait.ge [sflag:s2], $0x1388  }
0x2b: {  	[sflag:s2] =	ssyncset.done $0x0  }
0x2c: {  	[sflag:s2] =	ssyncadd.s32 $0xFFFFEC78  }
0x2d: {  	v7 =	vld [tilespmem:$0x0];
	_ =	sdelay $0x4  }
0x2e: {  	v8 =	vshll.u32 v7, $0x1  }
0x2f: {  	v7 =	vand.u32 $0x7, v7;
	v8 =	vand.u32 $0xFFFFFFF0, v8  }
0x30: {  	v7 =	vor.u32 v7, v8  }
0x31: {  	v8 =	vperm.xlane v7, v1;
	_ =	sdelay $0x1  }
0x32: {  	v7 =	vperm.xlane v7, v3;
	v8 =	vadd.s32 v2, v8;
	_ =	sdelay $0x1  }
0x33: {  	v7 =	vadd.s32 v2, v7;
	_ =	sdelay $0x2  }
0x34: {  	[tilespmem:s10], [sflag:$0x1] =	stream.indirect_vreg.gather [hbm4b:s1+s3], $0x80, v8, vm0, $0xb8;
	[tilespmem:$0x1BC00] =	vst v63  }
0x35: {  	s25 =	simm.s32 $0x3000  }
0x36: {  	[tilespmem:s25], [sflag:$0x1] =	stream.indirect_vreg.gather [hbm4b:s1+s3], $0x80, v7, vm0, $0xb8;
	[tilespmem:$0x1BC00] =	vst v63  }
0x37: {  	v7 =	vld [tilespmem:$0x10];
	_ =	sdelay $0x4  }
0x38: {  	v8 =	vshll.u32 v7, $0x1  }
0x39: {  	v7 =	vand.u32 $0x7, v7;
	v8 =	vand.u32 $0xFFFFFFF0, v8  }
0x3a: {  	v7 =	vor.u32 v7, v8  }
0x3b: {  	v8 =	vperm.xlane v7, v1;
	_ =	sdelay $0x1  }
0x3c: {  	v7 =	vperm.xlane v7, v3;
	v8 =	vadd.s32 v2, v8;
	_ =	sdelay $0x1  }
0x3d: {  	v7 =	vadd.s32 v2, v7;
	_ =	sdelay $0x1  }
0x3e: {  	s28 =	simm.s32 $0x3800  }
0x3f: {  	[tilespmem:s28], [sflag:$0x1] =	stream.indirect_vreg.gather [hbm4b:s1+s3], $0x80, v8, vm0, $0xb8;
	[tilespmem:$0x1BC00] =	vst v63  }
0x40: {  	s30 =	simm.s32 $0x4000  }
0x41: {  	[tilespmem:s30], [sflag:$0x1] =	stream.indirect_vreg.gather [hbm4b:s1+s3], $0x80, v7, vm0, $0xb8;
	[tilespmem:$0x1BC00] =	vst v63  }
0x42: {  	v7 =	vld [tilespmem:$0x20];
	_ =	sdelay $0x4  }
0x43: {  	v8 =	vshll.u32 v7, $0x1  }
0x44: {  	v7 =	vand.u32 $0x7, v7;
	v8 =	vand.u32 $0xFFFFFFF0, v8  }
0x45: {  	v7 =	vor.u32 v7, v8  }
0x46: {  	v8 =	vperm.xlane v7, v1;
	_ =	sdelay $0x1  }
0x47: {  	v7 =	vperm.xlane v7, v3;
	v8 =	vadd.s32 v2, v8;
	_ =	sdelay $0x1  }
0x48: {  	v7 =	vadd.s32 v2, v7;
	_ =	sdelay $0x1  }
0x49: {  	s31 =	simm.s32 $0x4800  }
0x4a: {  	[tilespmem:s31], [sflag:$0x1] =	stream.indirect_vreg.gather [hbm4b:s1+s3], $0x80, v8, vm0, $0xb8;
	[tilespmem:$0x1BC00] =	vst v63  }
0x4b: {  	_ = 	snop  }
0x4c: {  	[tilespmem:s15], [sflag:$0x1] =	stream.indirect_vreg.gather [hbm4b:s1+s3], $0x80, v7, vm0, $0xb8;
	[tilespmem:$0x1BC00] =	vst v63  }
0x4d: {  	v7 =	vld [tilespmem:$0x1400];
	_ =	sdelay $0x4  }
0x4e: {  	v8 =	vshll.u32 v7, $0x1  }
0x4f: {  	v7 =	vand.u32 $0x7, v7;
	v8 =	vand.u32 $0xFFFFFFF0, v8  }
0x50: {  	v7 =	vor.u32 v7, v8  }
0x51: {  	v8 =	vperm.xlane v7, v1;
	_ =	sdelay $0x1  }
0x52: {  	v7 =	vperm.xlane v7, v3;
	v8 =	vadd.s32 v2, v8;
	_ =	sdelay $0x1  }
0x53: {  	v7 =	vadd.s32 v2, v7;
	_ =	sdelay $0x2  }
0x54: {  	[tilespmem:s16], [sflag:$0x1] =	stream.indirect_vreg.gather [hbm4b:s1+s3], $0x80, v8, vm0, $0xb8;
	[tilespmem:$0x1BC00] =	vst v63  }
0x55: {  	_ = 	snop  }
0x56: {  	[tilespmem:s17], [sflag:$0x1] =	stream.indirect_vreg.gather [hbm4b:s1+s3], $0x80, v7, vm0, $0xb8;
	[tilespmem:$0x1BC00] =	vst v63  }
0x57: {  	v7 =	vld [tilespmem:$0x1410];
	_ =	sdelay $0x4  }
0x58: {  	v8 =	vshll.u32 v7, $0x1  }
0x59: {  	v7 =	vand.u32 $0x7, v7;
	v8 =	vand.u32 $0xFFFFFFF0, v8  }
0x5a: {  	v7 =	vor.u32 v7, v8  }
0x5b: {  	v8 =	vperm.xlane v7, v1;
	_ =	sdelay $0x1  }
0x5c: {  	v7 =	vperm.xlane v7, v3;
	v8 =	vadd.s32 v2, v8;
	_ =	sdelay $0x1  }
0x5d: {  	v7 =	vadd.s32 v2, v7;
	_ =	sdelay $0x2  }
0x5e: {  	[tilespmem:s18], [sflag:$0x1] =	stream.indirect_vreg.gather [hbm4b:s1+s3], $0x80, v8, vm0, $0xb8;
	[tilespmem:$0x1BC00] =	vst v63  }
0x5f: {  	_ = 	snop  }
0x60: {  	[tilespmem:s19], [sflag:$0x1] =	stream.indirect_vreg.gather [hbm4b:s1+s3], $0x80, v7, vm0, $0xb8;
	[tilespmem:$0x1BC00] =	vst v63  }
0x61: {  	v7 =	vld [tilespmem:$0x1420];
	_ =	sdelay $0x4  }
0x62: {  	v8 =	vshll.u32 v7, $0x1  }
0x63: {  	v7 =	vand.u32 $0x7, v7;
	v8 =	vand.u32 $0xFFFFFFF0, v8  }
0x64: {  	v7 =	vor.u32 v7, v8  }
0x65: {  	v8 =	vperm.xlane v7, v1;
	_ =	sdelay $0x1  }
0x66: {  	v7 =	vperm.xlane v7, v3;
	v8 =	vadd.s32 v2, v8;
	_ =	sdelay $0x1  }
0x67: {  	v7 =	vadd.s32 v2, v7;
	_ =	sdelay $0x2  }
0x68: {  	[tilespmem:s20], [sflag:$0x1] =	stream.indirect_vreg.gather [hbm4b:s1+s3], $0x80, v8, vm0, $0xb8;
	[tilespmem:$0x1BC00] =	vst v63  }
0x69: {  	_ = 	snop  }
0x6a: {  	[tilespmem:s21], [sflag:$0x1] =	stream.indirect_vreg.gather [hbm4b:s1+s3], $0x80, v7, vm0, $0xb8;
	[tilespmem:$0x1BC00] =	vst v63  }
0x6b: {  	v7 =	vld [tilespmem:$0x30];
	_ =	sdelay $0x4  }
0x6c: {  	v8 =	vshll.u32 v7, $0x1  }
0x6d: {  	v7 =	vand.u32 $0x7, v7;
	v8 =	vand.u32 $0xFFFFFFF0, v8  }
0x6e: {  	v7 =	vor.u32 v7, v8  }
0x6f: {  	v8 =	vperm.xlane v7, v1;
	_ =	sdelay $0x1  }
0x70: {  	v7 =	vperm.xlane v7, v3;
	v8 =	vadd.s32 v2, v8;
	_ =	sdelay $0x1  }
0x71: {  	v7 =	vadd.s32 v2, v7;
	_ =	sdelay $0x2  }
0x72: {  	[tilespmem:s22], [sflag:$0x2] =	stream.indirect_vreg.gather [hbm4b:s1+s3], $0x80, v8, vm0, $0xb8;
	[tilespmem:$0x1BC00] =	vst v63  }
0x73: {  	s2 =	simm.s32 $0x9000  }
0x74: {  	[tilespmem:s2], [sflag:$0x2] =	stream.indirect_vreg.gather [hbm4b:s1+s3], $0x80, v7, vm0, $0xb8;
	[tilespmem:$0x1BC00] =	vst v63  }
0x75: {  	v7 =	vld [tilespmem:$0x40];
	_ =	sdelay $0x4  }
0x76: {  	v8 =	vshll.u32 v7, $0x1  }
0x77: {  	v7 =	vand.u32 $0x7, v7;
	v8 =	vand.u32 $0xFFFFFFF0, v8  }
0x78: {  	v7 =	vor.u32 v7, v8  }
0x79: {  	v8 =	vperm.xlane v7, v1;
	_ =	sdelay $0x1  }
0x7a: {  	v7 =	vperm.xlane v7, v3;
	v8 =	vadd.s32 v2, v8;
	_ =	sdelay $0x1  }
0x7b: {  	v7 =	vadd.s32 v2, v7;
	_ =	sdelay $0x1  }
0x7c: {  	s11 =	simm.s32 $0x9800  }
0x7d: {  	[tilespmem:s11], [sflag:$0x2] =	stream.indirect_vreg.gather [hbm4b:s1+s3], $0x80, v8, vm0, $0xb8;
	[tilespmem:$0x1BC00] =	vst v63  }
0x7e: {  	s12 =	simm.s32 $0xA000  }
0x7f: {  	[tilespmem:s12], [sflag:$0x2] =	stream.indirect_vreg.gather [hbm4b:s1+s3], $0x80, v7, vm0, $0xb8;
	[tilespmem:$0x1BC00] =	vst v63  }
0x80: {  	v7 =	vld [tilespmem:$0x50];
	_ =	sdelay $0x4  }
0x81: {  	v8 =	vshll.u32 v7, $0x1  }
0x82: {  	v7 =	vand.u32 $0x7, v7;
	v8 =	vand.u32 $0xFFFFFFF0, v8  }
0x83: {  	v7 =	vor.u32 v7, v8  }
0x84: {  	v8 =	vperm.xlane v7, v1;
	_ =	sdelay $0x1  }
0x85: {  	v7 =	vperm.xlane v7, v3;
	v8 =	vadd.s32 v2, v8;
	_ =	sdelay $0x1  }
0x86: {  	v7 =	vadd.s32 v2, v7;
	_ =	sdelay $0x1  }
0x87: {  	s13 =	simm.s32 $0xA800  }
0x88: {  	[tilespmem:s13], [sflag:$0x2] =	stream.indirect_vreg.gather [hbm4b:s1+s3], $0x80, v8, vm0, $0xb8;
	[tilespmem:$0x1BC00] =	vst v63  }
0x89: {  	s14 =	simm.s32 $0xB000  }
0x8a: {  	[tilespmem:s14], [sflag:$0x2] =	stream.indirect_vreg.gather [hbm4b:s1+s3], $0x80, v7, vm0, $0xb8;
	[tilespmem:$0x1BC00] =	vst v63  }
0x8b: {  	v7 =	vld [tilespmem:$0x1430];
	_ =	sdelay $0x4  }
0x8c: {  	v8 =	vshll.u32 v7, $0x1  }
0x8d: {  	v7 =	vand.u32 $0x7, v7;
	v8 =	vand.u32 $0xFFFFFFF0, v8  }
0x8e: {  	v7 =	vor.u32 v7, v8  }
0x8f: {  	v8 =	vperm.xlane v7, v1;
	_ =	sdelay $0x1  }
0x90: {  	v7 =	vperm.xlane v7, v3;
	v8 =	vadd.s32 v2, v8;
	_ =	sdelay $0x1  }
0x91: {  	v7 =	vadd.s32 v2, v7;
	_ =	sdelay $0x2  }
0x92: {  	[tilespmem:s29], [sflag:$0x2] =	stream.indirect_vreg.gather [hbm4b:s1+s3], $0x80, v8, vm0, $0xb8;
	[tilespmem:$0x1BC00] =	vst v63  }
0x93: {  	s24 =	simm.s32 $0xC000  }
0x94: {  	[tilespmem:s24], [sflag:$0x2] =	stream.indirect_vreg.gather [hbm4b:s1+s3], $0x80, v7, vm0, $0xb8;
	[tilespmem:$0x1BC00] =	vst v63  }
0x95: {  	v7 =	vld [tilespmem:$0x1440];
	_ =	sdelay $0x4  }
0x96: {  	v8 =	vshll.u32 v7, $0x1  }
0x97: {  	v7 =	vand.u32 $0x7, v7;
	v8 =	vand.u32 $0xFFFFFFF0, v8  }
0x98: {  	v7 =	vor.u32 v7, v8  }
0x99: {  	v8 =	vperm.xlane v7, v1;
	_ =	sdelay $0x1  }
0x9a: {  	v7 =	vperm.xlane v7, v3;
	v8 =	vadd.s32 v2, v8;
	_ =	sdelay $0x1  }
0x9b: {  	v7 =	vadd.s32 v2, v7;
	_ =	sdelay $0x1  }
0x9c: {  	s25 =	simm.s32 $0xC800  }
0x9d: {  	[tilespmem:s25], [sflag:$0x2] =	stream.indirect_vreg.gather [hbm4b:s1+s3], $0x80, v8, vm0, $0xb8;
	[tilespmem:$0x1BC00] =	vst v63  }
0x9e: {  	s28 =	simm.s32 $0xD000  }
0x9f: {  	[tilespmem:s28], [sflag:$0x2] =	stream.indirect_vreg.gather [hbm4b:s1+s3], $0x80, v7, vm0, $0xb8;
	[tilespmem:$0x1BC00] =	vst v63  }
0xa0: {  	v7 =	vld [tilespmem:$0x1450];
	_ =	sdelay $0x4  }
0xa1: {  	v8 =	vshll.u32 v7, $0x1  }
0xa2: {  	v7 =	vand.u32 $0x7, v7;
	v8 =	vand.u32 $0xFFFFFFF0, v8  }
0xa3: {  	v7 =	vor.u32 v7, v8  }
0xa4: {  	v8 =	vperm.xlane v7, v1;
	_ =	sdelay $0x1  }
0xa5: {  	v7 =	vperm.xlane v7, v3;
	v8 =	vadd.s32 v2, v8;
	_ =	sdelay $0x1  }
0xa6: {  	v7 =	vadd.s32 v2, v7;
	_ =	sdelay $0x1  }
0xa7: {  	s30 =	simm.s32 $0xD800  }
0xa8: {  	[tilespmem:s30], [sflag:$0x2] =	stream.indirect_vreg.gather [hbm4b:s1+s3], $0x80, v8, vm0, $0xb8;
	[tilespmem:$0x1BC00] =	vst v63  }
0xa9: {  	s31 =	simm.s32 $0xE000  }
0xaa: {  	[tilespmem:s31], [sflag:$0x2] =	stream.indirect_vreg.gather [hbm4b:s1+s3], $0x80, v7, vm0, $0xb8;
	[tilespmem:$0x1BC00] =	vst v63  }
0xab: {  	v7 =	vld [tilespmem:$0x60];
	_ =	sdelay $0x4  }
0xac: {  	v8 =	vshll.u32 v7, $0x1  }
0xad: {  	v7 =	vand.u32 $0x7, v7;
	v8 =	vand.u32 $0xFFFFFFF0, v8  }
0xae: {  	v7 =	vor.u32 v7, v8  }
0xaf: {  	v8 =	vperm.xlane v7, v1;
	_ =	sdelay $0x1  }
0xb0: {  	v7 =	vperm.xlane v7, v3;
	v8 =	vadd.s32 v2, v8;
	_ =	sdelay $0x1  }
0xb1: {  	v7 =	vadd.s32 v2, v7;
	_ =	sdelay $0x2  }
0xb2: {  	[tilespmem:s5], [sflag:$0x3] =	stream.indirect_vreg.gather [hbm4b:s1+s3], $0x80, v8, vm0, $0xb8;
	[tilespmem:$0x1BC00] =	vst v63  }
0xb3: {  	s2 =	simm.s32 $0xF000  }
0xb4: {  	[tilespmem:s2], [sflag:$0x3] =	stream.indirect_vreg.gather [hbm4b:s1+s3], $0x80, v7, vm0, $0xb8;
	[tilespmem:$0x1BC00] =	vst v63  }
0xb5: {  	v7 =	vld [tilespmem:$0x70];
	_ =	sdelay $0x4  }
0xb6: {  	v8 =	vshll.u32 v7, $0x1  }
0xb7: {  	v7 =	vand.u32 $0x7, v7;
	v8 =	vand.u32 $0xFFFFFFF0, v8  }
0xb8: {  	v7 =	vor.u32 v7, v8  }
0xb9: {  	v8 =	vperm.xlane v7, v1;
	_ =	sdelay $0x1  }
0xba: {  	v7 =	vperm.xlane v7, v3;
	v8 =	vadd.s32 v2, v8;
	_ =	sdelay $0x1  }
0xbb: {  	v7 =	vadd.s32 v2, v7;
	_ =	sdelay $0x1  }
0xbc: {  	s11 =	simm.s32 $0xF800  }
0xbd: {  	[tilespmem:s11], [sflag:$0x3] =	stream.indirect_vreg.gather [hbm4b:s1+s3], $0x80, v8, vm0, $0xb8;
	[tilespmem:$0x1BC00] =	vst v63  }
0xbe: {  	s12 =	simm.s32 $0x10000  }
0xbf: {  	[tilespmem:s12], [sflag:$0x3] =	stream.indirect_vreg.gather [hbm4b:s1+s3], $0x80, v7, vm0, $0xb8;
	[tilespmem:$0x1BC00] =	vst v63  }
0xc0: {  	v7 =	vld [tilespmem:$0x80];
	_ =	sdelay $0x4  }
0xc1: {  	v8 =	vshll.u32 v7, $0x1  }
0xc2: {  	v7 =	vand.u32 $0x7, v7;
	v8 =	vand.u32 $0xFFFFFFF0, v8  }
0xc3: {  	v7 =	vor.u32 v7, v8  }
0xc4: {  	v8 =	vperm.xlane v7, v1;
	_ =	sdelay $0x1  }
0xc5: {  	v7 =	vperm.xlane v7, v3;
	v8 =	vadd.s32 v2, v8;
	_ =	sdelay $0x1  }
0xc6: {  	v7 =	vadd.s32 v2, v7;
	_ =	sdelay $0x1  }
0xc7: {  	s13 =	simm.s32 $0x10800  }
0xc8: {  	[tilespmem:s13], [sflag:$0x3] =	stream.indirect_vreg.gather [hbm4b:s1+s3], $0x80, v8, vm0, $0xb8;
	[tilespmem:$0x1BC00] =	vst v63  }
0xc9: {  	s14 =	simm.s32 $0x11000  }
0xca: {  	[tilespmem:s14], [sflag:$0x3] =	stream.indirect_vreg.gather [hbm4b:s1+s3], $0x80, v7, vm0, $0xb8;
	[tilespmem:$0x1BC00] =	vst v63  }
0xcb: {  	v7 =	vld [tilespmem:$0x1460];
	_ =	sdelay $0x4  }
0xcc: {  	v8 =	vshll.u32 v7, $0x1  }
0xcd: {  	v7 =	vand.u32 $0x7, v7;
	v8 =	vand.u32 $0xFFFFFFF0, v8  }
0xce: {  	v7 =	vor.u32 v7, v8  }
0xcf: {  	v8 =	vperm.xlane v7, v1;
	_ =	sdelay $0x1  }
0xd0: {  	v7 =	vperm.xlane v7, v3;
	v8 =	vadd.s32 v2, v8;
	_ =	sdelay $0x1  }
0xd1: {  	v7 =	vadd.s32 v2, v7;
	_ =	sdelay $0x2  }
0xd2: {  	[tilespmem:s4], [sflag:$0x3] =	stream.indirect_vreg.gather [hbm4b:s1+s3], $0x80, v8, vm0, $0xb8;
	[tilespmem:$0x1BC00] =	vst v63  }
0xd3: {  	s24 =	simm.s32 $0x12000  }
0xd4: {  	[tilespmem:s24], [sflag:$0x3] =	stream.indirect_vreg.gather [hbm4b:s1+s3], $0x80, v7, vm0, $0xb8;
	[tilespmem:$0x1BC00] =	vst v63  }
0xd5: {  	v7 =	vld [tilespmem:$0x1470];
	_ =	sdelay $0x4  }
0xd6: {  	v8 =	vshll.u32 v7, $0x1  }
0xd7: {  	v7 =	vand.u32 $0x7, v7;
	v8 =	vand.u32 $0xFFFFFFF0, v8  }
0xd8: {  	v7 =	vor.u32 v7, v8  }
0xd9: {  	v8 =	vperm.xlane v7, v1;
	_ =	sdelay $0x1  }
0xda: {  	v7 =	vperm.xlane v7, v3;
	v8 =	vadd.s32 v2, v8;
	_ =	sdelay $0x1  }
0xdb: {  	v7 =	vadd.s32 v2, v7;
	_ =	sdelay $0x1  }
0xdc: {  	s25 =	simm.s32 $0x12800  }
0xdd: {  	[tilespmem:s25], [sflag:$0x3] =	stream.indirect_vreg.gather [hbm4b:s1+s3], $0x80, v8, vm0, $0xb8;
	[tilespmem:$0x1BC00] =	vst v63  }
0xde: {  	s28 =	simm.s32 $0x13000  }
0xdf: {  	[tilespmem:s28], [sflag:$0x3] =	stream.indirect_vreg.gather [hbm4b:s1+s3], $0x80, v7, vm0, $0xb8;
	[tilespmem:$0x1BC00] =	vst v63  }
0xe0: {  	v7 =	vld [tilespmem:$0x1480];
	_ =	sdelay $0x4  }
0xe1: {  	v8 =	vshll.u32 v7, $0x1  }
0xe2: {  	v7 =	vand.u32 $0x7, v7;
	v8 =	vand.u32 $0xFFFFFFF0, v8  }
0xe3: {  	v7 =	vor.u32 v7, v8  }
0xe4: {  	v8 =	vperm.xlane v7, v1;
	_ =	sdelay $0x1  }
0xe5: {  	v7 =	vperm.xlane v7, v3;
	v8 =	vadd.s32 v2, v8;
	_ =	sdelay $0x1  }
0xe6: {  	v7 =	vadd.s32 v2, v7  }
.Ltmp2:
0xe7: {  	_ = 	snop;
	(pc) =	sbr.rel .LBB2_2-.Ltmp2, $4  }
0xe8: {  	s30 =	simm.s32 $0x13800  }
0xe9: {  	[tilespmem:s30], [sflag:$0x3] =	stream.indirect_vreg.gather [hbm4b:s1+s3], $0x80, v8, vm0, $0xb8;
	[tilespmem:$0x1BC00] =	vst v63  }
0xea: {  	s31 =	simm.s32 $0x14000;
	s24 =	simm.s32 $0x0  }
0xeb: {  	[tilespmem:s31], [sflag:$0x3] =	stream.indirect_vreg.gather [hbm4b:s1+s3], $0x80, v7, vm0, $0xb8;
	[tilespmem:$0x1BC00] =	vst v63  }
.LBB2_30:
0xec: {  	s24 =	sadd.s32 $0x1, s24  }
0xed: {  	p0 =	sne.s32 s24, $0x1B  }
.Ltmp3:
0xee: {  	_ = 	snop;
	(pc) =	sbr.rel @!p0 .LBB2_31-.Ltmp3, $1  }
0xef: {  	_ =	sdelay $0x3  }
.LBB2_2:
0xf0: {  	s0 =	sshllo.u32 s24, $0x2  }
0xf1: {  	p0 =	sgt.u32 s0, $0x68  }
.Ltmp4:
0xf2: {  	_ = 	snop;
	(pc) =	sbr.rel @p0 .LBB2_4-.Ltmp4, $3  }
0xf3: {  	_ = 	snop  }
0xf4: {  	s2 =	smul.u32 $0x30, s0;
	_ =	sdelay $0x1  }
0xf5: {  	s25 =	smin.u32 s2, $0x1358  }
0xf6: {  	v7 =	vld [tilespmem:s25+$0x0];
	_ =	sdelay $0x4  }
0xf7: {  	v8 =	vshll.u32 v7, $0x1  }
0xf8: {  	v7 =	vand.u32 $0x7, v7;
	v8 =	vand.u32 $0xFFFFFFF0, v8  }
0xf9: {  	v7 =	vor.u32 v7, v8  }
0xfa: {  	v8 =	vperm.xlane v7, v1;
	_ =	sdelay $0x1  }
0xfb: {  	v7 =	vperm.xlane v7, v3;
	v8 =	vadd.s32 v2, v8;
	_ =	sdelay $0x1  }
0xfc: {  	v7 =	vadd.s32 v2, v7;
	_ =	sdelay $0x2  }
0xfd: {  	[tilespmem:s7], [sflag:$0x4] =	stream.indirect_vreg.gather [hbm4b:s1+s3], $0x80, v8, vm0, $0xb8;
	[tilespmem:$0x1BC00] =	vst v63  }
0xfe: {  	s0 =	simm.s32 $0x15000  }
0xff: {  	[tilespmem:s0], [sflag:$0x4] =	stream.indirect_vreg.gather [hbm4b:s1+s3], $0x80, v7, vm0, $0xb8;
	[tilespmem:$0x1BC00] =	vst v63  }
0x100: {  	v7 =	vld [tilespmem:s25+$0x10];
	_ =	sdelay $0x4  }
0x101: {  	v8 =	vshll.u32 v7, $0x1  }
0x102: {  	v7 =	vand.u32 $0x7, v7;
	v8 =	vand.u32 $0xFFFFFFF0, v8  }
0x103: {  	v7 =	vor.u32 v7, v8  }
0x104: {  	v8 =	vperm.xlane v7, v1;
	_ =	sdelay $0x1  }
0x105: {  	v7 =	vperm.xlane v7, v3;
	v8 =	vadd.s32 v2, v8;
	_ =	sdelay $0x1  }
0x106: {  	v7 =	vadd.s32 v2, v7;
	_ =	sdelay $0x1  }
0x107: {  	s31 =	simm.s32 $0x15800  }
0x108: {  	[tilespmem:s31], [sflag:$0x4] =	stream.indirect_vreg.gather [hbm4b:s1+s3], $0x80, v8, vm0, $0xb8;
	[tilespmem:$0x1BC00] =	vst v63  }
0x109: {  	s2 =	simm.s32 $0x16000  }
0x10a: {  	[tilespmem:s2], [sflag:$0x4] =	stream.indirect_vreg.gather [hbm4b:s1+s3], $0x80, v7, vm0, $0xb8;
	[tilespmem:$0x1BC00] =	vst v63  }
0x10b: {  	v7 =	vld [tilespmem:s25+$0x20];
	_ =	sdelay $0x4  }
0x10c: {  	v8 =	vshll.u32 v7, $0x1  }
0x10d: {  	v7 =	vand.u32 $0x7, v7;
	v8 =	vand.u32 $0xFFFFFFF0, v8  }
0x10e: {  	v7 =	vor.u32 v7, v8  }
0x10f: {  	v8 =	vperm.xlane v7, v1;
	_ =	sdelay $0x1  }
0x110: {  	v7 =	vperm.xlane v7, v3;
	v8 =	vadd.s32 v2, v8;
	_ =	sdelay $0x1  }
0x111: {  	v7 =	vadd.s32 v2, v7;
	_ =	sdelay $0x1  }
0x112: {  	s11 =	simm.s32 $0x16800  }
0x113: {  	[tilespmem:s11], [sflag:$0x4] =	stream.indirect_vreg.gather [hbm4b:s1+s3], $0x80, v8, vm0, $0xb8;
	[tilespmem:$0x1BC00] =	vst v63  }
0x114: {  	s12 =	simm.s32 $0x17000  }
0x115: {  	[tilespmem:s12], [sflag:$0x4] =	stream.indirect_vreg.gather [hbm4b:s1+s3], $0x80, v7, vm0, $0xb8;
	[tilespmem:$0x1BC00] =	vst v63  }
0x116: {  	v7 =	vld [tilespmem:s25+$0x1400];
	_ =	sdelay $0x4  }
0x117: {  	v8 =	vshll.u32 v7, $0x1  }
0x118: {  	v7 =	vand.u32 $0x7, v7;
	v8 =	vand.u32 $0xFFFFFFF0, v8  }
0x119: {  	v7 =	vor.u32 v7, v8  }
0x11a: {  	v8 =	vperm.xlane v7, v1;
	_ =	sdelay $0x1  }
0x11b: {  	v7 =	vperm.xlane v7, v3;
	v8 =	vadd.s32 v2, v8;
	_ =	sdelay $0x1  }
0x11c: {  	v7 =	vadd.s32 v2, v7;
	_ =	sdelay $0x2  }
0x11d: {  	[tilespmem:s26], [sflag:$0x4] =	stream.indirect_vreg.gather [hbm4b:s1+s3], $0x80, v8, vm0, $0xb8;
	[tilespmem:$0x1BC00] =	vst v63  }
0x11e: {  	s13 =	simm.s32 $0x18000  }
0x11f: {  	[tilespmem:s13], [sflag:$0x4] =	stream.indirect_vreg.gather [hbm4b:s1+s3], $0x80, v7, vm0, $0xb8;
	[tilespmem:$0x1BC00] =	vst v63  }
0x120: {  	v7 =	vld [tilespmem:s25+$0x1410];
	_ =	sdelay $0x4  }
0x121: {  	v8 =	vshll.u32 v7, $0x1  }
0x122: {  	v7 =	vand.u32 $0x7, v7;
	v8 =	vand.u32 $0xFFFFFFF0, v8  }
0x123: {  	v7 =	vor.u32 v7, v8  }
0x124: {  	v8 =	vperm.xlane v7, v1;
	_ =	sdelay $0x1  }
0x125: {  	v7 =	vperm.xlane v7, v3;
	v8 =	vadd.s32 v2, v8;
	_ =	sdelay $0x1  }
0x126: {  	v7 =	vadd.s32 v2, v7;
	_ =	sdelay $0x1  }
0x127: {  	s14 =	simm.s32 $0x18800  }
0x128: {  	[tilespmem:s14], [sflag:$0x4] =	stream.indirect_vreg.gather [hbm4b:s1+s3], $0x80, v8, vm0, $0xb8;
	[tilespmem:$0x1BC00] =	vst v63  }
0x129: {  	s28 =	simm.s32 $0x19000  }
0x12a: {  	[tilespmem:s28], [sflag:$0x4] =	stream.indirect_vreg.gather [hbm4b:s1+s3], $0x80, v7, vm0, $0xb8;
	[tilespmem:$0x1BC00] =	vst v63  }
0x12b: {  	v7 =	vld [tilespmem:s25+$0x1420];
	_ =	sdelay $0x4  }
0x12c: {  	v8 =	vshll.u32 v7, $0x1  }
0x12d: {  	v7 =	vand.u32 $0x7, v7;
	v8 =	vand.u32 $0xFFFFFFF0, v8  }
0x12e: {  	v7 =	vor.u32 v7, v8  }
0x12f: {  	v8 =	vperm.xlane v7, v1;
	_ =	sdelay $0x1  }
0x130: {  	v7 =	vperm.xlane v7, v3;
	v8 =	vadd.s32 v2, v8;
	_ =	sdelay $0x1  }
0x131: {  	v7 =	vadd.s32 v2, v7;
	_ =	sdelay $0x1  }
0x132: {  	s30 =	simm.s32 $0x19800  }
0x133: {  	[tilespmem:s30], [sflag:$0x4] =	stream.indirect_vreg.gather [hbm4b:s1+s3], $0x80, v8, vm0, $0xb8;
	[tilespmem:$0x1BC00] =	vst v63  }
0x134: {  	s31 =	simm.s32 $0x1A000  }
0x135: {  	[tilespmem:s31], [sflag:$0x4] =	stream.indirect_vreg.gather [hbm4b:s1+s3], $0x80, v7, vm0, $0xb8;
	[tilespmem:$0x1BC00] =	vst v63  }
.LBB2_4:
0x136: {  	s0 =	simm.s32 $0x0  }
0x137: {  	v7 =	vadd.s32 s0, v0  }
0x138: {  	v8 =	vshll.u32 v7, $0x3  }
0x139: {  	v7 =	vand.u32 $0x7F, v7;
	v8 =	vand.u32 $0x400, v8  }
0x13a: {  	_ =	swait.ge [sflag:s9], $0x3000;
	s11 =	simm.s32 $0x7;
	v7 =	vor.u32 v7, v8  }
0x13b: {  	s2 =	simm.s32 $0x6;
	[sflag:s9] =	ssyncset.done $0x0;
	v8 =	vadd.s32 s11, v0;
	v10 =	vor.u32 v4, v7  }
0x13c: {  	v15 =	vimm.f32 $0.0e+00;
	v11 =	vadd.s32 s2, v0;
	[sflag:s9] =	ssyncadd.s32 $0xFFFFD000;
	v9 =	vshll.u32 v8, $0x3  }
0x13d: {  	s12 =	simm.s32 $0x5;
	_ =	swait.ge [sflag:s9], $0x3000;
	v8 =	vand.u32 $0x7F, v8;
	v7 =	vor.u32 v5, v7;
	v9 =	vand.u32 $0x400, v9  }
0x13e: {  	v14 =	vadd.s32 s12, v0;
	v12 =	vshll.u32 v11, $0x3;
	[sflag:s9] =	ssyncset.done $0x0;
	v9 =	vor.u32 v8, v9  }
0x13f: {  	s13 =	simm.s32 $0x4;
	[sflag:s9] =	ssyncadd.s32 $0xFFFFD000;
	v8 =	vand.u32 $0x7F, v11;
	v11 =	vand.u32 $0x400, v12;
	v22 =	vor.u32 v4, v9  }
0x140: {  	v21 =	vadd.s32 s13, v0;
	v16 =	vshll.u32 v14, $0x3;
	v12 =	vor.u32 v8, v11;
	v13 =	vld.idx.msk [tilespmem:v10+s10+$0x0], $0xffff  }
0x141: {  	v8 =	vand.u32 $0x7F, v14;
	v11 =	vand.u32 $0x400, v16;
	v14 =	vor.u32 v4, v12;
	v16 =	vld.idx.msk [tilespmem:v10+s16+$0x0], $0xffff  }
0x142: {  	s31 =	simm.s32 $0x3;
	v18 =	vor.u32 v8, v11;
	v8 =	vshll.u32 v21, $0x3;
	v11 =	vand.u32 $0x7F, v21;
	v17 =	vld.idx.msk [tilespmem:v7+s10+$0x0], $0xffff  }
0x143: {  	s14 =	simm.s32 $0x2;
	v10 =	vadd.s32 s31, v0;
	v24 =	vor.u32 v4, v18;
	v20 =	vld.idx.msk [tilespmem:v7+s16+$0x0], $0xffff;
	v8 =	vand.u32 $0x400, v8  }
0x144: {  	v25 =	vadd.s32 s14, v0;
	v23 =	vshll.u32 v10, $0x3;
	v21 =	vor.u32 v11, v8;
	v7 =	vld.idx.msk [tilespmem:v22+s10+$0x0], $0xffff  }
0x145: {  	s28 =	simm.s32 $0x1;
	v10 =	vand.u32 $0x7F, v10;
	v11 =	vand.u32 $0x400, v23;
	v26 =	vor.u32 v4, v21;
	v8 =	vld.idx.msk [tilespmem:v22+s16+$0x0], $0xffff  }
0x146: {  	v19 =	vadd.s32 s28, v0;
	v22 =	vshll.u32 v25, $0x3;
	v23 =	vor.u32 v10, v11;
	v10 =	vld.idx.msk [tilespmem:v14+s10+$0x0], $0xffff  }
0x147: {  	v25 =	vand.u32 $0x7F, v25;
	v22 =	vand.u32 $0x400, v22;
	v27 =	vor.u32 v4, v23;
	v11 =	vld.idx.msk [tilespmem:v14+s16+$0x0], $0xffff  }
0x148: {  	s30 =	sshll.u32 s24, $0x2;
	s2 =	simm.s32 $0x8;
	v28 =	vshll.u32 v19, $0x3;
	v25 =	vor.u32 v25, v22;
	v14 =	vld.idx.msk [tilespmem:v24+s10+$0x0], $0xffff;
	v22 =	vimm.f32 $0.0e+00  }
.LBB2_5:
0x149: {  	p1 =	slt.u32 s2, $0xF8;
	v19 =	vand.u32 $0x7F, v19;
	v28 =	vand.u32 $0x400, v28;
	v29 =	vor.u32 v4, v25;
	v24 =	vld.idx.msk [tilespmem:v24+s16+$0x0], $0xffff  }
0x14a: {  	v19 =	vor.u32 v19, v28;
	v28 =	vld.idx.msk [tilespmem:v26+s10+$0x0], $0xffff  }
0x14b: {  	v30 =	vor.u32 v4, v19;
	v26 =	vld.idx.msk [tilespmem:v26+s16+$0x0], $0xffff  }
0x14c: {  	s0 =	sadd.s32 $0x7, s2;
	v31 =	vld.idx.msk [tilespmem:v27+s10+$0x0], $0xffff  }
0x14d: {  	v32 =	vadd.s32 s2, v0;
	s28 =	sadd.s32 $0x4, s2;
	s31 =	sadd.s32 $0x5, s2;
	s11 =	sadd.s32 $0x6, s2;
	v33 =	vadd.s32 s0, v0;
	v34 =	vor.u32 v5, v19;
	v27 =	vld.idx.msk [tilespmem:v27+s16+$0x0], $0xffff  }
0x14e: {  	s12 =	sadd.s32 $0x3, s2;
	s0 =	sadd.s32 $0x2, s2;
	v35 =	vadd.s32 s28, v0;
	v36 =	vadd.s32 s31, v0;
	v37 =	vadd.s32 s11, v0;
	v38 =	vld.idx.msk [tilespmem:v29+s10+$0x0], $0xffff  }
0x14f: {  	v25 =	vor.u32 v5, v25;
	s11 =	sadd.s32 $0x1, s2;
	v40 =	vadd.s32 s12, v0;
	v39 =	vadd.s32 s0, v0;
	v29 =	vld.idx.msk [tilespmem:v29+s16+$0x0], $0xffff  }
0x150: {  	v41 =	vand.u32 $0x7F, v32;
	v32 =	vshll.u32 v32, $0x3;
	v19 =	vadd.s32 s11, v0;
	v42 =	vld.idx.msk [tilespmem:v30+s10+$0x0], $0xffff  }
0x151: {  	v23 =	vor.u32 v5, v23;
	v43 =	vand.u32 $0x7F, v33;
	v33 =	vshll.u32 v33, $0x3;
	v30 =	vld.idx.msk [tilespmem:v30+s16+$0x0], $0xffff  }
0x152: {  	v44 =	vand.u32 $0x7F, v36;
	v45 =	vand.u32 $0x7F, v37;
	v37 =	vshll.u32 v37, $0x3;
	v46 =	vld.idx.msk [tilespmem:v34+s10+$0x0], $0xffff  }
0x153: {  	v21 =	vor.u32 v5, v21;
	v47 =	vand.u32 $0x7F, v35;
	v36 =	vshll.u32 v36, $0x3;
	v34 =	vld.idx.msk [tilespmem:v34+s16+$0x0], $0xffff  }
0x154: {  	v48 =	vand.u32 $0x7F, v40;
	v40 =	vshll.u32 v40, $0x3;
	v35 =	vshll.u32 v35, $0x3;
	v49 =	vld.idx.msk [tilespmem:v25+s10+$0x0], $0xffff  }
0x155: {  	v18 =	vor.u32 v5, v18;
	v32 =	vand.u32 $0x400, v32;
	v50 =	vshll.u32 v39, $0x3;
	v25 =	vld.idx.msk [tilespmem:v25+s16+$0x0], $0xffff  }
0x156: {  	v36 =	vand.u32 $0x400, v36;
	v37 =	vand.u32 $0x400, v37;
	v33 =	vand.u32 $0x400, v33;
	v51 =	vld.idx.msk [tilespmem:v23+s10+$0x0], $0xffff  }
0x157: {  	v13 =	vmul.f32 v16, v13;
	v16 =	vmul.f32 v20, v17;
	v12 =	vor.u32 v5, v12;
	v17 =	vld.idx.msk [tilespmem:v23+s16+$0x0], $0xffff  }
0x158: {  	v20 =	vor.u32 v41, v32;
	v32 =	vor.u32 v5, v9;
	v23 =	vmul.f32 v30, v42;
	v30 =	vld.idx.msk [tilespmem:v21+s10+$0x0], $0xffff  }
0x159: {  	v9 =	vadd.f32 v13, v15;
	v13 =	vadd.f32 v16, v22;
	v15 =	vmul.f32 v34, v46;
	v16 =	vld.idx.msk [tilespmem:v21+s16+$0x0], $0xffff  }
0x15a: {  	v22 =	vand.u32 $0x400, v35;
	v29 =	vmul.f32 v29, v38;
	v21 =	vor.u32 v4, v20;
	v34 =	vld.idx.msk [tilespmem:v18+s10+$0x0], $0xffff  }
0x15b: {  	v23 =	vadd.f32 v23, v9;
	v13 =	vadd.f32 v15, v13;
	v15 =	vmul.f32 v25, v49;
	v25 =	vld.idx.msk [tilespmem:v18+s16+$0x0], $0xffff  }
0x15c: {  	v20 =	vor.u32 v5, v20;
	v9 =	vor.u32 v43, v33;
	v18 =	vmul.f32 v27, v31;
	v27 =	vld.idx.msk [tilespmem:v12+s10+$0x0], $0xffff  }
0x15d: {  	v23 =	vadd.f32 v29, v23;
	v13 =	vadd.f32 v15, v13;
	v15 =	vmul.f32 v17, v51;
	v29 =	vld.idx.msk [tilespmem:v12+s16+$0x0], $0xffff  }
0x15e: {  	v31 =	vor.u32 v4, v9;
	v17 =	vmul.f32 v26, v28;
	v12 =	vor.u32 v45, v37;
	v28 =	vld.idx.msk [tilespmem:v32+s10+$0x0], $0xffff  }
0x15f: {  	v23 =	vadd.f32 v18, v23;
	v15 =	vadd.f32 v15, v13;
	v26 =	vmul.f32 v16, v30;
	v30 =	vld.idx.msk [tilespmem:v32+s16+$0x0], $0xffff  }
0x160: {  	v14 =	vmul.f32 v24, v14;
	v18 =	vor.u32 v44, v36;
	v32 =	vor.u32 v4, v12;
	v13 =	vld.idx.msk [tilespmem:v21+s10+$0x0], $0xffff  }
0x161: {  	v23 =	vadd.f32 v17, v23;
	v15 =	vadd.f32 v26, v15;
	v25 =	vmul.f32 v25, v34;
	v16 =	vld.idx.msk [tilespmem:v21+s16+$0x0], $0xffff  }
0x162: {  	v10 =	vmul.f32 v11, v10;
	v24 =	vor.u32 v4, v18;
	v21 =	vor.u32 v47, v22;
	v17 =	vld.idx.msk [tilespmem:v20+s10+$0x0], $0xffff  }
0x163: {  	v11 =	vadd.f32 v14, v23;
	v14 =	vadd.f32 v25, v15;
	v15 =	vmul.f32 v29, v27;
	v20 =	vld.idx.msk [tilespmem:v20+s16+$0x0], $0xffff  }
.Ltmp5:
0x164: {  	v22 =	vand.u32 $0x400, v40;
	v26 =	vor.u32 v4, v21;
	v25 =	vmul.f32 v8, v7;
	v7 =	vld.idx.msk [tilespmem:v31+s10+$0x0], $0xffff;
	(pc) =	sbr.rel @p1 .LBB2_5-.Ltmp5, $4  }
0x165: {  	v29 =	vadd.f32 v10, v11;
	v14 =	vadd.f32 v15, v14;
	v28 =	vmul.f32 v30, v28;
	v8 =	vld.idx.msk [tilespmem:v31+s16+$0x0], $0xffff  }
0x166: {  	v23 =	vor.u32 v48, v22;
	v30 =	vand.u32 $0x7F, v39;
	v31 =	vand.u32 $0x400, v50;
	v10 =	vld.idx.msk [tilespmem:v32+s10+$0x0], $0xffff  }
0x167: {  	v27 =	vor.u32 v4, v23;
	v15 =	vadd.f32 v25, v29;
	v22 =	vadd.f32 v28, v14;
	v11 =	vld.idx.msk [tilespmem:v32+s16+$0x0], $0xffff  }
0x168: {  	s2 =	sadd.s32 $0x8, s2;
	v28 =	vshll.u32 v19, $0x3;
	v25 =	vor.u32 v30, v31;
	v14 =	vld.idx.msk [tilespmem:v24+s10+$0x0], $0xffff  }
0x169: {  	_ =	sdelay $0x3  }
0x16a: {  	v19 =	vand.u32 $0x7F, v19;
	v28 =	vand.u32 $0x400, v28;
	v29 =	vor.u32 v4, v25;
	v24 =	vld.idx.msk [tilespmem:v24+s16+$0x0], $0xffff  }
0x16b: {  	v63 =	vld.idx.msk [tilespmem:v26+s10+$0x0], $0xffff;
	v19 =	vor.u32 v19, v28  }
0x16c: {  	v26 =	vld.idx.msk [tilespmem:v26+s16+$0x0], $0xffff;
	v30 =	vor.u32 v4, v19  }
0x16d: {  	v31 =	vld.idx.msk [tilespmem:v27+s10+$0x0], $0xffff  }
0x16e: {  	v27 =	vld.idx.msk [tilespmem:v27+s16+$0x0], $0xffff;
	v19 =	vor.u32 v5, v19  }
0x16f: {  	v32 =	vld.idx.msk [tilespmem:v29+s10+$0x0], $0xffff  }
0x170: {  	v25 =	vor.u32 v5, v25;
	v29 =	vld.idx.msk [tilespmem:v29+s16+$0x0], $0xffff  }
0x171: {  	v33 =	vld.idx.msk [tilespmem:v30+s10+$0x0], $0xffff  }
0x172: {  	v23 =	vor.u32 v5, v23;
	v30 =	vld.idx.msk [tilespmem:v30+s16+$0x0], $0xffff  }
0x173: {  	v34 =	vld.idx.msk [tilespmem:v19+s10+$0x0], $0xffff  }
0x174: {  	v21 =	vor.u32 v5, v21;
	v19 =	vld.idx.msk [tilespmem:v19+s16+$0x0], $0xffff  }
0x175: {  	v35 =	vld.idx.msk [tilespmem:v25+s10+$0x0], $0xffff  }
0x176: {  	v18 =	vor.u32 v5, v18;
	v13 =	vmul.f32 v16, v13;
	v25 =	vld.idx.msk [tilespmem:v25+s16+$0x0], $0xffff  }
0x177: {  	v16 =	vmul.f32 v20, v17;
	v36 =	vld.idx.msk [tilespmem:v23+s10+$0x0], $0xffff  }
0x178: {  	v12 =	vor.u32 v5, v12;
	v13 =	vadd.f32 v13, v15;
	v17 =	vld.idx.msk [tilespmem:v23+s16+$0x0], $0xffff  }
0x179: {  	v15 =	vadd.f32 v16, v22;
	v23 =	vld.idx.msk [tilespmem:v21+s10+$0x0], $0xffff;
	v20 =	vmul.f32 v30, v33;
	v16 =	vmul.f32 v19, v34  }
0x17a: {  	v9 =	vor.u32 v5, v9;
	v19 =	vld.idx.msk [tilespmem:v21+s16+$0x0], $0xffff;
	v21 =	vmul.f32 v29, v32  }
0x17b: {  	v22 =	vld.idx.msk [tilespmem:v18+s10+$0x0], $0xffff;
	v13 =	vadd.f32 v20, v13;
	v15 =	vadd.f32 v16, v15;
	v16 =	vmul.f32 v25, v35  }
0x17c: {  	v18 =	vld.idx.msk [tilespmem:v18+s16+$0x0], $0xffff;
	v20 =	vmul.f32 v27, v31  }
0x17d: {  	v25 =	vld.idx.msk [tilespmem:v12+s10+$0x0], $0xffff;
	v13 =	vadd.f32 v21, v13;
	v15 =	vadd.f32 v16, v15;
	v16 =	vmul.f32 v17, v36  }
0x17e: {  	v12 =	vld.idx.msk [tilespmem:v12+s16+$0x0], $0xffff;
	v17 =	vmul.f32 v26, v63  }
0x17f: {  	v21 =	vld.idx.msk [tilespmem:v9+s10+$0x0], $0xffff;
	v13 =	vadd.f32 v20, v13;
	v15 =	vadd.f32 v16, v15;
	v16 =	vmul.f32 v19, v23  }
0x180: {  	v14 =	vmul.f32 v24, v14;
	v9 =	vld.idx.msk [tilespmem:v9+s16+$0x0], $0xffff  }
0x181: {  	v13 =	vadd.f32 v17, v13;
	v15 =	vadd.f32 v16, v15;
	v16 =	vmul.f32 v18, v22  }
0x182: {  	v10 =	vmul.f32 v11, v10  }
0x183: {  	v12 =	vmul.f32 v12, v25;
	v11 =	vadd.f32 v14, v13;
	v13 =	vadd.f32 v16, v15  }
0x184: {  	v7 =	vmul.f32 v8, v7  }
0x185: {  	s0 =	simm.s32 $0x0;
	v9 =	vmul.f32 v9, v21;
	v8 =	vadd.f32 v10, v11;
	v10 =	vadd.f32 v12, v13  }
0x186: {  	v11 =	vadd.s32 s0, v0  }
0x187: {  	s13 =	simm.s32 $0x1;
	v7 =	vadd.f32 v7, v8;
	v8 =	vadd.f32 v9, v10;
	v9 =	vshll.u32 v11, $0x3  }
0x188: {  	s2 =	simm.s32 $0x2;
	v10 =	vand.u32 $0x7F, v11;
	v11 =	vadd.s32 s13, v0;
	v9 =	vand.u32 $0x400, v9  }
0x189: {  	v12 =	vadd.s32 s2, v0;
	v13 =	vshll.u32 v11, $0x3;
	v9 =	vor.u32 v9, v10  }
0x18a: {  	s28 =	smul.u32 $0xC0, s24;
	s14 =	simm.s32 $0x3;
	v10 =	vand.u32 $0x7F, v11;
	v11 =	vand.u32 $0x400, v13;
	v9 =	vor.u32 v6, v9  }
0x18b: {  	v14 =	vshll.u32 v12, $0x3;
	v13 =	vadd.s32 s14, v0;
	v10 =	vor.u32 v11, v10  }
0x18c: {  	s31 =	smin.u32 s28, $0x1358;
	s2 =	simm.s32 $0x4;
	v11 =	vand.u32 $0x7F, v12;
	v12 =	vand.u32 $0x400, v14;
	v10 =	vor.u32 v6, v10  }
0x18d: {  	[tilespmem:s31+$0x1A800] =	vst v7;
	v7 =	vadd.s32 s2, v0;
	v14 =	vshll.u32 v13, $0x3;
	v11 =	vor.u32 v12, v11  }
0x18e: {  	s11 =	simm.s32 $0x5;
	[tilespmem:s31+$0x1A810] =	vst v8;
	v8 =	vand.u32 $0x7F, v13;
	v12 =	vand.u32 $0x400, v14;
	v11 =	vor.u32 v6, v11  }
0x18f: {  	v13 =	vadd.s32 s11, v0;
	v8 =	vor.u32 v12, v8;
	v12 =	vshll.u32 v7, $0x3;
	v14 =	vld.idx.msk [tilespmem:v9+s10+$0x0], $0xffff  }
0x190: {  	s12 =	simm.s32 $0x6;
	v7 =	vand.u32 $0x7F, v7;
	v8 =	vor.u32 v6, v8;
	v12 =	vand.u32 $0x400, v12;
	v9 =	vld.idx.msk [tilespmem:v9+s16+$0x0], $0xffff  }
0x191: {  	v16 =	vadd.s32 s12, v0;
	v7 =	vor.u32 v12, v7;
	v12 =	vshll.u32 v13, $0x3;
	v15 =	vld.idx.msk [tilespmem:v10+s10+$0x0], $0xffff  }
0x192: {  	s13 =	simm.s32 $0x7;
	v7 =	vor.u32 v6, v7;
	v12 =	vand.u32 $0x400, v12;
	v17 =	vld.idx.msk [tilespmem:v10+s16+$0x0], $0xffff;
	v10 =	vand.u32 $0x7F, v13  }
0x193: {  	v13 =	vadd.s32 s13, v0;
	v18 =	vld.idx.msk [tilespmem:v11+s10+$0x0], $0xffff;
	v10 =	vor.u32 v12, v10;
	v12 =	vshll.u32 v16, $0x3  }
0x194: {  	v19 =	vld.idx.msk [tilespmem:v11+s16+$0x0], $0xffff;
	v20 =	vor.u32 v6, v10;
	v10 =	vand.u32 $0x7F, v16;
	v11 =	vand.u32 $0x400, v12  }
0x195: {  	v16 =	vld.idx.msk [tilespmem:v8+s10+$0x0], $0xffff;
	v12 =	vshll.u32 v13, $0x3;
	v10 =	vor.u32 v11, v10;
	v11 =	vand.u32 $0x7F, v13  }
0x196: {  	v22 =	vld.idx.msk [tilespmem:v8+s16+$0x0], $0xffff;
	v8 =	vand.u32 $0x400, v12;
	v9 =	vmul.f32 v9, v14;
	v23 =	vor.u32 v6, v10  }
0x197: {  	v12 =	vimm.f32 $0.0e+00;
	v10 =	vld.idx.msk [tilespmem:v7+s10+$0x0], $0xffff;
	v8 =	vor.u32 v8, v11  }
0x198: {  	s2 =	simm.s32 $0x8;
	s14 =	simm.s32 $0xC;
	s13 =	simm.s32 $0x9;
	v15 =	vmul.f32 v17, v15;
	v13 =	vor.u32 v6, v8;
	v14 =	vadd.f32 v9, v12;
	v12 =	vld.idx.msk [tilespmem:v7+s16+$0x0], $0xffff  }
0x199: {  	s11 =	simm.s32 $0xD;
	v24 =	vadd.s32 s2, v0;
	v21 =	vadd.s32 s13, v0;
	v8 =	vadd.s32 s14, v0;
	v11 =	vld.idx.msk [tilespmem:v20+s10+$0x0], $0xffff  }
0x19a: {  	s12 =	simm.s32 $0xB;
	s14 =	simm.s32 $0xA;
	v7 =	vadd.s32 s11, v0;
	v18 =	vmul.f32 v19, v18;
	v25 =	vadd.f32 v15, v14;
	v15 =	vld.idx.msk [tilespmem:v20+s16+$0x0], $0xffff  }
0x19b: {  	v9 =	vadd.s32 s12, v0;
	v17 =	vadd.s32 s14, v0;
	v26 =	vmul.f32 v22, v16;
	v14 =	vld.idx.msk [tilespmem:v23+s10+$0x0], $0xffff  }
0x19c: {  	v22 =	vshll.u32 v17, $0x3;
	v19 =	vshll.u32 v9, $0x3;
	v25 =	vadd.f32 v18, v25;
	v18 =	vld.idx.msk [tilespmem:v23+s16+$0x0], $0xffff  }
0x19d: {  	s0 =	simm.s32 $0x10;
	v20 =	vand.u32 $0x7F, v24;
	v24 =	vshll.u32 v24, $0x3;
	v23 =	vshll.u32 v21, $0x3;
	v16 =	vld.idx.msk [tilespmem:v13+s10+$0x0], $0xffff  }
.LBB2_7:
0x19e: {  	p1 =	slt.u32 s0, $0xF8;
	v24 =	vand.u32 $0x400, v24;
	v25 =	vadd.f32 v26, v25;
	v10 =	vmul.f32 v12, v10;
	v12 =	vld.idx.msk [tilespmem:v13+s16+$0x0], $0xffff  }
0x19f: {  	v13 =	vor.u32 v24, v20;
	v20 =	vand.u32 $0x7F, v21;
	v21 =	vand.u32 $0x400, v23  }
0x1a0: {  	v11 =	vmul.f32 v15, v11;
	v13 =	vor.u32 v6, v13;
	v10 =	vadd.f32 v10, v25  }
0x1a1: {  	v17 =	vand.u32 $0x7F, v17;
	v15 =	vor.u32 v21, v20;
	v20 =	vand.u32 $0x400, v22  }
0x1a2: {  	v15 =	vor.u32 v6, v15;
	v10 =	vadd.f32 v11, v10;
	v11 =	vmul.f32 v18, v14  }
0x1a3: {  	v9 =	vand.u32 $0x7F, v9;
	v14 =	vor.u32 v20, v17;
	v17 =	vand.u32 $0x400, v19  }
0x1a4: {  	v14 =	vor.u32 v6, v14;
	v10 =	vadd.f32 v11, v10;
	v11 =	vmul.f32 v12, v16  }
0x1a5: {  	v9 =	vor.u32 v17, v9;
	v16 =	vand.u32 $0x7F, v8;
	v8 =	vshll.u32 v8, $0x3;
	v12 =	vld.idx.msk [tilespmem:v13+s10+$0x0], $0xffff  }
0x1a6: {  	s11 =	sadd.s32 $0x6, s2;
	v9 =	vor.u32 v6, v9;
	v8 =	vand.u32 $0x400, v8;
	v13 =	vld.idx.msk [tilespmem:v13+s16+$0x0], $0xffff;
	v11 =	vadd.f32 v11, v10  }
0x1a7: {  	v8 =	vor.u32 v8, v16;
	v10 =	vshll.u32 v7, $0x3;
	v16 =	vadd.s32 s11, v0;
	v17 =	vld.idx.msk [tilespmem:v15+s10+$0x0], $0xffff  }
0x1a8: {  	v7 =	vand.u32 $0x7F, v7;
	s11 =	sadd.s32 $0x7, s2;
	s2 =	smov.u32 s0;
	v8 =	vor.u32 v6, v8;
	v10 =	vand.u32 $0x400, v10;
	v15 =	vld.idx.msk [tilespmem:v15+s16+$0x0], $0xffff  }
0x1a9: {  	v19 =	vadd.s32 s11, v0;
	v7 =	vor.u32 v10, v7;
	v10 =	vshll.u32 v16, $0x3;
	v18 =	vld.idx.msk [tilespmem:v14+s10+$0x0], $0xffff  }
0x1aa: {  	v20 =	vor.u32 v6, v7;
	v7 =	vand.u32 $0x7F, v16;
	v10 =	vand.u32 $0x400, v10;
	v14 =	vld.idx.msk [tilespmem:v14+s16+$0x0], $0xffff  }
0x1ab: {  	v21 =	vand.u32 $0x7F, v19;
	v7 =	vor.u32 v10, v7;
	v10 =	vshll.u32 v19, $0x3;
	v16 =	vld.idx.msk [tilespmem:v9+s10+$0x0], $0xffff  }
0x1ac: {  	v12 =	vmul.f32 v13, v12;
	v22 =	vor.u32 v6, v7;
	v7 =	vand.u32 $0x400, v10;
	v19 =	vld.idx.msk [tilespmem:v9+s16+$0x0], $0xffff  }
0x1ad: {  	v7 =	vor.u32 v7, v21;
	v10 =	vld.idx.msk [tilespmem:v8+s10+$0x0], $0xffff  }
0x1ae: {  	s12 =	sadd.s32 $0x5, s0;
	s11 =	sadd.s32 $0x4, s0;
	v21 =	vadd.f32 v12, v11;
	v15 =	vmul.f32 v15, v17;
	v13 =	vor.u32 v6, v7;
	v12 =	vld.idx.msk [tilespmem:v8+s16+$0x0], $0xffff  }
.Ltmp6:
0x1af: {  	s13 =	sadd.s32 $0x3, s0;
	v23 =	vadd.s32 s0, v0;
	v7 =	vadd.s32 s12, v0;
	v8 =	vadd.s32 s11, v0;
	v11 =	vld.idx.msk [tilespmem:v20+s10+$0x0], $0xffff;
	(pc) =	sbr.rel @p1 .LBB2_7-.Ltmp6, $4  }
0x1b0: {  	v9 =	vadd.s32 s13, v0;
	s12 =	sadd.s32 $0x2, s0;
	s11 =	sadd.s32 $0x1, s0;
	v25 =	vadd.f32 v15, v21;
	v18 =	vmul.f32 v14, v18;
	v15 =	vld.idx.msk [tilespmem:v20+s16+$0x0], $0xffff  }
0x1b1: {  	v17 =	vadd.s32 s12, v0;
	v21 =	vadd.s32 s11, v0;
	v20 =	vand.u32 $0x7F, v23;
	v14 =	vld.idx.msk [tilespmem:v22+s10+$0x0], $0xffff  }
0x1b2: {  	v24 =	vshll.u32 v23, $0x3;
	v25 =	vadd.f32 v18, v25;
	v26 =	vmul.f32 v19, v16;
	v18 =	vld.idx.msk [tilespmem:v22+s16+$0x0], $0xffff  }
0x1b3: {  	s0 =	sadd.s32 $0x8, s0;
	v23 =	vshll.u32 v21, $0x3;
	v19 =	vshll.u32 v9, $0x3;
	v22 =	vshll.u32 v17, $0x3;
	v16 =	vld.idx.msk [tilespmem:v13+s10+$0x0], $0xffff  }
0x1b4: {  	_ =	sdelay $0x1  }
0x1b5: {  	v24 =	vand.u32 $0x400, v24;
	v25 =	vadd.f32 v26, v25;
	v10 =	vmul.f32 v12, v10  }
0x1b6: {  	v37 =	vand.u32 $0x7F, v21;
	v38 =	vand.u32 $0x400, v23;
	v36 =	vor.u32 v24, v20  }
0x1b7: {  	v35 =	vld.idx.msk [tilespmem:v13+s16+$0x0], $0xffff;
	v17 =	vand.u32 $0x7F, v17;
	v40 =	vand.u32 $0x400, v22;
	v13 =	vor.u32 v6, v36  }
0x1b8: {  	v9 =	vand.u32 $0x7F, v9;
	v43 =	vand.u32 $0x400, v19;
	v39 =	vor.u32 v38, v37  }
0x1b9: {  	v46 =	vand.u32 $0x7F, v8;
	v11 =	vmul.f32 v15, v11;
	v15 =	vor.u32 v6, v39  }
0x1ba: {  	v8 =	vshll.u32 v8, $0x3;
	v48 =	vshll.u32 v7, $0x3;
	v42 =	vor.u32 v40, v17  }
0x1bb: {  	v7 =	vand.u32 $0x7F, v7;
	v41 =	vmul.f32 v18, v14;
	v14 =	vor.u32 v6, v42  }
0x1bc: {  	s0 =	sadd.s32 $0x6, s2;
	s14 =	sadd.s32 $0x7, s2;
	v9 =	vor.u32 v43, v9;
	v8 =	vand.u32 $0x400, v8;
	v10 =	vadd.f32 v10, v25;
	v45 =	vld.idx.msk [tilespmem:v13+s10+$0x0], $0xffff  }
0x1bd: {  	v49 =	vadd.s32 s0, v0;
	v52 =	vadd.s32 s14, v0;
	v9 =	vor.u32 v6, v9;
	v13 =	vld.idx.msk [tilespmem:v13+s16+$0x0], $0xffff  }
0x1be: {  	v8 =	vor.u32 v8, v46;
	v51 =	vshll.u32 v49, $0x3;
	v10 =	vadd.f32 v11, v10;
	v47 =	vld.idx.msk [tilespmem:v15+s10+$0x0], $0xffff  }
0x1bf: {  	v8 =	vor.u32 v6, v8;
	v44 =	vmul.f32 v35, v16;
	v16 =	vand.u32 $0x400, v48;
	v15 =	vld.idx.msk [tilespmem:v15+s16+$0x0], $0xffff  }
0x1c0: {  	v17 =	vand.u32 $0x7F, v49;
	v10 =	vadd.f32 v41, v10;
	v7 =	vor.u32 v16, v7;
	v50 =	vld.idx.msk [tilespmem:v14+s10+$0x0], $0xffff  }
0x1c1: {  	v54 =	vshll.u32 v52, $0x3;
	v16 =	vand.u32 $0x400, v51;
	v7 =	vor.u32 v6, v7;
	v14 =	vld.idx.msk [tilespmem:v14+s16+$0x0], $0xffff  }
0x1c2: {  	v53 =	vld.idx.msk [tilespmem:v9+s10+$0x0], $0xffff;
	v16 =	vor.u32 v16, v17;
	v10 =	vadd.f32 v44, v10;
	v12 =	vmul.f32 v13, v45  }
0x1c3: {  	v55 =	vand.u32 $0x7F, v52;
	v9 =	vld.idx.msk [tilespmem:v9+s16+$0x0], $0xffff;
	v17 =	vand.u32 $0x400, v54;
	v16 =	vor.u32 v6, v16  }
0x1c4: {  	v56 =	vld.idx.msk [tilespmem:v8+s10+$0x0], $0xffff;
	v13 =	vor.u32 v17, v55;
	v11 =	vmul.f32 v15, v47;
	v10 =	vadd.f32 v12, v10  }
0x1c5: {  	v8 =	vld.idx.msk [tilespmem:v8+s16+$0x0], $0xffff;
	v57 =	vor.u32 v6, v13  }
0x1c6: {  	v58 =	vld.idx.msk [tilespmem:v7+s10+$0x0], $0xffff;
	v59 =	vmul.f32 v14, v50;
	v10 =	vadd.f32 v11, v10  }
0x1c7: {  	v7 =	vld.idx.msk [tilespmem:v7+s16+$0x0], $0xffff  }
0x1c8: {  	v9 =	vmul.f32 v9, v53;
	v60 =	vld.idx.msk [tilespmem:v16+s10+$0x0], $0xffff;
	v10 =	vadd.f32 v59, v10  }
0x1c9: {  	v61 =	vld.idx.msk [tilespmem:v16+s16+$0x0], $0xffff  }
0x1ca: {  	v8 =	vmul.f32 v8, v56;
	v62 =	vld.idx.msk [tilespmem:v57+s10+$0x0], $0xffff;
	v9 =	vadd.f32 v9, v10  }
0x1cb: {  	v63 =	vld.idx.msk [tilespmem:v57+s16+$0x0], $0xffff  }
0x1cc: {  	v7 =	vmul.f32 v7, v58;
	v8 =	vadd.f32 v8, v9;
	_ =	sdelay $0x1  }
0x1cd: {  	v7 =	vadd.f32 v7, v8;
	v8 =	vmul.f32 v61, v60  }
0x1ce: {  	p1 =	seq.s32 s24, $0x1A  }
.Ltmp7:
0x1cf: {  	v7 =	vadd.f32 v8, v7;
	v8 =	vmul.f32 v63, v62;
	(pc) =	sbr.rel @p1 .LBB2_24-.Ltmp7, $3  }
0x1d0: {  	_ = 	snop  }
0x1d1: {  	v7 =	vadd.f32 v8, v7;
	_ =	sdelay $0x1  }
0x1d2: {  	[tilespmem:s31+$0x1A820] =	vst v7  }
0x1d3: {  	s0 =	smin.u32 s28, $0x1298  }
0x1d4: {  	v7 =	vld [tilespmem:s0+$0xC0];
	_ =	sdelay $0x4  }
0x1d5: {  	v8 =	vshll.u32 v7, $0x1  }
0x1d6: {  	v7 =	vand.u32 $0x7, v7;
	v8 =	vand.u32 $0xFFFFFFF0, v8  }
0x1d7: {  	v7 =	vor.u32 v7, v8  }
0x1d8: {  	v8 =	vperm.xlane v7, v1;
	_ =	sdelay $0x1  }
0x1d9: {  	v7 =	vperm.xlane v7, v3;
	v8 =	vadd.s32 v2, v8;
	_ =	sdelay $0x1  }
0x1da: {  	v7 =	vadd.s32 v2, v7;
	_ =	sdelay $0x2  }
0x1db: {  	[tilespmem:s10], [sflag:$0x1] =	stream.indirect_vreg.gather [hbm4b:s1+s3], $0x80, v8, vm0, $0xb8;
	[tilespmem:$0x1BC00] =	vst v63  }
0x1dc: {  	s2 =	simm.s32 $0x3000  }
0x1dd: {  	[tilespmem:s2], [sflag:$0x1] =	stream.indirect_vreg.gather [hbm4b:s1+s3], $0x80, v7, vm0, $0xb8;
	[tilespmem:$0x1BC00] =	vst v63  }
0x1de: {  	v7 =	vld [tilespmem:s0+$0xD0];
	_ =	sdelay $0x4  }
0x1df: {  	v8 =	vshll.u32 v7, $0x1  }
0x1e0: {  	v7 =	vand.u32 $0x7, v7;
	v8 =	vand.u32 $0xFFFFFFF0, v8  }
0x1e1: {  	v7 =	vor.u32 v7, v8  }
0x1e2: {  	v8 =	vperm.xlane v7, v1;
	_ =	sdelay $0x1  }
0x1e3: {  	v7 =	vperm.xlane v7, v3;
	v8 =	vadd.s32 v2, v8;
	_ =	sdelay $0x1  }
0x1e4: {  	v7 =	vadd.s32 v2, v7;
	_ =	sdelay $0x1  }
0x1e5: {  	s12 =	simm.s32 $0x3800  }
0x1e6: {  	[tilespmem:s12], [sflag:$0x1] =	stream.indirect_vreg.gather [hbm4b:s1+s3], $0x80, v8, vm0, $0xb8;
	[tilespmem:$0x1BC00] =	vst v63  }
0x1e7: {  	s13 =	simm.s32 $0x4000  }
0x1e8: {  	[tilespmem:s13], [sflag:$0x1] =	stream.indirect_vreg.gather [hbm4b:s1+s3], $0x80, v7, vm0, $0xb8;
	[tilespmem:$0x1BC00] =	vst v63  }
0x1e9: {  	v7 =	vld [tilespmem:s0+$0xE0];
	_ =	sdelay $0x4  }
0x1ea: {  	v8 =	vshll.u32 v7, $0x1  }
0x1eb: {  	v7 =	vand.u32 $0x7, v7;
	v8 =	vand.u32 $0xFFFFFFF0, v8  }
0x1ec: {  	v7 =	vor.u32 v7, v8  }
0x1ed: {  	v8 =	vperm.xlane v7, v1;
	_ =	sdelay $0x1  }
0x1ee: {  	v7 =	vperm.xlane v7, v3;
	v8 =	vadd.s32 v2, v8;
	_ =	sdelay $0x1  }
0x1ef: {  	v7 =	vadd.s32 v2, v7;
	_ =	sdelay $0x1  }
0x1f0: {  	s14 =	simm.s32 $0x4800  }
0x1f1: {  	[tilespmem:s14], [sflag:$0x1] =	stream.indirect_vreg.gather [hbm4b:s1+s3], $0x80, v8, vm0, $0xb8;
	[tilespmem:$0x1BC00] =	vst v63  }
0x1f2: {  	_ = 	snop  }
0x1f3: {  	[tilespmem:s15], [sflag:$0x1] =	stream.indirect_vreg.gather [hbm4b:s1+s3], $0x80, v7, vm0, $0xb8;
	[tilespmem:$0x1BC00] =	vst v63  }
0x1f4: {  	v7 =	vld [tilespmem:s0+$0x14C0];
	_ =	sdelay $0x4  }
0x1f5: {  	v8 =	vshll.u32 v7, $0x1  }
0x1f6: {  	v7 =	vand.u32 $0x7, v7;
	v8 =	vand.u32 $0xFFFFFFF0, v8  }
0x1f7: {  	v7 =	vor.u32 v7, v8  }
0x1f8: {  	v8 =	vperm.xlane v7, v1;
	_ =	sdelay $0x1  }
0x1f9: {  	v7 =	vperm.xlane v7, v3;
	v8 =	vadd.s32 v2, v8;
	_ =	sdelay $0x1  }
0x1fa: {  	v7 =	vadd.s32 v2, v7;
	_ =	sdelay $0x2  }
0x1fb: {  	[tilespmem:s16], [sflag:$0x1] =	stream.indirect_vreg.gather [hbm4b:s1+s3], $0x80, v8, vm0, $0xb8;
	[tilespmem:$0x1BC00] =	vst v63  }
0x1fc: {  	_ = 	snop  }
0x1fd: {  	[tilespmem:s17], [sflag:$0x1] =	stream.indirect_vreg.gather [hbm4b:s1+s3], $0x80, v7, vm0, $0xb8;
	[tilespmem:$0x1BC00] =	vst v63  }
0x1fe: {  	v7 =	vld [tilespmem:s0+$0x14D0];
	_ =	sdelay $0x4  }
0x1ff: {  	v8 =	vshll.u32 v7, $0x1  }
0x200: {  	v7 =	vand.u32 $0x7, v7;
	v8 =	vand.u32 $0xFFFFFFF0, v8  }
0x201: {  	v7 =	vor.u32 v7, v8  }
0x202: {  	v8 =	vperm.xlane v7, v1;
	_ =	sdelay $0x1  }
0x203: {  	v7 =	vperm.xlane v7, v3;
	v8 =	vadd.s32 v2, v8;
	_ =	sdelay $0x1  }
0x204: {  	v7 =	vadd.s32 v2, v7;
	_ =	sdelay $0x2  }
0x205: {  	[tilespmem:s18], [sflag:$0x1] =	stream.indirect_vreg.gather [hbm4b:s1+s3], $0x80, v8, vm0, $0xb8;
	[tilespmem:$0x1BC00] =	vst v63  }
0x206: {  	_ = 	snop  }
0x207: {  	[tilespmem:s19], [sflag:$0x1] =	stream.indirect_vreg.gather [hbm4b:s1+s3], $0x80, v7, vm0, $0xb8;
	[tilespmem:$0x1BC00] =	vst v63  }
0x208: {  	v7 =	vld [tilespmem:s0+$0x14E0];
	_ =	sdelay $0x4  }
0x209: {  	v8 =	vshll.u32 v7, $0x1  }
0x20a: {  	v7 =	vand.u32 $0x7, v7;
	v8 =	vand.u32 $0xFFFFFFF0, v8  }
0x20b: {  	v7 =	vor.u32 v7, v8  }
0x20c: {  	v8 =	vperm.xlane v7, v1;
	_ =	sdelay $0x1  }
0x20d: {  	v7 =	vperm.xlane v7, v3;
	v8 =	vadd.s32 v2, v8  }
0x20e: {  	s31 =	sor.u32 $0x1, s30  }
0x20f: {  	p1 =	sgt.u32 s31, $0x68;
	v7 =	vadd.s32 v2, v7  }
.Ltmp8:
0x210: {  	_ = 	snop;
	(pc) =	sbr.rel @p1 .LBB2_15-.Ltmp8, $4  }
0x211: {  	_ = 	snop  }
0x212: {  	[tilespmem:s20], [sflag:$0x1] =	stream.indirect_vreg.gather [hbm4b:s1+s3], $0x80, v8, vm0, $0xb8;
	[tilespmem:$0x1BC00] =	vst v63  }
0x213: {  	_ = 	snop  }
0x214: {  	[tilespmem:s21], [sflag:$0x1] =	stream.indirect_vreg.gather [hbm4b:s1+s3], $0x80, v7, vm0, $0xb8;
	[tilespmem:$0x1BC00] =	vst v63  }
0x215: {  	s0 =	simm.s32 $0x0  }
0x216: {  	v7 =	vadd.s32 s0, v0  }
0x217: {  	v8 =	vshll.u32 v7, $0x3  }
0x218: {  	v7 =	vand.u32 $0x7F, v7;
	v8 =	vand.u32 $0x400, v8  }
0x219: {  	_ =	swait.ge [sflag:s8], $0x3000;
	s14 =	simm.s32 $0x7;
	v7 =	vor.u32 v7, v8  }
0x21a: {  	s2 =	simm.s32 $0x6;
	[sflag:s8] =	ssyncset.done $0x0;
	v8 =	vadd.s32 s14, v0;
	v10 =	vor.u32 v4, v7  }
0x21b: {  	v15 =	vimm.f32 $0.0e+00;
	v11 =	vadd.s32 s2, v0;
	[sflag:s8] =	ssyncadd.s32 $0xFFFFD000;
	v9 =	vshll.u32 v8, $0x3  }
0x21c: {  	s11 =	simm.s32 $0x5;
	_ =	swait.ge [sflag:s8], $0x3000;
	v8 =	vand.u32 $0x7F, v8;
	v7 =	vor.u32 v5, v7;
	v9 =	vand.u32 $0x400, v9  }
0x21d: {  	v13 =	vadd.s32 s11, v0;
	v12 =	vshll.u32 v11, $0x3;
	[sflag:s8] =	ssyncset.done $0x0;
	v9 =	vor.u32 v8, v9  }
0x21e: {  	s12 =	simm.s32 $0x4;
	[sflag:s8] =	ssyncadd.s32 $0xFFFFD000;
	v8 =	vand.u32 $0x7F, v11;
	v11 =	vand.u32 $0x400, v12;
	v22 =	vor.u32 v4, v9  }
0x21f: {  	v21 =	vadd.s32 s12, v0;
	v16 =	vshll.u32 v13, $0x3;
	v12 =	vor.u32 v8, v11;
	v14 =	vld.idx.msk [tilespmem:v10+s22+$0x0], $0xffff  }
0x220: {  	v8 =	vand.u32 $0x7F, v13;
	v11 =	vand.u32 $0x400, v16;
	v13 =	vor.u32 v4, v12;
	v16 =	vld.idx.msk [tilespmem:v10+s29+$0x0], $0xffff  }
0x221: {  	s14 =	simm.s32 $0x3;
	v18 =	vor.u32 v8, v11;
	v8 =	vshll.u32 v21, $0x3;
	v11 =	vand.u32 $0x7F, v21;
	v17 =	vld.idx.msk [tilespmem:v7+s22+$0x0], $0xffff  }
0x222: {  	s13 =	simm.s32 $0x2;
	v10 =	vadd.s32 s14, v0;
	v24 =	vor.u32 v4, v18;
	v20 =	vld.idx.msk [tilespmem:v7+s29+$0x0], $0xffff;
	v8 =	vand.u32 $0x400, v8  }
0x223: {  	v25 =	vadd.s32 s13, v0;
	v23 =	vshll.u32 v10, $0x3;
	v21 =	vor.u32 v11, v8;
	v7 =	vld.idx.msk [tilespmem:v22+s22+$0x0], $0xffff  }
0x224: {  	s11 =	simm.s32 $0x1;
	v10 =	vand.u32 $0x7F, v10;
	v11 =	vand.u32 $0x400, v23;
	v26 =	vor.u32 v4, v21;
	v8 =	vld.idx.msk [tilespmem:v22+s29+$0x0], $0xffff  }
0x225: {  	v19 =	vadd.s32 s11, v0;
	v22 =	vshll.u32 v25, $0x3;
	v23 =	vor.u32 v10, v11;
	v10 =	vld.idx.msk [tilespmem:v13+s22+$0x0], $0xffff  }
0x226: {  	v25 =	vand.u32 $0x7F, v25;
	v22 =	vand.u32 $0x400, v22;
	v27 =	vor.u32 v4, v23;
	v11 =	vld.idx.msk [tilespmem:v13+s29+$0x0], $0xffff  }
0x227: {  	s2 =	simm.s32 $0x8;
	v28 =	vshll.u32 v19, $0x3;
	v25 =	vor.u32 v25, v22;
	v13 =	vld.idx.msk [tilespmem:v24+s22+$0x0], $0xffff;
	v22 =	vimm.f32 $0.0e+00  }
.LBB2_11:
0x228: {  	p1 =	slt.u32 s2, $0xF8;
	v19 =	vand.u32 $0x7F, v19;
	v28 =	vand.u32 $0x400, v28;
	v29 =	vor.u32 v4, v25;
	v24 =	vld.idx.msk [tilespmem:v24+s29+$0x0], $0xffff  }
0x229: {  	v19 =	vor.u32 v19, v28;
	v28 =	vld.idx.msk [tilespmem:v26+s22+$0x0], $0xffff  }
0x22a: {  	v30 =	vor.u32 v4, v19;
	v26 =	vld.idx.msk [tilespmem:v26+s29+$0x0], $0xffff  }
0x22b: {  	s0 =	sadd.s32 $0x7, s2;
	v31 =	vld.idx.msk [tilespmem:v27+s22+$0x0], $0xffff  }
0x22c: {  	v32 =	vadd.s32 s2, v0;
	s11 =	sadd.s32 $0x4, s2;
	s12 =	sadd.s32 $0x5, s2;
	s13 =	sadd.s32 $0x6, s2;
	v33 =	vadd.s32 s0, v0;
	v34 =	vor.u32 v5, v19;
	v27 =	vld.idx.msk [tilespmem:v27+s29+$0x0], $0xffff  }
0x22d: {  	s14 =	sadd.s32 $0x3, s2;
	s0 =	sadd.s32 $0x2, s2;
	v35 =	vadd.s32 s11, v0;
	v36 =	vadd.s32 s12, v0;
	v37 =	vadd.s32 s13, v0;
	v38 =	vld.idx.msk [tilespmem:v29+s22+$0x0], $0xffff  }
0x22e: {  	v25 =	vor.u32 v5, v25;
	s11 =	sadd.s32 $0x1, s2;
	v40 =	vadd.s32 s14, v0;
	v39 =	vadd.s32 s0, v0;
	v29 =	vld.idx.msk [tilespmem:v29+s29+$0x0], $0xffff  }
0x22f: {  	v41 =	vand.u32 $0x7F, v32;
	v32 =	vshll.u32 v32, $0x3;
	v19 =	vadd.s32 s11, v0;
	v42 =	vld.idx.msk [tilespmem:v30+s22+$0x0], $0xffff  }
0x230: {  	v23 =	vor.u32 v5, v23;
	v43 =	vand.u32 $0x7F, v33;
	v33 =	vshll.u32 v33, $0x3;
	v30 =	vld.idx.msk [tilespmem:v30+s29+$0x0], $0xffff  }
0x231: {  	v44 =	vand.u32 $0x7F, v36;
	v45 =	vand.u32 $0x7F, v37;
	v37 =	vshll.u32 v37, $0x3;
	v46 =	vld.idx.msk [tilespmem:v34+s22+$0x0], $0xffff  }
0x232: {  	v21 =	vor.u32 v5, v21;
	v47 =	vand.u32 $0x7F, v35;
	v36 =	vshll.u32 v36, $0x3;
	v34 =	vld.idx.msk [tilespmem:v34+s29+$0x0], $0xffff  }
0x233: {  	v48 =	vand.u32 $0x7F, v40;
	v40 =	vshll.u32 v40, $0x3;
	v35 =	vshll.u32 v35, $0x3;
	v49 =	vld.idx.msk [tilespmem:v25+s22+$0x0], $0xffff  }
0x234: {  	v18 =	vor.u32 v5, v18;
	v32 =	vand.u32 $0x400, v32;
	v50 =	vshll.u32 v39, $0x3;
	v25 =	vld.idx.msk [tilespmem:v25+s29+$0x0], $0xffff  }
0x235: {  	v36 =	vand.u32 $0x400, v36;
	v37 =	vand.u32 $0x400, v37;
	v33 =	vand.u32 $0x400, v33;
	v51 =	vld.idx.msk [tilespmem:v23+s22+$0x0], $0xffff  }
0x236: {  	v14 =	vmul.f32 v16, v14;
	v16 =	vmul.f32 v20, v17;
	v12 =	vor.u32 v5, v12;
	v17 =	vld.idx.msk [tilespmem:v23+s29+$0x0], $0xffff  }
0x237: {  	v20 =	vor.u32 v41, v32;
	v32 =	vor.u32 v5, v9;
	v23 =	vmul.f32 v30, v42;
	v30 =	vld.idx.msk [tilespmem:v21+s22+$0x0], $0xffff  }
0x238: {  	v9 =	vadd.f32 v14, v15;
	v14 =	vadd.f32 v16, v22;
	v15 =	vmul.f32 v34, v46;
	v16 =	vld.idx.msk [tilespmem:v21+s29+$0x0], $0xffff  }
0x239: {  	v22 =	vand.u32 $0x400, v35;
	v29 =	vmul.f32 v29, v38;
	v21 =	vor.u32 v4, v20;
	v34 =	vld.idx.msk [tilespmem:v18+s22+$0x0], $0xffff  }
0x23a: {  	v23 =	vadd.f32 v23, v9;
	v14 =	vadd.f32 v15, v14;
	v15 =	vmul.f32 v25, v49;
	v25 =	vld.idx.msk [tilespmem:v18+s29+$0x0], $0xffff  }
0x23b: {  	v20 =	vor.u32 v5, v20;
	v9 =	vor.u32 v43, v33;
	v18 =	vmul.f32 v27, v31;
	v27 =	vld.idx.msk [tilespmem:v12+s22+$0x0], $0xffff  }
0x23c: {  	v23 =	vadd.f32 v29, v23;
	v14 =	vadd.f32 v15, v14;
	v15 =	vmul.f32 v17, v51;
	v29 =	vld.idx.msk [tilespmem:v12+s29+$0x0], $0xffff  }
0x23d: {  	v31 =	vor.u32 v4, v9;
	v17 =	vmul.f32 v26, v28;
	v12 =	vor.u32 v45, v37;
	v28 =	vld.idx.msk [tilespmem:v32+s22+$0x0], $0xffff  }
0x23e: {  	v23 =	vadd.f32 v18, v23;
	v15 =	vadd.f32 v15, v14;
	v26 =	vmul.f32 v16, v30;
	v30 =	vld.idx.msk [tilespmem:v32+s29+$0x0], $0xffff  }
0x23f: {  	v13 =	vmul.f32 v24, v13;
	v18 =	vor.u32 v44, v36;
	v32 =	vor.u32 v4, v12;
	v14 =	vld.idx.msk [tilespmem:v21+s22+$0x0], $0xffff  }
0x240: {  	v23 =	vadd.f32 v17, v23;
	v15 =	vadd.f32 v26, v15;
	v25 =	vmul.f32 v25, v34;
	v16 =	vld.idx.msk [tilespmem:v21+s29+$0x0], $0xffff  }
0x241: {  	v10 =	vmul.f32 v11, v10;
	v24 =	vor.u32 v4, v18;
	v21 =	vor.u32 v47, v22;
	v17 =	vld.idx.msk [tilespmem:v20+s22+$0x0], $0xffff  }
0x242: {  	v11 =	vadd.f32 v13, v23;
	v13 =	vadd.f32 v25, v15;
	v15 =	vmul.f32 v29, v27;
	v20 =	vld.idx.msk [tilespmem:v20+s29+$0x0], $0xffff  }
.Ltmp9:
0x243: {  	v22 =	vand.u32 $0x400, v40;
	v26 =	vor.u32 v4, v21;
	v25 =	vmul.f32 v8, v7;
	v7 =	vld.idx.msk [tilespmem:v31+s22+$0x0], $0xffff;
	(pc) =	sbr.rel @p1 .LBB2_11-.Ltmp9, $4  }
0x244: {  	v29 =	vadd.f32 v10, v11;
	v13 =	vadd.f32 v15, v13;
	v28 =	vmul.f32 v30, v28;
	v8 =	vld.idx.msk [tilespmem:v31+s29+$0x0], $0xffff  }
0x245: {  	v23 =	vor.u32 v48, v22;
	v30 =	vand.u32 $0x7F, v39;
	v31 =	vand.u32 $0x400, v50;
	v10 =	vld.idx.msk [tilespmem:v32+s22+$0x0], $0xffff  }
0x246: {  	v27 =	vor.u32 v4, v23;
	v15 =	vadd.f32 v25, v29;
	v22 =	vadd.f32 v28, v13;
	v11 =	vld.idx.msk [tilespmem:v32+s29+$0x0], $0xffff  }
0x247: {  	s2 =	sadd.s32 $0x8, s2;
	v28 =	vshll.u32 v19, $0x3;
	v25 =	vor.u32 v30, v31;
	v13 =	vld.idx.msk [tilespmem:v24+s22+$0x0], $0xffff  }
0x248: {  	_ =	sdelay $0x3  }
0x249: {  	v19 =	vand.u32 $0x7F, v19;
	v28 =	vand.u32 $0x400, v28;
	v29 =	vor.u32 v4, v25;
	v24 =	vld.idx.msk [tilespmem:v24+s29+$0x0], $0xffff  }
0x24a: {  	v63 =	vld.idx.msk [tilespmem:v26+s22+$0x0], $0xffff;
	v19 =	vor.u32 v19, v28  }
0x24b: {  	v26 =	vld.idx.msk [tilespmem:v26+s29+$0x0], $0xffff;
	v30 =	vor.u32 v4, v19  }
0x24c: {  	v31 =	vld.idx.msk [tilespmem:v27+s22+$0x0], $0xffff  }
0x24d: {  	v27 =	vld.idx.msk [tilespmem:v27+s29+$0x0], $0xffff;
	v19 =	vor.u32 v5, v19  }
0x24e: {  	v32 =	vld.idx.msk [tilespmem:v29+s22+$0x0], $0xffff  }
0x24f: {  	v25 =	vor.u32 v5, v25;
	v29 =	vld.idx.msk [tilespmem:v29+s29+$0x0], $0xffff  }
0x250: {  	v33 =	vld.idx.msk [tilespmem:v30+s22+$0x0], $0xffff  }
0x251: {  	v23 =	vor.u32 v5, v23;
	v30 =	vld.idx.msk [tilespmem:v30+s29+$0x0], $0xffff  }
0x252: {  	v34 =	vld.idx.msk [tilespmem:v19+s22+$0x0], $0xffff  }
0x253: {  	v21 =	vor.u32 v5, v21;
	v19 =	vld.idx.msk [tilespmem:v19+s29+$0x0], $0xffff  }
0x254: {  	v35 =	vld.idx.msk [tilespmem:v25+s22+$0x0], $0xffff  }
0x255: {  	v18 =	vor.u32 v5, v18;
	v14 =	vmul.f32 v16, v14;
	v25 =	vld.idx.msk [tilespmem:v25+s29+$0x0], $0xffff  }
0x256: {  	v16 =	vmul.f32 v20, v17;
	v36 =	vld.idx.msk [tilespmem:v23+s22+$0x0], $0xffff  }
0x257: {  	v12 =	vor.u32 v5, v12;
	v14 =	vadd.f32 v14, v15;
	v17 =	vld.idx.msk [tilespmem:v23+s29+$0x0], $0xffff  }
0x258: {  	v15 =	vadd.f32 v16, v22;
	v23 =	vld.idx.msk [tilespmem:v21+s22+$0x0], $0xffff;
	v20 =	vmul.f32 v30, v33;
	v16 =	vmul.f32 v19, v34  }
0x259: {  	v9 =	vor.u32 v5, v9;
	v19 =	vld.idx.msk [tilespmem:v21+s29+$0x0], $0xffff;
	v21 =	vmul.f32 v29, v32  }
0x25a: {  	v22 =	vld.idx.msk [tilespmem:v18+s22+$0x0], $0xffff;
	v14 =	vadd.f32 v20, v14;
	v15 =	vadd.f32 v16, v15;
	v16 =	vmul.f32 v25, v35  }
0x25b: {  	v18 =	vld.idx.msk [tilespmem:v18+s29+$0x0], $0xffff;
	v20 =	vmul.f32 v27, v31  }
0x25c: {  	v25 =	vld.idx.msk [tilespmem:v12+s22+$0x0], $0xffff;
	v14 =	vadd.f32 v21, v14;
	v15 =	vadd.f32 v16, v15;
	v16 =	vmul.f32 v17, v36  }
0x25d: {  	v12 =	vld.idx.msk [tilespmem:v12+s29+$0x0], $0xffff;
	v17 =	vmul.f32 v26, v63  }
0x25e: {  	v21 =	vld.idx.msk [tilespmem:v9+s22+$0x0], $0xffff;
	v14 =	vadd.f32 v20, v14;
	v15 =	vadd.f32 v16, v15;
	v16 =	vmul.f32 v19, v23  }
0x25f: {  	v13 =	vmul.f32 v24, v13;
	v9 =	vld.idx.msk [tilespmem:v9+s29+$0x0], $0xffff  }
0x260: {  	v14 =	vadd.f32 v17, v14;
	v15 =	vadd.f32 v16, v15;
	v16 =	vmul.f32 v18, v22  }
0x261: {  	v10 =	vmul.f32 v11, v10  }
0x262: {  	v12 =	vmul.f32 v12, v25;
	v11 =	vadd.f32 v13, v14;
	v13 =	vadd.f32 v16, v15  }
0x263: {  	v7 =	vmul.f32 v8, v7  }
0x264: {  	s0 =	simm.s32 $0x0;
	v9 =	vmul.f32 v9, v21;
	v8 =	vadd.f32 v10, v11;
	v10 =	vadd.f32 v12, v13  }
0x265: {  	v11 =	vadd.s32 s0, v0  }
0x266: {  	s12 =	simm.s32 $0x1;
	v7 =	vadd.f32 v7, v8;
	v8 =	vadd.f32 v9, v10;
	v9 =	vshll.u32 v11, $0x3  }
0x267: {  	s2 =	simm.s32 $0x2;
	v10 =	vand.u32 $0x7F, v11;
	v11 =	vadd.s32 s12, v0;
	v9 =	vand.u32 $0x400, v9  }
0x268: {  	v12 =	vadd.s32 s2, v0;
	v13 =	vshll.u32 v11, $0x3;
	v9 =	vor.u32 v9, v10  }
0x269: {  	s13 =	smul.u32 $0x30, s31;
	s14 =	simm.s32 $0x3;
	v10 =	vand.u32 $0x7F, v11;
	v11 =	vand.u32 $0x400, v13;
	v9 =	vor.u32 v6, v9  }
0x26a: {  	v14 =	vshll.u32 v12, $0x3;
	v13 =	vadd.s32 s14, v0;
	v10 =	vor.u32 v11, v10  }
0x26b: {  	s31 =	smin.u32 s13, $0x1358;
	s2 =	simm.s32 $0x4;
	v11 =	vand.u32 $0x7F, v12;
	v12 =	vand.u32 $0x400, v14;
	v10 =	vor.u32 v6, v10  }
0x26c: {  	[tilespmem:s31+$0x1A800] =	vst v7;
	v7 =	vadd.s32 s2, v0;
	v14 =	vshll.u32 v13, $0x3;
	v11 =	vor.u32 v12, v11  }
0x26d: {  	s11 =	simm.s32 $0x5;
	[tilespmem:s31+$0x1A810] =	vst v8;
	v8 =	vand.u32 $0x7F, v13;
	v12 =	vand.u32 $0x400, v14;
	v11 =	vor.u32 v6, v11  }
0x26e: {  	v13 =	vadd.s32 s11, v0;
	v8 =	vor.u32 v12, v8;
	v12 =	vshll.u32 v7, $0x3;
	v14 =	vld.idx.msk [tilespmem:v9+s22+$0x0], $0xffff  }
0x26f: {  	s12 =	simm.s32 $0x6;
	v7 =	vand.u32 $0x7F, v7;
	v8 =	vor.u32 v6, v8;
	v12 =	vand.u32 $0x400, v12;
	v9 =	vld.idx.msk [tilespmem:v9+s29+$0x0], $0xffff  }
0x270: {  	v16 =	vadd.s32 s12, v0;
	v7 =	vor.u32 v12, v7;
	v12 =	vshll.u32 v13, $0x3;
	v15 =	vld.idx.msk [tilespmem:v10+s22+$0x0], $0xffff  }
0x271: {  	s13 =	simm.s32 $0x7;
	v7 =	vor.u32 v6, v7;
	v12 =	vand.u32 $0x400, v12;
	v17 =	vld.idx.msk [tilespmem:v10+s29+$0x0], $0xffff;
	v10 =	vand.u32 $0x7F, v13  }
0x272: {  	v13 =	vadd.s32 s13, v0;
	v18 =	vld.idx.msk [tilespmem:v11+s22+$0x0], $0xffff;
	v10 =	vor.u32 v12, v10;
	v12 =	vshll.u32 v16, $0x3  }
0x273: {  	v19 =	vld.idx.msk [tilespmem:v11+s29+$0x0], $0xffff;
	v20 =	vor.u32 v6, v10;
	v10 =	vand.u32 $0x7F, v16;
	v11 =	vand.u32 $0x400, v12  }
0x274: {  	v16 =	vld.idx.msk [tilespmem:v8+s22+$0x0], $0xffff;
	v12 =	vshll.u32 v13, $0x3;
	v10 =	vor.u32 v11, v10;
	v11 =	vand.u32 $0x7F, v13  }
0x275: {  	v22 =	vld.idx.msk [tilespmem:v8+s29+$0x0], $0xffff;
	v8 =	vand.u32 $0x400, v12;
	v9 =	vmul.f32 v9, v14;
	v23 =	vor.u32 v6, v10  }
0x276: {  	v12 =	vimm.f32 $0.0e+00;
	v10 =	vld.idx.msk [tilespmem:v7+s22+$0x0], $0xffff;
	v8 =	vor.u32 v8, v11  }
0x277: {  	s2 =	simm.s32 $0x8;
	s14 =	simm.s32 $0xC;
	s13 =	simm.s32 $0x9;
	v15 =	vmul.f32 v17, v15;
	v13 =	vor.u32 v6, v8;
	v14 =	vadd.f32 v9, v12;
	v12 =	vld.idx.msk [tilespmem:v7+s29+$0x0], $0xffff  }
0x278: {  	s11 =	simm.s32 $0xD;
	v24 =	vadd.s32 s2, v0;
	v21 =	vadd.s32 s13, v0;
	v8 =	vadd.s32 s14, v0;
	v11 =	vld.idx.msk [tilespmem:v20+s22+$0x0], $0xffff  }
0x279: {  	s12 =	simm.s32 $0xB;
	s14 =	simm.s32 $0xA;
	v7 =	vadd.s32 s11, v0;
	v18 =	vmul.f32 v19, v18;
	v25 =	vadd.f32 v15, v14;
	v15 =	vld.idx.msk [tilespmem:v20+s29+$0x0], $0xffff  }
0x27a: {  	v9 =	vadd.s32 s12, v0;
	v17 =	vadd.s32 s14, v0;
	v26 =	vmul.f32 v22, v16;
	v14 =	vld.idx.msk [tilespmem:v23+s22+$0x0], $0xffff  }
0x27b: {  	v22 =	vshll.u32 v17, $0x3;
	v19 =	vshll.u32 v9, $0x3;
	v25 =	vadd.f32 v18, v25;
	v18 =	vld.idx.msk [tilespmem:v23+s29+$0x0], $0xffff  }
0x27c: {  	s0 =	simm.s32 $0x10;
	v20 =	vand.u32 $0x7F, v24;
	v24 =	vshll.u32 v24, $0x3;
	v23 =	vshll.u32 v21, $0x3;
	v16 =	vld.idx.msk [tilespmem:v13+s22+$0x0], $0xffff  }
.LBB2_13:
0x27d: {  	p1 =	slt.u32 s0, $0xF8;
	v24 =	vand.u32 $0x400, v24;
	v25 =	vadd.f32 v26, v25;
	v10 =	vmul.f32 v12, v10;
	v12 =	vld.idx.msk [tilespmem:v13+s29+$0x0], $0xffff  }
0x27e: {  	v13 =	vor.u32 v24, v20;
	v20 =	vand.u32 $0x7F, v21;
	v21 =	vand.u32 $0x400, v23  }
0x27f: {  	v11 =	vmul.f32 v15, v11;
	v13 =	vor.u32 v6, v13;
	v10 =	vadd.f32 v10, v25  }
0x280: {  	v17 =	vand.u32 $0x7F, v17;
	v15 =	vor.u32 v21, v20;
	v20 =	vand.u32 $0x400, v22  }
0x281: {  	v15 =	vor.u32 v6, v15;
	v10 =	vadd.f32 v11, v10;
	v11 =	vmul.f32 v18, v14  }
0x282: {  	v9 =	vand.u32 $0x7F, v9;
	v14 =	vor.u32 v20, v17;
	v17 =	vand.u32 $0x400, v19  }
0x283: {  	v14 =	vor.u32 v6, v14;
	v10 =	vadd.f32 v11, v10;
	v11 =	vmul.f32 v12, v16  }
0x284: {  	v9 =	vor.u32 v17, v9;
	v16 =	vand.u32 $0x7F, v8;
	v8 =	vshll.u32 v8, $0x3;
	v12 =	vld.idx.msk [tilespmem:v13+s22+$0x0], $0xffff  }
0x285: {  	s11 =	sadd.s32 $0x6, s2;
	v9 =	vor.u32 v6, v9;
	v8 =	vand.u32 $0x400, v8;
	v13 =	vld.idx.msk [tilespmem:v13+s29+$0x0], $0xffff;
	v11 =	vadd.f32 v11, v10  }
0x286: {  	v8 =	vor.u32 v8, v16;
	v10 =	vshll.u32 v7, $0x3;
	v16 =	vadd.s32 s11, v0;
	v17 =	vld.idx.msk [tilespmem:v15+s22+$0x0], $0xffff  }
0x287: {  	v7 =	vand.u32 $0x7F, v7;
	s11 =	sadd.s32 $0x7, s2;
	s2 =	smov.u32 s0;
	v8 =	vor.u32 v6, v8;
	v10 =	vand.u32 $0x400, v10;
	v15 =	vld.idx.msk [tilespmem:v15+s29+$0x0], $0xffff  }
0x288: {  	v19 =	vadd.s32 s11, v0;
	v7 =	vor.u32 v10, v7;
	v10 =	vshll.u32 v16, $0x3;
	v18 =	vld.idx.msk [tilespmem:v14+s22+$0x0], $0xffff  }
0x289: {  	v20 =	vor.u32 v6, v7;
	v7 =	vand.u32 $0x7F, v16;
	v10 =	vand.u32 $0x400, v10;
	v14 =	vld.idx.msk [tilespmem:v14+s29+$0x0], $0xffff  }
0x28a: {  	v21 =	vand.u32 $0x7F, v19;
	v7 =	vor.u32 v10, v7;
	v10 =	vshll.u32 v19, $0x3;
	v16 =	vld.idx.msk [tilespmem:v9+s22+$0x0], $0xffff  }
0x28b: {  	v12 =	vmul.f32 v13, v12;
	v22 =	vor.u32 v6, v7;
	v7 =	vand.u32 $0x400, v10;
	v19 =	vld.idx.msk [tilespmem:v9+s29+$0x0], $0xffff  }
0x28c: {  	v7 =	vor.u32 v7, v21;
	v10 =	vld.idx.msk [tilespmem:v8+s22+$0x0], $0xffff  }
0x28d: {  	s12 =	sadd.s32 $0x5, s0;
	s11 =	sadd.s32 $0x4, s0;
	v21 =	vadd.f32 v12, v11;
	v15 =	vmul.f32 v15, v17;
	v13 =	vor.u32 v6, v7;
	v12 =	vld.idx.msk [tilespmem:v8+s29+$0x0], $0xffff  }
.Ltmp10:
0x28e: {  	s13 =	sadd.s32 $0x3, s0;
	v23 =	vadd.s32 s0, v0;
	v7 =	vadd.s32 s12, v0;
	v8 =	vadd.s32 s11, v0;
	v11 =	vld.idx.msk [tilespmem:v20+s22+$0x0], $0xffff;
	(pc) =	sbr.rel @p1 .LBB2_13-.Ltmp10, $4  }
0x28f: {  	v9 =	vadd.s32 s13, v0;
	s12 =	sadd.s32 $0x2, s0;
	s11 =	sadd.s32 $0x1, s0;
	v25 =	vadd.f32 v15, v21;
	v18 =	vmul.f32 v14, v18;
	v15 =	vld.idx.msk [tilespmem:v20+s29+$0x0], $0xffff  }
0x290: {  	v17 =	vadd.s32 s12, v0;
	v21 =	vadd.s32 s11, v0;
	v20 =	vand.u32 $0x7F, v23;
	v14 =	vld.idx.msk [tilespmem:v22+s22+$0x0], $0xffff  }
0x291: {  	v24 =	vshll.u32 v23, $0x3;
	v25 =	vadd.f32 v18, v25;
	v26 =	vmul.f32 v19, v16;
	v18 =	vld.idx.msk [tilespmem:v22+s29+$0x0], $0xffff  }
0x292: {  	s0 =	sadd.s32 $0x8, s0;
	v23 =	vshll.u32 v21, $0x3;
	v19 =	vshll.u32 v9, $0x3;
	v22 =	vshll.u32 v17, $0x3;
	v16 =	vld.idx.msk [tilespmem:v13+s22+$0x0], $0xffff  }
0x293: {  	_ =	sdelay $0x1  }
0x294: {  	v24 =	vand.u32 $0x400, v24;
	v25 =	vadd.f32 v26, v25;
	v10 =	vmul.f32 v12, v10  }
0x295: {  	v37 =	vand.u32 $0x7F, v21;
	v38 =	vand.u32 $0x400, v23;
	v36 =	vor.u32 v24, v20  }
0x296: {  	v35 =	vld.idx.msk [tilespmem:v13+s29+$0x0], $0xffff;
	v17 =	vand.u32 $0x7F, v17;
	v40 =	vand.u32 $0x400, v22;
	v13 =	vor.u32 v6, v36  }
0x297: {  	v9 =	vand.u32 $0x7F, v9;
	v43 =	vand.u32 $0x400, v19;
	v39 =	vor.u32 v38, v37  }
0x298: {  	v46 =	vand.u32 $0x7F, v8;
	v11 =	vmul.f32 v15, v11;
	v15 =	vor.u32 v6, v39  }
0x299: {  	v8 =	vshll.u32 v8, $0x3;
	v48 =	vshll.u32 v7, $0x3;
	v42 =	vor.u32 v40, v17  }
0x29a: {  	v7 =	vand.u32 $0x7F, v7;
	v41 =	vmul.f32 v18, v14;
	v14 =	vor.u32 v6, v42  }
0x29b: {  	s0 =	sadd.s32 $0x6, s2;
	s14 =	sadd.s32 $0x7, s2;
	v9 =	vor.u32 v43, v9;
	v8 =	vand.u32 $0x400, v8;
	v10 =	vadd.f32 v10, v25;
	v45 =	vld.idx.msk [tilespmem:v13+s22+$0x0], $0xffff  }
0x29c: {  	v49 =	vadd.s32 s0, v0;
	v52 =	vadd.s32 s14, v0;
	v9 =	vor.u32 v6, v9;
	v13 =	vld.idx.msk [tilespmem:v13+s29+$0x0], $0xffff  }
0x29d: {  	v8 =	vor.u32 v8, v46;
	v51 =	vshll.u32 v49, $0x3;
	v10 =	vadd.f32 v11, v10;
	v47 =	vld.idx.msk [tilespmem:v15+s22+$0x0], $0xffff  }
0x29e: {  	v8 =	vor.u32 v6, v8;
	v44 =	vmul.f32 v35, v16;
	v16 =	vand.u32 $0x400, v48;
	v15 =	vld.idx.msk [tilespmem:v15+s29+$0x0], $0xffff  }
0x29f: {  	v17 =	vand.u32 $0x7F, v49;
	v10 =	vadd.f32 v41, v10;
	v7 =	vor.u32 v16, v7;
	v50 =	vld.idx.msk [tilespmem:v14+s22+$0x0], $0xffff  }
0x2a0: {  	v54 =	vshll.u32 v52, $0x3;
	v16 =	vand.u32 $0x400, v51;
	v7 =	vor.u32 v6, v7;
	v14 =	vld.idx.msk [tilespmem:v14+s29+$0x0], $0xffff  }
0x2a1: {  	v53 =	vld.idx.msk [tilespmem:v9+s22+$0x0], $0xffff;
	v16 =	vor.u32 v16, v17;
	v10 =	vadd.f32 v44, v10;
	v12 =	vmul.f32 v13, v45  }
0x2a2: {  	v55 =	vand.u32 $0x7F, v52;
	v9 =	vld.idx.msk [tilespmem:v9+s29+$0x0], $0xffff;
	v17 =	vand.u32 $0x400, v54;
	v16 =	vor.u32 v6, v16  }
0x2a3: {  	v56 =	vld.idx.msk [tilespmem:v8+s22+$0x0], $0xffff;
	v13 =	vor.u32 v17, v55;
	v11 =	vmul.f32 v15, v47;
	v10 =	vadd.f32 v12, v10  }
0x2a4: {  	v8 =	vld.idx.msk [tilespmem:v8+s29+$0x0], $0xffff;
	v57 =	vor.u32 v6, v13  }
0x2a5: {  	v58 =	vld.idx.msk [tilespmem:v7+s22+$0x0], $0xffff;
	v59 =	vmul.f32 v14, v50;
	v10 =	vadd.f32 v11, v10  }
0x2a6: {  	v7 =	vld.idx.msk [tilespmem:v7+s29+$0x0], $0xffff  }
0x2a7: {  	v9 =	vmul.f32 v9, v53;
	v60 =	vld.idx.msk [tilespmem:v16+s22+$0x0], $0xffff;
	v10 =	vadd.f32 v59, v10  }
0x2a8: {  	v61 =	vld.idx.msk [tilespmem:v16+s29+$0x0], $0xffff  }
0x2a9: {  	v8 =	vmul.f32 v8, v56;
	v62 =	vld.idx.msk [tilespmem:v57+s22+$0x0], $0xffff;
	v9 =	vadd.f32 v9, v10  }
0x2aa: {  	v63 =	vld.idx.msk [tilespmem:v57+s29+$0x0], $0xffff  }
0x2ab: {  	v7 =	vmul.f32 v7, v58;
	v8 =	vadd.f32 v8, v9;
	_ =	sdelay $0x1  }
0x2ac: {  	v7 =	vadd.f32 v7, v8;
	v8 =	vmul.f32 v61, v60;
	_ =	sdelay $0x1  }
0x2ad: {  	v7 =	vadd.f32 v8, v7;
	v8 =	vmul.f32 v63, v62;
	_ =	sdelay $0x1  }
0x2ae: {  	v7 =	vadd.f32 v8, v7;
	_ =	sdelay $0x1  }
0x2af: {  	[tilespmem:s31+$0x1A820] =	vst v7  }
.LBB2_15:
0x2b0: {  	p1 =	sgt.u32 s24, $0x18  }
.Ltmp11:
0x2b1: {  	_ = 	snop;
	(pc) =	sbr.rel @p1 .LBB2_17-.Ltmp11, $1  }
0x2b2: {  	_ =	sdelay $0x3  }
0x2b3: {  	v7 =	vld [tilespmem:s28+$0xF0];
	_ =	sdelay $0x4  }
0x2b4: {  	v8 =	vshll.u32 v7, $0x1  }
0x2b5: {  	v7 =	vand.u32 $0x7, v7;
	v8 =	vand.u32 $0xFFFFFFF0, v8  }
0x2b6: {  	v7 =	vor.u32 v7, v8  }
0x2b7: {  	v8 =	vperm.xlane v7, v1;
	_ =	sdelay $0x1  }
0x2b8: {  	v7 =	vperm.xlane v7, v3;
	v8 =	vadd.s32 v2, v8;
	_ =	sdelay $0x1  }
0x2b9: {  	v7 =	vadd.s32 v2, v7;
	_ =	sdelay $0x2  }
0x2ba: {  	[tilespmem:s22], [sflag:$0x2] =	stream.indirect_vreg.gather [hbm4b:s1+s3], $0x80, v8, vm0, $0xb8;
	[tilespmem:$0x1BC00] =	vst v63  }
0x2bb: {  	s0 =	simm.s32 $0x9000  }
0x2bc: {  	[tilespmem:s0], [sflag:$0x2] =	stream.indirect_vreg.gather [hbm4b:s1+s3], $0x80, v7, vm0, $0xb8;
	[tilespmem:$0x1BC00] =	vst v63  }
0x2bd: {  	v7 =	vld [tilespmem:s28+$0x100];
	_ =	sdelay $0x4  }
0x2be: {  	v8 =	vshll.u32 v7, $0x1  }
0x2bf: {  	v7 =	vand.u32 $0x7, v7;
	v8 =	vand.u32 $0xFFFFFFF0, v8  }
0x2c0: {  	v7 =	vor.u32 v7, v8  }
0x2c1: {  	v8 =	vperm.xlane v7, v1;
	_ =	sdelay $0x1  }
0x2c2: {  	v7 =	vperm.xlane v7, v3;
	v8 =	vadd.s32 v2, v8;
	_ =	sdelay $0x1  }
0x2c3: {  	v7 =	vadd.s32 v2, v7;
	_ =	sdelay $0x1  }
0x2c4: {  	s13 =	simm.s32 $0x9800  }
0x2c5: {  	[tilespmem:s13], [sflag:$0x2] =	stream.indirect_vreg.gather [hbm4b:s1+s3], $0x80, v8, vm0, $0xb8;
	[tilespmem:$0x1BC00] =	vst v63  }
0x2c6: {  	s14 =	simm.s32 $0xA000  }
0x2c7: {  	[tilespmem:s14], [sflag:$0x2] =	stream.indirect_vreg.gather [hbm4b:s1+s3], $0x80, v7, vm0, $0xb8;
	[tilespmem:$0x1BC00] =	vst v63  }
0x2c8: {  	v7 =	vld [tilespmem:s28+$0x110];
	_ =	sdelay $0x4  }
0x2c9: {  	v8 =	vshll.u32 v7, $0x1  }
0x2ca: {  	v7 =	vand.u32 $0x7, v7;
	v8 =	vand.u32 $0xFFFFFFF0, v8  }
0x2cb: {  	v7 =	vor.u32 v7, v8  }
0x2cc: {  	v8 =	vperm.xlane v7, v1;
	_ =	sdelay $0x1  }
0x2cd: {  	v7 =	vperm.xlane v7, v3;
	v8 =	vadd.s32 v2, v8;
	_ =	sdelay $0x1  }
0x2ce: {  	v7 =	vadd.s32 v2, v7;
	_ =	sdelay $0x1  }
0x2cf: {  	s31 =	simm.s32 $0xA800  }
0x2d0: {  	[tilespmem:s31], [sflag:$0x2] =	stream.indirect_vreg.gather [hbm4b:s1+s3], $0x80, v8, vm0, $0xb8;
	[tilespmem:$0x1BC00] =	vst v63  }
0x2d1: {  	s2 =	simm.s32 $0xB000  }
0x2d2: {  	[tilespmem:s2], [sflag:$0x2] =	stream.indirect_vreg.gather [hbm4b:s1+s3], $0x80, v7, vm0, $0xb8;
	[tilespmem:$0x1BC00] =	vst v63  }
0x2d3: {  	v7 =	vld [tilespmem:s28+$0x14F0];
	_ =	sdelay $0x4  }
0x2d4: {  	v8 =	vshll.u32 v7, $0x1  }
0x2d5: {  	v7 =	vand.u32 $0x7, v7;
	v8 =	vand.u32 $0xFFFFFFF0, v8  }
0x2d6: {  	v7 =	vor.u32 v7, v8  }
0x2d7: {  	v8 =	vperm.xlane v7, v1;
	_ =	sdelay $0x1  }
0x2d8: {  	v7 =	vperm.xlane v7, v3;
	v8 =	vadd.s32 v2, v8;
	_ =	sdelay $0x1  }
0x2d9: {  	v7 =	vadd.s32 v2, v7;
	_ =	sdelay $0x2  }
0x2da: {  	[tilespmem:s29], [sflag:$0x2] =	stream.indirect_vreg.gather [hbm4b:s1+s3], $0x80, v8, vm0, $0xb8;
	[tilespmem:$0x1BC00] =	vst v63  }
0x2db: {  	s11 =	simm.s32 $0xC000  }
0x2dc: {  	[tilespmem:s11], [sflag:$0x2] =	stream.indirect_vreg.gather [hbm4b:s1+s3], $0x80, v7, vm0, $0xb8;
	[tilespmem:$0x1BC00] =	vst v63  }
0x2dd: {  	v7 =	vld [tilespmem:s28+$0x1500];
	_ =	sdelay $0x4  }
0x2de: {  	v8 =	vshll.u32 v7, $0x1  }
0x2df: {  	v7 =	vand.u32 $0x7, v7;
	v8 =	vand.u32 $0xFFFFFFF0, v8  }
0x2e0: {  	v7 =	vor.u32 v7, v8  }
0x2e1: {  	v8 =	vperm.xlane v7, v1;
	_ =	sdelay $0x1  }
0x2e2: {  	v7 =	vperm.xlane v7, v3;
	v8 =	vadd.s32 v2, v8;
	_ =	sdelay $0x1  }
0x2e3: {  	v7 =	vadd.s32 v2, v7;
	_ =	sdelay $0x1  }
0x2e4: {  	s12 =	simm.s32 $0xC800  }
0x2e5: {  	[tilespmem:s12], [sflag:$0x2] =	stream.indirect_vreg.gather [hbm4b:s1+s3], $0x80, v8, vm0, $0xb8;
	[tilespmem:$0x1BC00] =	vst v63  }
0x2e6: {  	s13 =	simm.s32 $0xD000  }
0x2e7: {  	[tilespmem:s13], [sflag:$0x2] =	stream.indirect_vreg.gather [hbm4b:s1+s3], $0x80, v7, vm0, $0xb8;
	[tilespmem:$0x1BC00] =	vst v63  }
0x2e8: {  	v7 =	vld [tilespmem:s28+$0x1510];
	_ =	sdelay $0x4  }
0x2e9: {  	v8 =	vshll.u32 v7, $0x1  }
0x2ea: {  	v7 =	vand.u32 $0x7, v7;
	v8 =	vand.u32 $0xFFFFFFF0, v8  }
0x2eb: {  	v7 =	vor.u32 v7, v8  }
0x2ec: {  	v8 =	vperm.xlane v7, v1;
	_ =	sdelay $0x1  }
0x2ed: {  	v7 =	vperm.xlane v7, v3;
	v8 =	vadd.s32 v2, v8;
	_ =	sdelay $0x1  }
0x2ee: {  	v7 =	vadd.s32 v2, v7;
	_ =	sdelay $0x1  }
0x2ef: {  	s14 =	simm.s32 $0xD800  }
0x2f0: {  	[tilespmem:s14], [sflag:$0x2] =	stream.indirect_vreg.gather [hbm4b:s1+s3], $0x80, v8, vm0, $0xb8;
	[tilespmem:$0x1BC00] =	vst v63  }
0x2f1: {  	s31 =	simm.s32 $0xE000  }
0x2f2: {  	[tilespmem:s31], [sflag:$0x2] =	stream.indirect_vreg.gather [hbm4b:s1+s3], $0x80, v7, vm0, $0xb8;
	[tilespmem:$0x1BC00] =	vst v63  }
.LBB2_17:
0x2f3: {  	s30 =	sor.u32 $0x2, s30  }
0x2f4: {  	p2 =	sgt.u32 s30, $0x68  }
.Ltmp12:
0x2f5: {  	_ = 	snop;
	(pc) =	sbr.rel @p2 .LBB2_24-.Ltmp12, $1  }
0x2f6: {  	_ =	sdelay $0x3  }
0x2f7: {  	s0 =	simm.s32 $0x0  }
0x2f8: {  	v7 =	vadd.s32 s0, v0  }
0x2f9: {  	v8 =	vshll.u32 v7, $0x3  }
0x2fa: {  	v7 =	vand.u32 $0x7F, v7;
	v8 =	vand.u32 $0x400, v8  }
0x2fb: {  	_ =	swait.ge [sflag:s23], $0x3000;
	s11 =	simm.s32 $0x7;
	v7 =	vor.u32 v7, v8  }
0x2fc: {  	s2 =	simm.s32 $0x6;
	[sflag:s23] =	ssyncset.done $0x0;
	v8 =	vadd.s32 s11, v0;
	v10 =	vor.u32 v4, v7  }
0x2fd: {  	v15 =	vimm.f32 $0.0e+00;
	v11 =	vadd.s32 s2, v0;
	[sflag:s23] =	ssyncadd.s32 $0xFFFFD000;
	v9 =	vshll.u32 v8, $0x3  }
0x2fe: {  	s12 =	simm.s32 $0x5;
	_ =	swait.ge [sflag:s23], $0x3000;
	v8 =	vand.u32 $0x7F, v8;
	v7 =	vor.u32 v5, v7;
	v9 =	vand.u32 $0x400, v9  }
0x2ff: {  	v13 =	vadd.s32 s12, v0;
	v12 =	vshll.u32 v11, $0x3;
	[sflag:s23] =	ssyncset.done $0x0;
	v9 =	vor.u32 v8, v9  }
0x300: {  	s13 =	simm.s32 $0x4;
	[sflag:s23] =	ssyncadd.s32 $0xFFFFD000;
	v8 =	vand.u32 $0x7F, v11;
	v11 =	vand.u32 $0x400, v12;
	v22 =	vor.u32 v4, v9  }
0x301: {  	v21 =	vadd.s32 s13, v0;
	v16 =	vshll.u32 v13, $0x3;
	v12 =	vor.u32 v8, v11;
	v14 =	vld.idx.msk [tilespmem:v10+s5+$0x0], $0xffff  }
0x302: {  	v8 =	vand.u32 $0x7F, v13;
	v11 =	vand.u32 $0x400, v16;
	v13 =	vor.u32 v4, v12;
	v16 =	vld.idx.msk [tilespmem:v10+s4+$0x0], $0xffff  }
0x303: {  	s31 =	simm.s32 $0x3;
	v18 =	vor.u32 v8, v11;
	v8 =	vshll.u32 v21, $0x3;
	v11 =	vand.u32 $0x7F, v21;
	v17 =	vld.idx.msk [tilespmem:v7+s5+$0x0], $0xffff  }
0x304: {  	s14 =	simm.s32 $0x2;
	v10 =	vadd.s32 s31, v0;
	v24 =	vor.u32 v4, v18;
	v20 =	vld.idx.msk [tilespmem:v7+s4+$0x0], $0xffff;
	v8 =	vand.u32 $0x400, v8  }
0x305: {  	v25 =	vadd.s32 s14, v0;
	v23 =	vshll.u32 v10, $0x3;
	v21 =	vor.u32 v11, v8;
	v7 =	vld.idx.msk [tilespmem:v22+s5+$0x0], $0xffff  }
0x306: {  	s11 =	simm.s32 $0x1;
	v10 =	vand.u32 $0x7F, v10;
	v11 =	vand.u32 $0x400, v23;
	v26 =	vor.u32 v4, v21;
	v8 =	vld.idx.msk [tilespmem:v22+s4+$0x0], $0xffff  }
0x307: {  	v19 =	vadd.s32 s11, v0;
	v22 =	vshll.u32 v25, $0x3;
	v23 =	vor.u32 v10, v11;
	v10 =	vld.idx.msk [tilespmem:v13+s5+$0x0], $0xffff  }
0x308: {  	v25 =	vand.u32 $0x7F, v25;
	v22 =	vand.u32 $0x400, v22;
	v27 =	vor.u32 v4, v23;
	v11 =	vld.idx.msk [tilespmem:v13+s4+$0x0], $0xffff  }
0x309: {  	s2 =	simm.s32 $0x8;
	v28 =	vshll.u32 v19, $0x3;
	v25 =	vor.u32 v25, v22;
	v13 =	vld.idx.msk [tilespmem:v24+s5+$0x0], $0xffff;
	v22 =	vimm.f32 $0.0e+00  }
.LBB2_19:
0x30a: {  	p2 =	slt.u32 s2, $0xF8;
	v19 =	vand.u32 $0x7F, v19;
	v28 =	vand.u32 $0x400, v28;
	v29 =	vor.u32 v4, v25;
	v24 =	vld.idx.msk [tilespmem:v24+s4+$0x0], $0xffff  }
0x30b: {  	v19 =	vor.u32 v19, v28;
	v28 =	vld.idx.msk [tilespmem:v26+s5+$0x0], $0xffff  }
0x30c: {  	v30 =	vor.u32 v4, v19;
	v26 =	vld.idx.msk [tilespmem:v26+s4+$0x0], $0xffff  }
0x30d: {  	s0 =	sadd.s32 $0x7, s2;
	v31 =	vld.idx.msk [tilespmem:v27+s5+$0x0], $0xffff  }
0x30e: {  	v32 =	vadd.s32 s2, v0;
	s11 =	sadd.s32 $0x4, s2;
	s12 =	sadd.s32 $0x5, s2;
	s13 =	sadd.s32 $0x6, s2;
	v33 =	vadd.s32 s0, v0;
	v34 =	vor.u32 v5, v19;
	v27 =	vld.idx.msk [tilespmem:v27+s4+$0x0], $0xffff  }
0x30f: {  	s14 =	sadd.s32 $0x3, s2;
	s0 =	sadd.s32 $0x2, s2;
	v35 =	vadd.s32 s11, v0;
	v36 =	vadd.s32 s12, v0;
	v37 =	vadd.s32 s13, v0;
	v38 =	vld.idx.msk [tilespmem:v29+s5+$0x0], $0xffff  }
0x310: {  	v25 =	vor.u32 v5, v25;
	s11 =	sadd.s32 $0x1, s2;
	v40 =	vadd.s32 s14, v0;
	v39 =	vadd.s32 s0, v0;
	v29 =	vld.idx.msk [tilespmem:v29+s4+$0x0], $0xffff  }
0x311: {  	v41 =	vand.u32 $0x7F, v32;
	v32 =	vshll.u32 v32, $0x3;
	v19 =	vadd.s32 s11, v0;
	v42 =	vld.idx.msk [tilespmem:v30+s5+$0x0], $0xffff  }
0x312: {  	v23 =	vor.u32 v5, v23;
	v43 =	vand.u32 $0x7F, v33;
	v33 =	vshll.u32 v33, $0x3;
	v30 =	vld.idx.msk [tilespmem:v30+s4+$0x0], $0xffff  }
0x313: {  	v44 =	vand.u32 $0x7F, v36;
	v45 =	vand.u32 $0x7F, v37;
	v37 =	vshll.u32 v37, $0x3;
	v46 =	vld.idx.msk [tilespmem:v34+s5+$0x0], $0xffff  }
0x314: {  	v21 =	vor.u32 v5, v21;
	v47 =	vand.u32 $0x7F, v35;
	v36 =	vshll.u32 v36, $0x3;
	v34 =	vld.idx.msk [tilespmem:v34+s4+$0x0], $0xffff  }
0x315: {  	v48 =	vand.u32 $0x7F, v40;
	v40 =	vshll.u32 v40, $0x3;
	v35 =	vshll.u32 v35, $0x3;
	v49 =	vld.idx.msk [tilespmem:v25+s5+$0x0], $0xffff  }
0x316: {  	v18 =	vor.u32 v5, v18;
	v32 =	vand.u32 $0x400, v32;
	v50 =	vshll.u32 v39, $0x3;
	v25 =	vld.idx.msk [tilespmem:v25+s4+$0x0], $0xffff  }
0x317: {  	v36 =	vand.u32 $0x400, v36;
	v37 =	vand.u32 $0x400, v37;
	v33 =	vand.u32 $0x400, v33;
	v51 =	vld.idx.msk [tilespmem:v23+s5+$0x0], $0xffff  }
0x318: {  	v14 =	vmul.f32 v16, v14;
	v16 =	vmul.f32 v20, v17;
	v12 =	vor.u32 v5, v12;
	v17 =	vld.idx.msk [tilespmem:v23+s4+$0x0], $0xffff  }
0x319: {  	v20 =	vor.u32 v41, v32;
	v32 =	vor.u32 v5, v9;
	v23 =	vmul.f32 v30, v42;
	v30 =	vld.idx.msk [tilespmem:v21+s5+$0x0], $0xffff  }
0x31a: {  	v9 =	vadd.f32 v14, v15;
	v14 =	vadd.f32 v16, v22;
	v15 =	vmul.f32 v34, v46;
	v16 =	vld.idx.msk [tilespmem:v21+s4+$0x0], $0xffff  }
0x31b: {  	v22 =	vand.u32 $0x400, v35;
	v29 =	vmul.f32 v29, v38;
	v21 =	vor.u32 v4, v20;
	v34 =	vld.idx.msk [tilespmem:v18+s5+$0x0], $0xffff  }
0x31c: {  	v23 =	vadd.f32 v23, v9;
	v14 =	vadd.f32 v15, v14;
	v15 =	vmul.f32 v25, v49;
	v25 =	vld.idx.msk [tilespmem:v18+s4+$0x0], $0xffff  }
0x31d: {  	v20 =	vor.u32 v5, v20;
	v9 =	vor.u32 v43, v33;
	v18 =	vmul.f32 v27, v31;
	v27 =	vld.idx.msk [tilespmem:v12+s5+$0x0], $0xffff  }
0x31e: {  	v23 =	vadd.f32 v29, v23;
	v14 =	vadd.f32 v15, v14;
	v15 =	vmul.f32 v17, v51;
	v29 =	vld.idx.msk [tilespmem:v12+s4+$0x0], $0xffff  }
0x31f: {  	v31 =	vor.u32 v4, v9;
	v17 =	vmul.f32 v26, v28;
	v12 =	vor.u32 v45, v37;
	v28 =	vld.idx.msk [tilespmem:v32+s5+$0x0], $0xffff  }
0x320: {  	v23 =	vadd.f32 v18, v23;
	v15 =	vadd.f32 v15, v14;
	v26 =	vmul.f32 v16, v30;
	v30 =	vld.idx.msk [tilespmem:v32+s4+$0x0], $0xffff  }
0x321: {  	v13 =	vmul.f32 v24, v13;
	v18 =	vor.u32 v44, v36;
	v32 =	vor.u32 v4, v12;
	v14 =	vld.idx.msk [tilespmem:v21+s5+$0x0], $0xffff  }
0x322: {  	v23 =	vadd.f32 v17, v23;
	v15 =	vadd.f32 v26, v15;
	v25 =	vmul.f32 v25, v34;
	v16 =	vld.idx.msk [tilespmem:v21+s4+$0x0], $0xffff  }
0x323: {  	v10 =	vmul.f32 v11, v10;
	v24 =	vor.u32 v4, v18;
	v21 =	vor.u32 v47, v22;
	v17 =	vld.idx.msk [tilespmem:v20+s5+$0x0], $0xffff  }
0x324: {  	v11 =	vadd.f32 v13, v23;
	v13 =	vadd.f32 v25, v15;
	v15 =	vmul.f32 v29, v27;
	v20 =	vld.idx.msk [tilespmem:v20+s4+$0x0], $0xffff  }
.Ltmp13:
0x325: {  	v22 =	vand.u32 $0x400, v40;
	v26 =	vor.u32 v4, v21;
	v25 =	vmul.f32 v8, v7;
	v7 =	vld.idx.msk [tilespmem:v31+s5+$0x0], $0xffff;
	(pc) =	sbr.rel @p2 .LBB2_19-.Ltmp13, $4  }
0x326: {  	v29 =	vadd.f32 v10, v11;
	v13 =	vadd.f32 v15, v13;
	v28 =	vmul.f32 v30, v28;
	v8 =	vld.idx.msk [tilespmem:v31+s4+$0x0], $0xffff  }
0x327: {  	v23 =	vor.u32 v48, v22;
	v30 =	vand.u32 $0x7F, v39;
	v31 =	vand.u32 $0x400, v50;
	v10 =	vld.idx.msk [tilespmem:v32+s5+$0x0], $0xffff  }
0x328: {  	v27 =	vor.u32 v4, v23;
	v15 =	vadd.f32 v25, v29;
	v22 =	vadd.f32 v28, v13;
	v11 =	vld.idx.msk [tilespmem:v32+s4+$0x0], $0xffff  }
0x329: {  	s2 =	sadd.s32 $0x8, s2;
	v28 =	vshll.u32 v19, $0x3;
	v25 =	vor.u32 v30, v31;
	v13 =	vld.idx.msk [tilespmem:v24+s5+$0x0], $0xffff  }
0x32a: {  	_ =	sdelay $0x3  }
0x32b: {  	v19 =	vand.u32 $0x7F, v19;
	v28 =	vand.u32 $0x400, v28;
	v29 =	vor.u32 v4, v25;
	v24 =	vld.idx.msk [tilespmem:v24+s4+$0x0], $0xffff  }
0x32c: {  	v63 =	vld.idx.msk [tilespmem:v26+s5+$0x0], $0xffff;
	v19 =	vor.u32 v19, v28  }
0x32d: {  	v26 =	vld.idx.msk [tilespmem:v26+s4+$0x0], $0xffff;
	v30 =	vor.u32 v4, v19  }
0x32e: {  	v31 =	vld.idx.msk [tilespmem:v27+s5+$0x0], $0xffff  }
0x32f: {  	v27 =	vld.idx.msk [tilespmem:v27+s4+$0x0], $0xffff;
	v19 =	vor.u32 v5, v19  }
0x330: {  	v32 =	vld.idx.msk [tilespmem:v29+s5+$0x0], $0xffff  }
0x331: {  	v25 =	vor.u32 v5, v25;
	v29 =	vld.idx.msk [tilespmem:v29+s4+$0x0], $0xffff  }
0x332: {  	v33 =	vld.idx.msk [tilespmem:v30+s5+$0x0], $0xffff  }
0x333: {  	v23 =	vor.u32 v5, v23;
	v30 =	vld.idx.msk [tilespmem:v30+s4+$0x0], $0xffff  }
0x334: {  	v34 =	vld.idx.msk [tilespmem:v19+s5+$0x0], $0xffff  }
0x335: {  	v21 =	vor.u32 v5, v21;
	v19 =	vld.idx.msk [tilespmem:v19+s4+$0x0], $0xffff  }
0x336: {  	v35 =	vld.idx.msk [tilespmem:v25+s5+$0x0], $0xffff  }
0x337: {  	v18 =	vor.u32 v5, v18;
	v14 =	vmul.f32 v16, v14;
	v25 =	vld.idx.msk [tilespmem:v25+s4+$0x0], $0xffff  }
0x338: {  	v16 =	vmul.f32 v20, v17;
	v36 =	vld.idx.msk [tilespmem:v23+s5+$0x0], $0xffff  }
0x339: {  	v12 =	vor.u32 v5, v12;
	v14 =	vadd.f32 v14, v15;
	v17 =	vld.idx.msk [tilespmem:v23+s4+$0x0], $0xffff  }
0x33a: {  	v15 =	vadd.f32 v16, v22;
	v23 =	vld.idx.msk [tilespmem:v21+s5+$0x0], $0xffff;
	v20 =	vmul.f32 v30, v33;
	v16 =	vmul.f32 v19, v34  }
0x33b: {  	v9 =	vor.u32 v5, v9;
	v19 =	vld.idx.msk [tilespmem:v21+s4+$0x0], $0xffff;
	v21 =	vmul.f32 v29, v32  }
0x33c: {  	v22 =	vld.idx.msk [tilespmem:v18+s5+$0x0], $0xffff;
	v14 =	vadd.f32 v20, v14;
	v15 =	vadd.f32 v16, v15;
	v16 =	vmul.f32 v25, v35  }
0x33d: {  	v18 =	vld.idx.msk [tilespmem:v18+s4+$0x0], $0xffff;
	v20 =	vmul.f32 v27, v31  }
0x33e: {  	v25 =	vld.idx.msk [tilespmem:v12+s5+$0x0], $0xffff;
	v14 =	vadd.f32 v21, v14;
	v15 =	vadd.f32 v16, v15;
	v16 =	vmul.f32 v17, v36  }
0x33f: {  	v12 =	vld.idx.msk [tilespmem:v12+s4+$0x0], $0xffff;
	v17 =	vmul.f32 v26, v63  }
0x340: {  	v21 =	vld.idx.msk [tilespmem:v9+s5+$0x0], $0xffff;
	v14 =	vadd.f32 v20, v14;
	v15 =	vadd.f32 v16, v15;
	v16 =	vmul.f32 v19, v23  }
0x341: {  	v13 =	vmul.f32 v24, v13;
	v9 =	vld.idx.msk [tilespmem:v9+s4+$0x0], $0xffff  }
0x342: {  	v14 =	vadd.f32 v17, v14;
	v15 =	vadd.f32 v16, v15;
	v16 =	vmul.f32 v18, v22  }
0x343: {  	v10 =	vmul.f32 v11, v10  }
0x344: {  	v12 =	vmul.f32 v12, v25;
	v11 =	vadd.f32 v13, v14;
	v13 =	vadd.f32 v16, v15  }
0x345: {  	v7 =	vmul.f32 v8, v7  }
0x346: {  	s0 =	simm.s32 $0x0;
	v9 =	vmul.f32 v9, v21;
	v8 =	vadd.f32 v10, v11;
	v10 =	vadd.f32 v12, v13  }
0x347: {  	v11 =	vadd.s32 s0, v0  }
0x348: {  	s12 =	simm.s32 $0x1;
	v7 =	vadd.f32 v7, v8;
	v8 =	vadd.f32 v9, v10;
	v9 =	vshll.u32 v11, $0x3  }
0x349: {  	s2 =	simm.s32 $0x2;
	v10 =	vand.u32 $0x7F, v11;
	v11 =	vadd.s32 s12, v0;
	v9 =	vand.u32 $0x400, v9  }
0x34a: {  	v12 =	vadd.s32 s2, v0;
	v13 =	vshll.u32 v11, $0x3;
	v9 =	vor.u32 v9, v10  }
0x34b: {  	s13 =	smul.u32 $0x30, s30;
	s14 =	simm.s32 $0x3;
	v10 =	vand.u32 $0x7F, v11;
	v11 =	vand.u32 $0x400, v13;
	v9 =	vor.u32 v6, v9  }
0x34c: {  	v14 =	vshll.u32 v12, $0x3;
	v13 =	vadd.s32 s14, v0;
	v10 =	vor.u32 v11, v10  }
0x34d: {  	s31 =	simm.s32 $0x4;
	s30 =	smin.u32 s13, $0x1358;
	v11 =	vand.u32 $0x7F, v12;
	v12 =	vand.u32 $0x400, v14;
	v10 =	vor.u32 v6, v10  }
0x34e: {  	[tilespmem:s30+$0x1A800] =	vst v7;
	v7 =	vadd.s32 s31, v0;
	v14 =	vshll.u32 v13, $0x3;
	v11 =	vor.u32 v12, v11  }
0x34f: {  	s2 =	simm.s32 $0x5;
	[tilespmem:s30+$0x1A810] =	vst v8;
	v8 =	vand.u32 $0x7F, v13;
	v12 =	vand.u32 $0x400, v14;
	v11 =	vor.u32 v6, v11  }
0x350: {  	v13 =	vadd.s32 s2, v0;
	v8 =	vor.u32 v12, v8;
	v12 =	vshll.u32 v7, $0x3;
	v14 =	vld.idx.msk [tilespmem:v9+s5+$0x0], $0xffff  }
0x351: {  	s11 =	simm.s32 $0x6;
	v7 =	vand.u32 $0x7F, v7;
	v8 =	vor.u32 v6, v8;
	v12 =	vand.u32 $0x400, v12;
	v9 =	vld.idx.msk [tilespmem:v9+s4+$0x0], $0xffff  }
0x352: {  	v16 =	vadd.s32 s11, v0;
	v7 =	vor.u32 v12, v7;
	v12 =	vshll.u32 v13, $0x3;
	v15 =	vld.idx.msk [tilespmem:v10+s5+$0x0], $0xffff  }
0x353: {  	s12 =	simm.s32 $0x7;
	v7 =	vor.u32 v6, v7;
	v12 =	vand.u32 $0x400, v12;
	v17 =	vld.idx.msk [tilespmem:v10+s4+$0x0], $0xffff;
	v10 =	vand.u32 $0x7F, v13  }
0x354: {  	v13 =	vadd.s32 s12, v0;
	v18 =	vld.idx.msk [tilespmem:v11+s5+$0x0], $0xffff;
	v10 =	vor.u32 v12, v10;
	v12 =	vshll.u32 v16, $0x3  }
0x355: {  	v19 =	vld.idx.msk [tilespmem:v11+s4+$0x0], $0xffff;
	v20 =	vor.u32 v6, v10;
	v10 =	vand.u32 $0x7F, v16;
	v11 =	vand.u32 $0x400, v12  }
0x356: {  	v16 =	vld.idx.msk [tilespmem:v8+s5+$0x0], $0xffff;
	v12 =	vshll.u32 v13, $0x3;
	v10 =	vor.u32 v11, v10;
	v11 =	vand.u32 $0x7F, v13  }
0x357: {  	v22 =	vld.idx.msk [tilespmem:v8+s4+$0x0], $0xffff;
	v8 =	vand.u32 $0x400, v12;
	v9 =	vmul.f32 v9, v14;
	v23 =	vor.u32 v6, v10  }
0x358: {  	v12 =	vimm.f32 $0.0e+00;
	v10 =	vld.idx.msk [tilespmem:v7+s5+$0x0], $0xffff;
	v8 =	vor.u32 v8, v11  }
0x359: {  	s13 =	simm.s32 $0xC;
	s14 =	simm.s32 $0x9;
	s2 =	simm.s32 $0x8;
	v15 =	vmul.f32 v17, v15;
	v13 =	vor.u32 v6, v8;
	v14 =	vadd.f32 v9, v12;
	v12 =	vld.idx.msk [tilespmem:v7+s4+$0x0], $0xffff  }
0x35a: {  	s31 =	simm.s32 $0xA;
	v21 =	vadd.s32 s14, v0;
	v24 =	vadd.s32 s2, v0;
	v8 =	vadd.s32 s13, v0;
	v11 =	vld.idx.msk [tilespmem:v20+s5+$0x0], $0xffff  }
0x35b: {  	s11 =	simm.s32 $0xD;
	s12 =	simm.s32 $0xB;
	v17 =	vadd.s32 s31, v0;
	v18 =	vmul.f32 v19, v18;
	v25 =	vadd.f32 v15, v14;
	v15 =	vld.idx.msk [tilespmem:v20+s4+$0x0], $0xffff  }
0x35c: {  	v7 =	vadd.s32 s11, v0;
	v9 =	vadd.s32 s12, v0;
	v26 =	vmul.f32 v22, v16;
	v14 =	vld.idx.msk [tilespmem:v23+s5+$0x0], $0xffff  }
0x35d: {  	v22 =	vshll.u32 v17, $0x3;
	v19 =	vshll.u32 v9, $0x3;
	v25 =	vadd.f32 v18, v25;
	v18 =	vld.idx.msk [tilespmem:v23+s4+$0x0], $0xffff  }
0x35e: {  	s0 =	simm.s32 $0x10;
	v20 =	vand.u32 $0x7F, v24;
	v24 =	vshll.u32 v24, $0x3;
	v23 =	vshll.u32 v21, $0x3;
	v16 =	vld.idx.msk [tilespmem:v13+s5+$0x0], $0xffff  }
.LBB2_21:
0x35f: {  	p2 =	slt.u32 s0, $0xF8;
	v24 =	vand.u32 $0x400, v24;
	v25 =	vadd.f32 v26, v25;
	v10 =	vmul.f32 v12, v10;
	v12 =	vld.idx.msk [tilespmem:v13+s4+$0x0], $0xffff  }
0x360: {  	v13 =	vor.u32 v24, v20;
	v20 =	vand.u32 $0x7F, v21;
	v21 =	vand.u32 $0x400, v23  }
0x361: {  	v11 =	vmul.f32 v15, v11;
	v13 =	vor.u32 v6, v13;
	v10 =	vadd.f32 v10, v25  }
0x362: {  	v17 =	vand.u32 $0x7F, v17;
	v15 =	vor.u32 v21, v20;
	v20 =	vand.u32 $0x400, v22  }
0x363: {  	v15 =	vor.u32 v6, v15;
	v10 =	vadd.f32 v11, v10;
	v11 =	vmul.f32 v18, v14  }
0x364: {  	v9 =	vand.u32 $0x7F, v9;
	v14 =	vor.u32 v20, v17;
	v17 =	vand.u32 $0x400, v19  }
0x365: {  	v14 =	vor.u32 v6, v14;
	v10 =	vadd.f32 v11, v10;
	v11 =	vmul.f32 v12, v16  }
0x366: {  	v9 =	vor.u32 v17, v9;
	v16 =	vand.u32 $0x7F, v8;
	v8 =	vshll.u32 v8, $0x3;
	v12 =	vld.idx.msk [tilespmem:v13+s5+$0x0], $0xffff  }
0x367: {  	s11 =	sadd.s32 $0x6, s2;
	v9 =	vor.u32 v6, v9;
	v8 =	vand.u32 $0x400, v8;
	v13 =	vld.idx.msk [tilespmem:v13+s4+$0x0], $0xffff;
	v11 =	vadd.f32 v11, v10  }
0x368: {  	v8 =	vor.u32 v8, v16;
	v10 =	vshll.u32 v7, $0x3;
	v16 =	vadd.s32 s11, v0;
	v17 =	vld.idx.msk [tilespmem:v15+s5+$0x0], $0xffff  }
0x369: {  	v7 =	vand.u32 $0x7F, v7;
	s11 =	sadd.s32 $0x7, s2;
	s2 =	smov.u32 s0;
	v8 =	vor.u32 v6, v8;
	v10 =	vand.u32 $0x400, v10;
	v15 =	vld.idx.msk [tilespmem:v15+s4+$0x0], $0xffff  }
0x36a: {  	v19 =	vadd.s32 s11, v0;
	v7 =	vor.u32 v10, v7;
	v10 =	vshll.u32 v16, $0x3;
	v18 =	vld.idx.msk [tilespmem:v14+s5+$0x0], $0xffff  }
0x36b: {  	v20 =	vor.u32 v6, v7;
	v7 =	vand.u32 $0x7F, v16;
	v10 =	vand.u32 $0x400, v10;
	v14 =	vld.idx.msk [tilespmem:v14+s4+$0x0], $0xffff  }
0x36c: {  	v21 =	vand.u32 $0x7F, v19;
	v7 =	vor.u32 v10, v7;
	v10 =	vshll.u32 v19, $0x3;
	v16 =	vld.idx.msk [tilespmem:v9+s5+$0x0], $0xffff  }
0x36d: {  	v12 =	vmul.f32 v13, v12;
	v22 =	vor.u32 v6, v7;
	v7 =	vand.u32 $0x400, v10;
	v19 =	vld.idx.msk [tilespmem:v9+s4+$0x0], $0xffff  }
0x36e: {  	v7 =	vor.u32 v7, v21;
	v10 =	vld.idx.msk [tilespmem:v8+s5+$0x0], $0xffff  }
0x36f: {  	s12 =	sadd.s32 $0x5, s0;
	s11 =	sadd.s32 $0x4, s0;
	v21 =	vadd.f32 v12, v11;
	v15 =	vmul.f32 v15, v17;
	v13 =	vor.u32 v6, v7;
	v12 =	vld.idx.msk [tilespmem:v8+s4+$0x0], $0xffff  }
.Ltmp14:
0x370: {  	s13 =	sadd.s32 $0x3, s0;
	v23 =	vadd.s32 s0, v0;
	v7 =	vadd.s32 s12, v0;
	v8 =	vadd.s32 s11, v0;
	v11 =	vld.idx.msk [tilespmem:v20+s5+$0x0], $0xffff;
	(pc) =	sbr.rel @p2 .LBB2_21-.Ltmp14, $4  }
0x371: {  	v9 =	vadd.s32 s13, v0;
	s12 =	sadd.s32 $0x2, s0;
	s11 =	sadd.s32 $0x1, s0;
	v25 =	vadd.f32 v15, v21;
	v18 =	vmul.f32 v14, v18;
	v15 =	vld.idx.msk [tilespmem:v20+s4+$0x0], $0xffff  }
0x372: {  	v17 =	vadd.s32 s12, v0;
	v21 =	vadd.s32 s11, v0;
	v20 =	vand.u32 $0x7F, v23;
	v14 =	vld.idx.msk [tilespmem:v22+s5+$0x0], $0xffff  }
0x373: {  	v24 =	vshll.u32 v23, $0x3;
	v25 =	vadd.f32 v18, v25;
	v26 =	vmul.f32 v19, v16;
	v18 =	vld.idx.msk [tilespmem:v22+s4+$0x0], $0xffff  }
0x374: {  	s0 =	sadd.s32 $0x8, s0;
	v23 =	vshll.u32 v21, $0x3;
	v19 =	vshll.u32 v9, $0x3;
	v22 =	vshll.u32 v17, $0x3;
	v16 =	vld.idx.msk [tilespmem:v13+s5+$0x0], $0xffff  }
0x375: {  	_ =	sdelay $0x1  }
0x376: {  	v24 =	vand.u32 $0x400, v24;
	v25 =	vadd.f32 v26, v25;
	v10 =	vmul.f32 v12, v10  }
0x377: {  	v37 =	vand.u32 $0x7F, v21;
	v38 =	vand.u32 $0x400, v23;
	v36 =	vor.u32 v24, v20  }
0x378: {  	v35 =	vld.idx.msk [tilespmem:v13+s4+$0x0], $0xffff;
	v17 =	vand.u32 $0x7F, v17;
	v40 =	vand.u32 $0x400, v22;
	v13 =	vor.u32 v6, v36  }
0x379: {  	v9 =	vand.u32 $0x7F, v9;
	v43 =	vand.u32 $0x400, v19;
	v39 =	vor.u32 v38, v37  }
0x37a: {  	v46 =	vand.u32 $0x7F, v8;
	v11 =	vmul.f32 v15, v11;
	v15 =	vor.u32 v6, v39  }
0x37b: {  	v8 =	vshll.u32 v8, $0x3;
	v48 =	vshll.u32 v7, $0x3;
	v42 =	vor.u32 v40, v17  }
0x37c: {  	v7 =	vand.u32 $0x7F, v7;
	v41 =	vmul.f32 v18, v14;
	v14 =	vor.u32 v6, v42  }
0x37d: {  	s0 =	sadd.s32 $0x6, s2;
	s31 =	sadd.s32 $0x7, s2;
	v9 =	vor.u32 v43, v9;
	v8 =	vand.u32 $0x400, v8;
	v10 =	vadd.f32 v10, v25;
	v45 =	vld.idx.msk [tilespmem:v13+s5+$0x0], $0xffff  }
0x37e: {  	v49 =	vadd.s32 s0, v0;
	v52 =	vadd.s32 s31, v0;
	v9 =	vor.u32 v6, v9;
	v13 =	vld.idx.msk [tilespmem:v13+s4+$0x0], $0xffff  }
0x37f: {  	v8 =	vor.u32 v8, v46;
	v51 =	vshll.u32 v49, $0x3;
	v10 =	vadd.f32 v11, v10;
	v47 =	vld.idx.msk [tilespmem:v15+s5+$0x0], $0xffff  }
0x380: {  	v8 =	vor.u32 v6, v8;
	v44 =	vmul.f32 v35, v16;
	v16 =	vand.u32 $0x400, v48;
	v15 =	vld.idx.msk [tilespmem:v15+s4+$0x0], $0xffff  }
0x381: {  	v17 =	vand.u32 $0x7F, v49;
	v10 =	vadd.f32 v41, v10;
	v7 =	vor.u32 v16, v7;
	v50 =	vld.idx.msk [tilespmem:v14+s5+$0x0], $0xffff  }
0x382: {  	v54 =	vshll.u32 v52, $0x3;
	v16 =	vand.u32 $0x400, v51;
	v7 =	vor.u32 v6, v7;
	v14 =	vld.idx.msk [tilespmem:v14+s4+$0x0], $0xffff  }
0x383: {  	v53 =	vld.idx.msk [tilespmem:v9+s5+$0x0], $0xffff;
	v16 =	vor.u32 v16, v17;
	v10 =	vadd.f32 v44, v10;
	v12 =	vmul.f32 v13, v45  }
0x384: {  	v55 =	vand.u32 $0x7F, v52;
	v9 =	vld.idx.msk [tilespmem:v9+s4+$0x0], $0xffff;
	v17 =	vand.u32 $0x400, v54;
	v16 =	vor.u32 v6, v16  }
0x385: {  	v56 =	vld.idx.msk [tilespmem:v8+s5+$0x0], $0xffff;
	v13 =	vor.u32 v17, v55;
	v11 =	vmul.f32 v15, v47;
	v10 =	vadd.f32 v12, v10  }
0x386: {  	v8 =	vld.idx.msk [tilespmem:v8+s4+$0x0], $0xffff;
	v57 =	vor.u32 v6, v13  }
0x387: {  	v58 =	vld.idx.msk [tilespmem:v7+s5+$0x0], $0xffff;
	v59 =	vmul.f32 v14, v50;
	v10 =	vadd.f32 v11, v10  }
0x388: {  	v7 =	vld.idx.msk [tilespmem:v7+s4+$0x0], $0xffff  }
0x389: {  	v9 =	vmul.f32 v9, v53;
	v60 =	vld.idx.msk [tilespmem:v16+s5+$0x0], $0xffff;
	v10 =	vadd.f32 v59, v10  }
0x38a: {  	v61 =	vld.idx.msk [tilespmem:v16+s4+$0x0], $0xffff  }
0x38b: {  	v8 =	vmul.f32 v8, v56;
	v62 =	vld.idx.msk [tilespmem:v57+s5+$0x0], $0xffff;
	v9 =	vadd.f32 v9, v10  }
0x38c: {  	v63 =	vld.idx.msk [tilespmem:v57+s4+$0x0], $0xffff  }
0x38d: {  	v7 =	vmul.f32 v7, v58;
	v8 =	vadd.f32 v8, v9;
	_ =	sdelay $0x1  }
0x38e: {  	v7 =	vadd.f32 v7, v8;
	v8 =	vmul.f32 v61, v60;
	_ =	sdelay $0x1  }
.Ltmp15:
0x38f: {  	v7 =	vadd.f32 v8, v7;
	v8 =	vmul.f32 v63, v62;
	(pc) =	sbr.rel @p1 .LBB2_24-.Ltmp15, $3  }
0x390: {  	_ = 	snop  }
0x391: {  	v7 =	vadd.f32 v8, v7;
	_ =	sdelay $0x1  }
0x392: {  	[tilespmem:s30+$0x1A820] =	vst v7  }
0x393: {  	s0 =	smin.u32 s28, $0x1238  }
0x394: {  	v7 =	vld [tilespmem:s0+$0x120];
	_ =	sdelay $0x4  }
0x395: {  	v8 =	vshll.u32 v7, $0x1  }
0x396: {  	v7 =	vand.u32 $0x7, v7;
	v8 =	vand.u32 $0xFFFFFFF0, v8  }
0x397: {  	v7 =	vor.u32 v7, v8  }
0x398: {  	v8 =	vperm.xlane v7, v1;
	_ =	sdelay $0x1  }
0x399: {  	v7 =	vperm.xlane v7, v3;
	v8 =	vadd.s32 v2, v8;
	_ =	sdelay $0x1  }
0x39a: {  	v7 =	vadd.s32 v2, v7;
	_ =	sdelay $0x2  }
0x39b: {  	[tilespmem:s5], [sflag:$0x3] =	stream.indirect_vreg.gather [hbm4b:s1+s3], $0x80, v8, vm0, $0xb8;
	[tilespmem:$0x1BC00] =	vst v63  }
0x39c: {  	s2 =	simm.s32 $0xF000  }
0x39d: {  	[tilespmem:s2], [sflag:$0x3] =	stream.indirect_vreg.gather [hbm4b:s1+s3], $0x80, v7, vm0, $0xb8;
	[tilespmem:$0x1BC00] =	vst v63  }
0x39e: {  	v7 =	vld [tilespmem:s0+$0x130];
	_ =	sdelay $0x4  }
0x39f: {  	v8 =	vshll.u32 v7, $0x1  }
0x3a0: {  	v7 =	vand.u32 $0x7, v7;
	v8 =	vand.u32 $0xFFFFFFF0, v8  }
0x3a1: {  	v7 =	vor.u32 v7, v8  }
0x3a2: {  	v8 =	vperm.xlane v7, v1;
	_ =	sdelay $0x1  }
0x3a3: {  	v7 =	vperm.xlane v7, v3;
	v8 =	vadd.s32 v2, v8;
	_ =	sdelay $0x1  }
0x3a4: {  	v7 =	vadd.s32 v2, v7;
	_ =	sdelay $0x1  }
0x3a5: {  	s30 =	simm.s32 $0xF800  }
0x3a6: {  	[tilespmem:s30], [sflag:$0x3] =	stream.indirect_vreg.gather [hbm4b:s1+s3], $0x80, v8, vm0, $0xb8;
	[tilespmem:$0x1BC00] =	vst v63  }
0x3a7: {  	s31 =	simm.s32 $0x10000  }
0x3a8: {  	[tilespmem:s31], [sflag:$0x3] =	stream.indirect_vreg.gather [hbm4b:s1+s3], $0x80, v7, vm0, $0xb8;
	[tilespmem:$0x1BC00] =	vst v63  }
0x3a9: {  	v7 =	vld [tilespmem:s0+$0x140];
	_ =	sdelay $0x4  }
0x3aa: {  	v8 =	vshll.u32 v7, $0x1  }
0x3ab: {  	v7 =	vand.u32 $0x7, v7;
	v8 =	vand.u32 $0xFFFFFFF0, v8  }
0x3ac: {  	v7 =	vor.u32 v7, v8  }
0x3ad: {  	v8 =	vperm.xlane v7, v1;
	_ =	sdelay $0x1  }
0x3ae: {  	v7 =	vperm.xlane v7, v3;
	v8 =	vadd.s32 v2, v8;
	_ =	sdelay $0x1  }
0x3af: {  	v7 =	vadd.s32 v2, v7;
	_ =	sdelay $0x1  }
0x3b0: {  	s11 =	simm.s32 $0x10800  }
0x3b1: {  	[tilespmem:s11], [sflag:$0x3] =	stream.indirect_vreg.gather [hbm4b:s1+s3], $0x80, v8, vm0, $0xb8;
	[tilespmem:$0x1BC00] =	vst v63  }
0x3b2: {  	s12 =	simm.s32 $0x11000  }
0x3b3: {  	[tilespmem:s12], [sflag:$0x3] =	stream.indirect_vreg.gather [hbm4b:s1+s3], $0x80, v7, vm0, $0xb8;
	[tilespmem:$0x1BC00] =	vst v63  }
0x3b4: {  	v7 =	vld [tilespmem:s0+$0x1520];
	_ =	sdelay $0x4  }
0x3b5: {  	v8 =	vshll.u32 v7, $0x1  }
0x3b6: {  	v7 =	vand.u32 $0x7, v7;
	v8 =	vand.u32 $0xFFFFFFF0, v8  }
0x3b7: {  	v7 =	vor.u32 v7, v8  }
0x3b8: {  	v8 =	vperm.xlane v7, v1;
	_ =	sdelay $0x1  }
0x3b9: {  	v7 =	vperm.xlane v7, v3;
	v8 =	vadd.s32 v2, v8;
	_ =	sdelay $0x1  }
0x3ba: {  	v7 =	vadd.s32 v2, v7;
	_ =	sdelay $0x2  }
0x3bb: {  	[tilespmem:s4], [sflag:$0x3] =	stream.indirect_vreg.gather [hbm4b:s1+s3], $0x80, v8, vm0, $0xb8;
	[tilespmem:$0x1BC00] =	vst v63  }
0x3bc: {  	s13 =	simm.s32 $0x12000  }
0x3bd: {  	[tilespmem:s13], [sflag:$0x3] =	stream.indirect_vreg.gather [hbm4b:s1+s3], $0x80, v7, vm0, $0xb8;
	[tilespmem:$0x1BC00] =	vst v63  }
0x3be: {  	v7 =	vld [tilespmem:s0+$0x1530];
	_ =	sdelay $0x4  }
0x3bf: {  	v8 =	vshll.u32 v7, $0x1  }
0x3c0: {  	v7 =	vand.u32 $0x7, v7;
	v8 =	vand.u32 $0xFFFFFFF0, v8  }
0x3c1: {  	v7 =	vor.u32 v7, v8  }
0x3c2: {  	v8 =	vperm.xlane v7, v1;
	_ =	sdelay $0x1  }
0x3c3: {  	v7 =	vperm.xlane v7, v3;
	v8 =	vadd.s32 v2, v8;
	_ =	sdelay $0x1  }
0x3c4: {  	v7 =	vadd.s32 v2, v7;
	_ =	sdelay $0x1  }
0x3c5: {  	s14 =	simm.s32 $0x12800  }
0x3c6: {  	[tilespmem:s14], [sflag:$0x3] =	stream.indirect_vreg.gather [hbm4b:s1+s3], $0x80, v8, vm0, $0xb8;
	[tilespmem:$0x1BC00] =	vst v63  }
0x3c7: {  	s28 =	simm.s32 $0x13000  }
0x3c8: {  	[tilespmem:s28], [sflag:$0x3] =	stream.indirect_vreg.gather [hbm4b:s1+s3], $0x80, v7, vm0, $0xb8;
	[tilespmem:$0x1BC00] =	vst v63  }
0x3c9: {  	v7 =	vld [tilespmem:s0+$0x1540];
	_ =	sdelay $0x4  }
0x3ca: {  	v8 =	vshll.u32 v7, $0x1  }
0x3cb: {  	v7 =	vand.u32 $0x7, v7;
	v8 =	vand.u32 $0xFFFFFFF0, v8  }
0x3cc: {  	v7 =	vor.u32 v7, v8  }
0x3cd: {  	v8 =	vperm.xlane v7, v1;
	_ =	sdelay $0x1  }
0x3ce: {  	v7 =	vperm.xlane v7, v3;
	v8 =	vadd.s32 v2, v8;
	_ =	sdelay $0x1  }
0x3cf: {  	v7 =	vadd.s32 v2, v7;
	_ =	sdelay $0x1  }
0x3d0: {  	s30 =	simm.s32 $0x13800  }
0x3d1: {  	[tilespmem:s30], [sflag:$0x3] =	stream.indirect_vreg.gather [hbm4b:s1+s3], $0x80, v8, vm0, $0xb8;
	[tilespmem:$0x1BC00] =	vst v63  }
0x3d2: {  	s31 =	simm.s32 $0x14000  }
0x3d3: {  	[tilespmem:s31], [sflag:$0x3] =	stream.indirect_vreg.gather [hbm4b:s1+s3], $0x80, v7, vm0, $0xb8;
	[tilespmem:$0x1BC00] =	vst v63  }
.LBB2_24:
.Ltmp16:
0x3d4: {  	(pc) =	sbr.rel @p0 .LBB2_30-.Ltmp16, $1  }
0x3d5: {  	_ =	sdelay $0x3  }
0x3d6: {  	s0 =	simm.s32 $0x0  }
0x3d7: {  	v7 =	vadd.s32 s0, v0  }
0x3d8: {  	v8 =	vshll.u32 v7, $0x3  }
0x3d9: {  	v7 =	vand.u32 $0x7F, v7;
	v8 =	vand.u32 $0x400, v8  }
0x3da: {  	_ =	swait.ge [sflag:s6], $0x3000;
	s13 =	simm.s32 $0x7;
	v7 =	vor.u32 v7, v8  }
0x3db: {  	s2 =	simm.s32 $0x6;
	[sflag:s6] =	ssyncset.done $0x0;
	v8 =	vadd.s32 s13, v0;
	v10 =	vor.u32 v4, v7  }
0x3dc: {  	v15 =	vimm.f32 $0.0e+00;
	v11 =	vadd.s32 s2, v0;
	[sflag:s6] =	ssyncadd.s32 $0xFFFFD000;
	v9 =	vshll.u32 v8, $0x3  }
0x3dd: {  	s14 =	simm.s32 $0x5;
	_ =	swait.ge [sflag:s6], $0x3000;
	v8 =	vand.u32 $0x7F, v8;
	v7 =	vor.u32 v5, v7;
	v9 =	vand.u32 $0x400, v9  }
0x3de: {  	v13 =	vadd.s32 s14, v0;
	v12 =	vshll.u32 v11, $0x3;
	[sflag:s6] =	ssyncset.done $0x0;
	v9 =	vor.u32 v8, v9  }
0x3df: {  	s28 =	simm.s32 $0x4;
	[sflag:s6] =	ssyncadd.s32 $0xFFFFD000;
	v8 =	vand.u32 $0x7F, v11;
	v11 =	vand.u32 $0x400, v12;
	v22 =	vor.u32 v4, v9  }
0x3e0: {  	v21 =	vadd.s32 s28, v0;
	v16 =	vshll.u32 v13, $0x3;
	v12 =	vor.u32 v8, v11;
	v14 =	vld.idx.msk [tilespmem:v10+s7+$0x0], $0xffff  }
0x3e1: {  	v8 =	vand.u32 $0x7F, v13;
	v11 =	vand.u32 $0x400, v16;
	v13 =	vor.u32 v4, v12;
	v16 =	vld.idx.msk [tilespmem:v10+s26+$0x0], $0xffff  }
0x3e2: {  	s31 =	simm.s32 $0x3;
	v18 =	vor.u32 v8, v11;
	v8 =	vshll.u32 v21, $0x3;
	v11 =	vand.u32 $0x7F, v21;
	v17 =	vld.idx.msk [tilespmem:v7+s7+$0x0], $0xffff  }
0x3e3: {  	s30 =	simm.s32 $0x2;
	v10 =	vadd.s32 s31, v0;
	v24 =	vor.u32 v4, v18;
	v20 =	vld.idx.msk [tilespmem:v7+s26+$0x0], $0xffff;
	v8 =	vand.u32 $0x400, v8  }
0x3e4: {  	v25 =	vadd.s32 s30, v0;
	v23 =	vshll.u32 v10, $0x3;
	v21 =	vor.u32 v11, v8;
	v7 =	vld.idx.msk [tilespmem:v22+s7+$0x0], $0xffff  }
0x3e5: {  	s11 =	simm.s32 $0x1;
	v10 =	vand.u32 $0x7F, v10;
	v11 =	vand.u32 $0x400, v23;
	v26 =	vor.u32 v4, v21;
	v8 =	vld.idx.msk [tilespmem:v22+s26+$0x0], $0xffff  }
0x3e6: {  	v19 =	vadd.s32 s11, v0;
	v22 =	vshll.u32 v25, $0x3;
	v23 =	vor.u32 v10, v11;
	v10 =	vld.idx.msk [tilespmem:v13+s7+$0x0], $0xffff  }
0x3e7: {  	v25 =	vand.u32 $0x7F, v25;
	v22 =	vand.u32 $0x400, v22;
	v27 =	vor.u32 v4, v23;
	v11 =	vld.idx.msk [tilespmem:v13+s26+$0x0], $0xffff  }
0x3e8: {  	s2 =	simm.s32 $0x8;
	v28 =	vshll.u32 v19, $0x3;
	v25 =	vor.u32 v25, v22;
	v13 =	vld.idx.msk [tilespmem:v24+s7+$0x0], $0xffff;
	v22 =	vimm.f32 $0.0e+00  }
.LBB2_26:
0x3e9: {  	p0 =	slt.u32 s2, $0xF8;
	v19 =	vand.u32 $0x7F, v19;
	v28 =	vand.u32 $0x400, v28;
	v29 =	vor.u32 v4, v25;
	v24 =	vld.idx.msk [tilespmem:v24+s26+$0x0], $0xffff  }
0x3ea: {  	v19 =	vor.u32 v19, v28;
	v28 =	vld.idx.msk [tilespmem:v26+s7+$0x0], $0xffff  }
0x3eb: {  	v30 =	vor.u32 v4, v19;
	v26 =	vld.idx.msk [tilespmem:v26+s26+$0x0], $0xffff  }
0x3ec: {  	s0 =	sadd.s32 $0x7, s2;
	v31 =	vld.idx.msk [tilespmem:v27+s7+$0x0], $0xffff  }
0x3ed: {  	v32 =	vadd.s32 s2, v0;
	s11 =	sadd.s32 $0x4, s2;
	s12 =	sadd.s32 $0x5, s2;
	s13 =	sadd.s32 $0x6, s2;
	v33 =	vadd.s32 s0, v0;
	v34 =	vor.u32 v5, v19;
	v27 =	vld.idx.msk [tilespmem:v27+s26+$0x0], $0xffff  }
0x3ee: {  	s14 =	sadd.s32 $0x3, s2;
	s0 =	sadd.s32 $0x2, s2;
	v35 =	vadd.s32 s11, v0;
	v36 =	vadd.s32 s12, v0;
	v37 =	vadd.s32 s13, v0;
	v38 =	vld.idx.msk [tilespmem:v29+s7+$0x0], $0xffff  }
0x3ef: {  	v25 =	vor.u32 v5, v25;
	s11 =	sadd.s32 $0x1, s2;
	v40 =	vadd.s32 s14, v0;
	v39 =	vadd.s32 s0, v0;
	v29 =	vld.idx.msk [tilespmem:v29+s26+$0x0], $0xffff  }
0x3f0: {  	v41 =	vand.u32 $0x7F, v32;
	v32 =	vshll.u32 v32, $0x3;
	v19 =	vadd.s32 s11, v0;
	v42 =	vld.idx.msk [tilespmem:v30+s7+$0x0], $0xffff  }
0x3f1: {  	v23 =	vor.u32 v5, v23;
	v43 =	vand.u32 $0x7F, v33;
	v33 =	vshll.u32 v33, $0x3;
	v30 =	vld.idx.msk [tilespmem:v30+s26+$0x0], $0xffff  }
0x3f2: {  	v44 =	vand.u32 $0x7F, v36;
	v45 =	vand.u32 $0x7F, v37;
	v37 =	vshll.u32 v37, $0x3;
	v46 =	vld.idx.msk [tilespmem:v34+s7+$0x0], $0xffff  }
0x3f3: {  	v21 =	vor.u32 v5, v21;
	v47 =	vand.u32 $0x7F, v35;
	v36 =	vshll.u32 v36, $0x3;
	v34 =	vld.idx.msk [tilespmem:v34+s26+$0x0], $0xffff  }
0x3f4: {  	v48 =	vand.u32 $0x7F, v40;
	v40 =	vshll.u32 v40, $0x3;
	v35 =	vshll.u32 v35, $0x3;
	v49 =	vld.idx.msk [tilespmem:v25+s7+$0x0], $0xffff  }
0x3f5: {  	v18 =	vor.u32 v5, v18;
	v32 =	vand.u32 $0x400, v32;
	v50 =	vshll.u32 v39, $0x3;
	v25 =	vld.idx.msk [tilespmem:v25+s26+$0x0], $0xffff  }
0x3f6: {  	v36 =	vand.u32 $0x400, v36;
	v37 =	vand.u32 $0x400, v37;
	v33 =	vand.u32 $0x400, v33;
	v51 =	vld.idx.msk [tilespmem:v23+s7+$0x0], $0xffff  }
0x3f7: {  	v14 =	vmul.f32 v16, v14;
	v16 =	vmul.f32 v20, v17;
	v12 =	vor.u32 v5, v12;
	v17 =	vld.idx.msk [tilespmem:v23+s26+$0x0], $0xffff  }
0x3f8: {  	v20 =	vor.u32 v41, v32;
	v32 =	vor.u32 v5, v9;
	v23 =	vmul.f32 v30, v42;
	v30 =	vld.idx.msk [tilespmem:v21+s7+$0x0], $0xffff  }
0x3f9: {  	v9 =	vadd.f32 v14, v15;
	v14 =	vadd.f32 v16, v22;
	v15 =	vmul.f32 v34, v46;
	v16 =	vld.idx.msk [tilespmem:v21+s26+$0x0], $0xffff  }
0x3fa: {  	v22 =	vand.u32 $0x400, v35;
	v29 =	vmul.f32 v29, v38;
	v21 =	vor.u32 v4, v20;
	v34 =	vld.idx.msk [tilespmem:v18+s7+$0x0], $0xffff  }
0x3fb: {  	v23 =	vadd.f32 v23, v9;
	v14 =	vadd.f32 v15, v14;
	v15 =	vmul.f32 v25, v49;
	v25 =	vld.idx.msk [tilespmem:v18+s26+$0x0], $0xffff  }
0x3fc: {  	v20 =	vor.u32 v5, v20;
	v9 =	vor.u32 v43, v33;
	v18 =	vmul.f32 v27, v31;
	v27 =	vld.idx.msk [tilespmem:v12+s7+$0x0], $0xffff  }
0x3fd: {  	v23 =	vadd.f32 v29, v23;
	v14 =	vadd.f32 v15, v14;
	v15 =	vmul.f32 v17, v51;
	v29 =	vld.idx.msk [tilespmem:v12+s26+$0x0], $0xffff  }
0x3fe: {  	v31 =	vor.u32 v4, v9;
	v17 =	vmul.f32 v26, v28;
	v12 =	vor.u32 v45, v37;
	v28 =	vld.idx.msk [tilespmem:v32+s7+$0x0], $0xffff  }
0x3ff: {  	v23 =	vadd.f32 v18, v23;
	v15 =	vadd.f32 v15, v14;
	v26 =	vmul.f32 v16, v30;
	v30 =	vld.idx.msk [tilespmem:v32+s26+$0x0], $0xffff  }
0x400: {  	v13 =	vmul.f32 v24, v13;
	v18 =	vor.u32 v44, v36;
	v32 =	vor.u32 v4, v12;
	v14 =	vld.idx.msk [tilespmem:v21+s7+$0x0], $0xffff  }
0x401: {  	v23 =	vadd.f32 v17, v23;
	v15 =	vadd.f32 v26, v15;
	v25 =	vmul.f32 v25, v34;
	v16 =	vld.idx.msk [tilespmem:v21+s26+$0x0], $0xffff  }
0x402: {  	v10 =	vmul.f32 v11, v10;
	v24 =	vor.u32 v4, v18;
	v21 =	vor.u32 v47, v22;
	v17 =	vld.idx.msk [tilespmem:v20+s7+$0x0], $0xffff  }
0x403: {  	v11 =	vadd.f32 v13, v23;
	v13 =	vadd.f32 v25, v15;
	v15 =	vmul.f32 v29, v27;
	v20 =	vld.idx.msk [tilespmem:v20+s26+$0x0], $0xffff  }
.Ltmp17:
0x404: {  	v22 =	vand.u32 $0x400, v40;
	v26 =	vor.u32 v4, v21;
	v25 =	vmul.f32 v8, v7;
	v7 =	vld.idx.msk [tilespmem:v31+s7+$0x0], $0xffff;
	(pc) =	sbr.rel @p0 .LBB2_26-.Ltmp17, $4  }
0x405: {  	v29 =	vadd.f32 v10, v11;
	v13 =	vadd.f32 v15, v13;
	v28 =	vmul.f32 v30, v28;
	v8 =	vld.idx.msk [tilespmem:v31+s26+$0x0], $0xffff  }
0x406: {  	v23 =	vor.u32 v48, v22;
	v30 =	vand.u32 $0x7F, v39;
	v31 =	vand.u32 $0x400, v50;
	v10 =	vld.idx.msk [tilespmem:v32+s7+$0x0], $0xffff  }
0x407: {  	v27 =	vor.u32 v4, v23;
	v15 =	vadd.f32 v25, v29;
	v22 =	vadd.f32 v28, v13;
	v11 =	vld.idx.msk [tilespmem:v32+s26+$0x0], $0xffff  }
0x408: {  	s2 =	sadd.s32 $0x8, s2;
	v28 =	vshll.u32 v19, $0x3;
	v25 =	vor.u32 v30, v31;
	v13 =	vld.idx.msk [tilespmem:v24+s7+$0x0], $0xffff  }
0x409: {  	_ =	sdelay $0x3  }
0x40a: {  	v19 =	vand.u32 $0x7F, v19;
	v28 =	vand.u32 $0x400, v28;
	v29 =	vor.u32 v4, v25;
	v24 =	vld.idx.msk [tilespmem:v24+s26+$0x0], $0xffff  }
0x40b: {  	v63 =	vld.idx.msk [tilespmem:v26+s7+$0x0], $0xffff;
	v19 =	vor.u32 v19, v28  }
0x40c: {  	v26 =	vld.idx.msk [tilespmem:v26+s26+$0x0], $0xffff;
	v30 =	vor.u32 v4, v19  }
0x40d: {  	v31 =	vld.idx.msk [tilespmem:v27+s7+$0x0], $0xffff  }
0x40e: {  	v27 =	vld.idx.msk [tilespmem:v27+s26+$0x0], $0xffff;
	v19 =	vor.u32 v5, v19  }
0x40f: {  	v32 =	vld.idx.msk [tilespmem:v29+s7+$0x0], $0xffff  }
0x410: {  	v25 =	vor.u32 v5, v25;
	v29 =	vld.idx.msk [tilespmem:v29+s26+$0x0], $0xffff  }
0x411: {  	v33 =	vld.idx.msk [tilespmem:v30+s7+$0x0], $0xffff  }
0x412: {  	v23 =	vor.u32 v5, v23;
	v30 =	vld.idx.msk [tilespmem:v30+s26+$0x0], $0xffff  }
0x413: {  	v34 =	vld.idx.msk [tilespmem:v19+s7+$0x0], $0xffff  }
0x414: {  	v21 =	vor.u32 v5, v21;
	v19 =	vld.idx.msk [tilespmem:v19+s26+$0x0], $0xffff  }
0x415: {  	v35 =	vld.idx.msk [tilespmem:v25+s7+$0x0], $0xffff  }
0x416: {  	v18 =	vor.u32 v5, v18;
	v14 =	vmul.f32 v16, v14;
	v25 =	vld.idx.msk [tilespmem:v25+s26+$0x0], $0xffff  }
0x417: {  	v16 =	vmul.f32 v20, v17;
	v36 =	vld.idx.msk [tilespmem:v23+s7+$0x0], $0xffff  }
0x418: {  	v12 =	vor.u32 v5, v12;
	v14 =	vadd.f32 v14, v15;
	v17 =	vld.idx.msk [tilespmem:v23+s26+$0x0], $0xffff  }
0x419: {  	v15 =	vadd.f32 v16, v22;
	v23 =	vld.idx.msk [tilespmem:v21+s7+$0x0], $0xffff;
	v20 =	vmul.f32 v30, v33;
	v16 =	vmul.f32 v19, v34  }
0x41a: {  	v9 =	vor.u32 v5, v9;
	v19 =	vld.idx.msk [tilespmem:v21+s26+$0x0], $0xffff;
	v21 =	vmul.f32 v29, v32  }
0x41b: {  	v22 =	vld.idx.msk [tilespmem:v18+s7+$0x0], $0xffff;
	v14 =	vadd.f32 v20, v14;
	v15 =	vadd.f32 v16, v15;
	v16 =	vmul.f32 v25, v35  }
0x41c: {  	v18 =	vld.idx.msk [tilespmem:v18+s26+$0x0], $0xffff;
	v20 =	vmul.f32 v27, v31  }
0x41d: {  	v25 =	vld.idx.msk [tilespmem:v12+s7+$0x0], $0xffff;
	v14 =	vadd.f32 v21, v14;
	v15 =	vadd.f32 v16, v15;
	v16 =	vmul.f32 v17, v36  }
0x41e: {  	v12 =	vld.idx.msk [tilespmem:v12+s26+$0x0], $0xffff;
	v17 =	vmul.f32 v26, v63  }
0x41f: {  	v21 =	vld.idx.msk [tilespmem:v9+s7+$0x0], $0xffff;
	v14 =	vadd.f32 v20, v14;
	v15 =	vadd.f32 v16, v15;
	v16 =	vmul.f32 v19, v23  }
0x420: {  	v13 =	vmul.f32 v24, v13;
	v9 =	vld.idx.msk [tilespmem:v9+s26+$0x0], $0xffff  }
0x421: {  	v14 =	vadd.f32 v17, v14;
	v15 =	vadd.f32 v16, v15;
	v16 =	vmul.f32 v18, v22  }
0x422: {  	v10 =	vmul.f32 v11, v10  }
0x423: {  	v12 =	vmul.f32 v12, v25;
	v11 =	vadd.f32 v13, v14;
	v13 =	vadd.f32 v16, v15  }
0x424: {  	v7 =	vmul.f32 v8, v7  }
0x425: {  	s0 =	simm.s32 $0x0;
	v9 =	vmul.f32 v9, v21;
	v8 =	vadd.f32 v10, v11;
	v10 =	vadd.f32 v12, v13  }
0x426: {  	v11 =	vadd.s32 s0, v0  }
0x427: {  	s31 =	simm.s32 $0x1;
	v7 =	vadd.f32 v7, v8;
	v8 =	vadd.f32 v9, v10;
	v9 =	vshll.u32 v11, $0x3  }
0x428: {  	s2 =	simm.s32 $0x2;
	v10 =	vand.u32 $0x7F, v11;
	v11 =	vadd.s32 s31, v0;
	v9 =	vand.u32 $0x400, v9  }
0x429: {  	v12 =	vadd.s32 s2, v0;
	v13 =	vshll.u32 v11, $0x3;
	v9 =	vor.u32 v9, v10  }
0x42a: {  	s2 =	simm.s32 $0x3;
	v10 =	vand.u32 $0x7F, v11;
	v11 =	vand.u32 $0x400, v13;
	v9 =	vor.u32 v6, v9  }
0x42b: {  	v14 =	vshll.u32 v12, $0x3;
	v13 =	vadd.s32 s2, v0;
	v10 =	vor.u32 v11, v10  }
0x42c: {  	s11 =	simm.s32 $0x4;
	v11 =	vand.u32 $0x7F, v12;
	v12 =	vand.u32 $0x400, v14;
	v10 =	vor.u32 v6, v10  }
0x42d: {  	[tilespmem:s25+$0x1A800] =	vst v7;
	v7 =	vadd.s32 s11, v0;
	v14 =	vshll.u32 v13, $0x3;
	v11 =	vor.u32 v12, v11  }
0x42e: {  	s12 =	simm.s32 $0x5;
	[tilespmem:s25+$0x1A810] =	vst v8;
	v8 =	vand.u32 $0x7F, v13;
	v12 =	vand.u32 $0x400, v14;
	v11 =	vor.u32 v6, v11  }
0x42f: {  	v13 =	vadd.s32 s12, v0;
	v8 =	vor.u32 v12, v8;
	v12 =	vshll.u32 v7, $0x3;
	v14 =	vld.idx.msk [tilespmem:v9+s7+$0x0], $0xffff  }
0x430: {  	s13 =	simm.s32 $0x6;
	v7 =	vand.u32 $0x7F, v7;
	v8 =	vor.u32 v6, v8;
	v12 =	vand.u32 $0x400, v12;
	v9 =	vld.idx.msk [tilespmem:v9+s26+$0x0], $0xffff  }
0x431: {  	v16 =	vadd.s32 s13, v0;
	v7 =	vor.u32 v12, v7;
	v12 =	vshll.u32 v13, $0x3;
	v15 =	vld.idx.msk [tilespmem:v10+s7+$0x0], $0xffff  }
0x432: {  	s14 =	simm.s32 $0x7;
	v7 =	vor.u32 v6, v7;
	v12 =	vand.u32 $0x400, v12;
	v17 =	vld.idx.msk [tilespmem:v10+s26+$0x0], $0xffff;
	v10 =	vand.u32 $0x7F, v13  }
0x433: {  	v13 =	vadd.s32 s14, v0;
	v18 =	vld.idx.msk [tilespmem:v11+s7+$0x0], $0xffff;
	v10 =	vor.u32 v12, v10;
	v12 =	vshll.u32 v16, $0x3  }
0x434: {  	v19 =	vld.idx.msk [tilespmem:v11+s26+$0x0], $0xffff;
	v20 =	vor.u32 v6, v10;
	v10 =	vand.u32 $0x7F, v16;
	v11 =	vand.u32 $0x400, v12  }
0x435: {  	v16 =	vld.idx.msk [tilespmem:v8+s7+$0x0], $0xffff;
	v12 =	vshll.u32 v13, $0x3;
	v10 =	vor.u32 v11, v10;
	v11 =	vand.u32 $0x7F, v13  }
0x436: {  	v22 =	vld.idx.msk [tilespmem:v8+s26+$0x0], $0xffff;
	v8 =	vand.u32 $0x400, v12;
	v9 =	vmul.f32 v9, v14;
	v23 =	vor.u32 v6, v10  }
0x437: {  	v12 =	vimm.f32 $0.0e+00;
	v10 =	vld.idx.msk [tilespmem:v7+s7+$0x0], $0xffff;
	v8 =	vor.u32 v8, v11  }
0x438: {  	s28 =	simm.s32 $0xC;
	s30 =	simm.s32 $0x9;
	s2 =	simm.s32 $0x8;
	v15 =	vmul.f32 v17, v15;
	v13 =	vor.u32 v6, v8;
	v14 =	vadd.f32 v9, v12;
	v12 =	vld.idx.msk [tilespmem:v7+s26+$0x0], $0xffff  }
0x439: {  	v21 =	vadd.s32 s30, v0;
	s31 =	simm.s32 $0xA;
	v24 =	vadd.s32 s2, v0;
	v8 =	vadd.s32 s28, v0;
	v11 =	vld.idx.msk [tilespmem:v20+s7+$0x0], $0xffff  }
0x43a: {  	s11 =	simm.s32 $0xD;
	s12 =	simm.s32 $0xB;
	v17 =	vadd.s32 s31, v0;
	v18 =	vmul.f32 v19, v18;
	v25 =	vadd.f32 v15, v14;
	v15 =	vld.idx.msk [tilespmem:v20+s26+$0x0], $0xffff  }
0x43b: {  	v7 =	vadd.s32 s11, v0;
	v9 =	vadd.s32 s12, v0;
	v26 =	vmul.f32 v22, v16;
	v14 =	vld.idx.msk [tilespmem:v23+s7+$0x0], $0xffff  }
0x43c: {  	v22 =	vshll.u32 v17, $0x3;
	v19 =	vshll.u32 v9, $0x3;
	v25 =	vadd.f32 v18, v25;
	v18 =	vld.idx.msk [tilespmem:v23+s26+$0x0], $0xffff  }
0x43d: {  	s0 =	simm.s32 $0x10;
	v20 =	vand.u32 $0x7F, v24;
	v24 =	vshll.u32 v24, $0x3;
	v23 =	vshll.u32 v21, $0x3;
	v16 =	vld.idx.msk [tilespmem:v13+s7+$0x0], $0xffff  }
.LBB2_28:
0x43e: {  	p0 =	slt.u32 s0, $0xF8;
	v24 =	vand.u32 $0x400, v24;
	v25 =	vadd.f32 v26, v25;
	v10 =	vmul.f32 v12, v10;
	v12 =	vld.idx.msk [tilespmem:v13+s26+$0x0], $0xffff  }
0x43f: {  	v13 =	vor.u32 v24, v20;
	v20 =	vand.u32 $0x7F, v21;
	v21 =	vand.u32 $0x400, v23  }
0x440: {  	v11 =	vmul.f32 v15, v11;
	v13 =	vor.u32 v6, v13;
	v10 =	vadd.f32 v10, v25  }
0x441: {  	v17 =	vand.u32 $0x7F, v17;
	v15 =	vor.u32 v21, v20;
	v20 =	vand.u32 $0x400, v22  }
0x442: {  	v15 =	vor.u32 v6, v15;
	v10 =	vadd.f32 v11, v10;
	v11 =	vmul.f32 v18, v14  }
0x443: {  	v9 =	vand.u32 $0x7F, v9;
	v14 =	vor.u32 v20, v17;
	v17 =	vand.u32 $0x400, v19  }
0x444: {  	v14 =	vor.u32 v6, v14;
	v10 =	vadd.f32 v11, v10;
	v11 =	vmul.f32 v12, v16  }
0x445: {  	v9 =	vor.u32 v17, v9;
	v16 =	vand.u32 $0x7F, v8;
	v8 =	vshll.u32 v8, $0x3;
	v12 =	vld.idx.msk [tilespmem:v13+s7+$0x0], $0xffff  }
0x446: {  	s11 =	sadd.s32 $0x6, s2;
	v9 =	vor.u32 v6, v9;
	v8 =	vand.u32 $0x400, v8;
	v13 =	vld.idx.msk [tilespmem:v13+s26+$0x0], $0xffff;
	v11 =	vadd.f32 v11, v10  }
0x447: {  	v8 =	vor.u32 v8, v16;
	v10 =	vshll.u32 v7, $0x3;
	v16 =	vadd.s32 s11, v0;
	v17 =	vld.idx.msk [tilespmem:v15+s7+$0x0], $0xffff  }
0x448: {  	v7 =	vand.u32 $0x7F, v7;
	s11 =	sadd.s32 $0x7, s2;
	s2 =	smov.u32 s0;
	v8 =	vor.u32 v6, v8;
	v10 =	vand.u32 $0x400, v10;
	v15 =	vld.idx.msk [tilespmem:v15+s26+$0x0], $0xffff  }
0x449: {  	v19 =	vadd.s32 s11, v0;
	v7 =	vor.u32 v10, v7;
	v10 =	vshll.u32 v16, $0x3;
	v18 =	vld.idx.msk [tilespmem:v14+s7+$0x0], $0xffff  }
0x44a: {  	v20 =	vor.u32 v6, v7;
	v7 =	vand.u32 $0x7F, v16;
	v10 =	vand.u32 $0x400, v10;
	v14 =	vld.idx.msk [tilespmem:v14+s26+$0x0], $0xffff  }
0x44b: {  	v21 =	vand.u32 $0x7F, v19;
	v7 =	vor.u32 v10, v7;
	v10 =	vshll.u32 v19, $0x3;
	v16 =	vld.idx.msk [tilespmem:v9+s7+$0x0], $0xffff  }
0x44c: {  	v12 =	vmul.f32 v13, v12;
	v22 =	vor.u32 v6, v7;
	v7 =	vand.u32 $0x400, v10;
	v19 =	vld.idx.msk [tilespmem:v9+s26+$0x0], $0xffff  }
0x44d: {  	v7 =	vor.u32 v7, v21;
	v10 =	vld.idx.msk [tilespmem:v8+s7+$0x0], $0xffff  }
0x44e: {  	s12 =	sadd.s32 $0x5, s0;
	s11 =	sadd.s32 $0x4, s0;
	v21 =	vadd.f32 v12, v11;
	v15 =	vmul.f32 v15, v17;
	v13 =	vor.u32 v6, v7;
	v12 =	vld.idx.msk [tilespmem:v8+s26+$0x0], $0xffff  }
.Ltmp18:
0x44f: {  	s13 =	sadd.s32 $0x3, s0;
	v23 =	vadd.s32 s0, v0;
	v7 =	vadd.s32 s12, v0;
	v8 =	vadd.s32 s11, v0;
	v11 =	vld.idx.msk [tilespmem:v20+s7+$0x0], $0xffff;
	(pc) =	sbr.rel @p0 .LBB2_28-.Ltmp18, $4  }
0x450: {  	v9 =	vadd.s32 s13, v0;
	s12 =	sadd.s32 $0x2, s0;
	s11 =	sadd.s32 $0x1, s0;
	v25 =	vadd.f32 v15, v21;
	v18 =	vmul.f32 v14, v18;
	v15 =	vld.idx.msk [tilespmem:v20+s26+$0x0], $0xffff  }
0x451: {  	v17 =	vadd.s32 s12, v0;
	v21 =	vadd.s32 s11, v0;
	v20 =	vand.u32 $0x7F, v23;
	v14 =	vld.idx.msk [tilespmem:v22+s7+$0x0], $0xffff  }
0x452: {  	v24 =	vshll.u32 v23, $0x3;
	v25 =	vadd.f32 v18, v25;
	v26 =	vmul.f32 v19, v16;
	v18 =	vld.idx.msk [tilespmem:v22+s26+$0x0], $0xffff  }
0x453: {  	s0 =	sadd.s32 $0x8, s0;
	v23 =	vshll.u32 v21, $0x3;
	v19 =	vshll.u32 v9, $0x3;
	v22 =	vshll.u32 v17, $0x3;
	v16 =	vld.idx.msk [tilespmem:v13+s7+$0x0], $0xffff  }
0x454: {  	_ =	sdelay $0x1  }
0x455: {  	v24 =	vand.u32 $0x400, v24;
	v25 =	vadd.f32 v26, v25;
	v10 =	vmul.f32 v12, v10  }
0x456: {  	v37 =	vand.u32 $0x7F, v21;
	v38 =	vand.u32 $0x400, v23;
	v36 =	vor.u32 v24, v20  }
0x457: {  	v35 =	vld.idx.msk [tilespmem:v13+s26+$0x0], $0xffff;
	v17 =	vand.u32 $0x7F, v17;
	v40 =	vand.u32 $0x400, v22;
	v13 =	vor.u32 v6, v36  }
0x458: {  	v9 =	vand.u32 $0x7F, v9;
	v43 =	vand.u32 $0x400, v19;
	v39 =	vor.u32 v38, v37  }
0x459: {  	v46 =	vand.u32 $0x7F, v8;
	v11 =	vmul.f32 v15, v11;
	v15 =	vor.u32 v6, v39  }
0x45a: {  	v8 =	vshll.u32 v8, $0x3;
	v48 =	vshll.u32 v7, $0x3;
	v42 =	vor.u32 v40, v17  }
0x45b: {  	v7 =	vand.u32 $0x7F, v7;
	v41 =	vmul.f32 v18, v14;
	v14 =	vor.u32 v6, v42  }
0x45c: {  	s0 =	sadd.s32 $0x6, s2;
	s31 =	sadd.s32 $0x7, s2;
	v9 =	vor.u32 v43, v9;
	v8 =	vand.u32 $0x400, v8;
	v10 =	vadd.f32 v10, v25;
	v45 =	vld.idx.msk [tilespmem:v13+s7+$0x0], $0xffff  }
0x45d: {  	v49 =	vadd.s32 s0, v0;
	v52 =	vadd.s32 s31, v0;
	v9 =	vor.u32 v6, v9;
	v13 =	vld.idx.msk [tilespmem:v13+s26+$0x0], $0xffff  }
0x45e: {  	v8 =	vor.u32 v8, v46;
	v51 =	vshll.u32 v49, $0x3;
	v10 =	vadd.f32 v11, v10;
	v47 =	vld.idx.msk [tilespmem:v15+s7+$0x0], $0xffff  }
0x45f: {  	v8 =	vor.u32 v6, v8;
	v44 =	vmul.f32 v35, v16;
	v16 =	vand.u32 $0x400, v48;
	v15 =	vld.idx.msk [tilespmem:v15+s26+$0x0], $0xffff  }
0x460: {  	v17 =	vand.u32 $0x7F, v49;
	v10 =	vadd.f32 v41, v10;
	v7 =	vor.u32 v16, v7;
	v50 =	vld.idx.msk [tilespmem:v14+s7+$0x0], $0xffff  }
0x461: {  	v54 =	vshll.u32 v52, $0x3;
	v16 =	vand.u32 $0x400, v51;
	v7 =	vor.u32 v6, v7;
	v14 =	vld.idx.msk [tilespmem:v14+s26+$0x0], $0xffff  }
0x462: {  	v53 =	vld.idx.msk [tilespmem:v9+s7+$0x0], $0xffff;
	v16 =	vor.u32 v16, v17;
	v10 =	vadd.f32 v44, v10;
	v12 =	vmul.f32 v13, v45  }
0x463: {  	v55 =	vand.u32 $0x7F, v52;
	v9 =	vld.idx.msk [tilespmem:v9+s26+$0x0], $0xffff;
	v17 =	vand.u32 $0x400, v54;
	v16 =	vor.u32 v6, v16  }
0x464: {  	v56 =	vld.idx.msk [tilespmem:v8+s7+$0x0], $0xffff;
	v13 =	vor.u32 v17, v55;
	v11 =	vmul.f32 v15, v47;
	v10 =	vadd.f32 v12, v10  }
0x465: {  	v8 =	vld.idx.msk [tilespmem:v8+s26+$0x0], $0xffff;
	v57 =	vor.u32 v6, v13  }
0x466: {  	v58 =	vld.idx.msk [tilespmem:v7+s7+$0x0], $0xffff;
	v59 =	vmul.f32 v14, v50;
	v10 =	vadd.f32 v11, v10  }
0x467: {  	v7 =	vld.idx.msk [tilespmem:v7+s26+$0x0], $0xffff  }
0x468: {  	v9 =	vmul.f32 v9, v53;
	v60 =	vld.idx.msk [tilespmem:v16+s7+$0x0], $0xffff;
	v10 =	vadd.f32 v59, v10  }
0x469: {  	v61 =	vld.idx.msk [tilespmem:v16+s26+$0x0], $0xffff  }
0x46a: {  	v8 =	vmul.f32 v8, v56;
	v62 =	vld.idx.msk [tilespmem:v57+s7+$0x0], $0xffff;
	v9 =	vadd.f32 v9, v10  }
0x46b: {  	v63 =	vld.idx.msk [tilespmem:v57+s26+$0x0], $0xffff  }
0x46c: {  	v7 =	vmul.f32 v7, v58;
	v8 =	vadd.f32 v8, v9;
	_ =	sdelay $0x1  }
0x46d: {  	v7 =	vadd.f32 v7, v8;
	v8 =	vmul.f32 v61, v60;
	_ =	sdelay $0x1  }
.Ltmp19:
0x46e: {  	v7 =	vadd.f32 v8, v7;
	v8 =	vmul.f32 v63, v62;
	(pc) =	sbr.rel .LBB2_30-.Ltmp19, $3  }
0x46f: {  	_ = 	snop  }
0x470: {  	v7 =	vadd.f32 v8, v7;
	_ =	sdelay $0x1  }
0x471: {  	[tilespmem:s25+$0x1A820] =	vst v7  }
.LBB2_32:
0x472: {  	_ =	sfence.sel $0x180000  }
0x473: {  	[bflag:$0x0] =	sbarrier.arrive $0xFFFF  }
0x474: {  	_ =	strace $0x90000047  }
0x475: {  	s0 =	stileid.u32;
	[bflag:$0x2] =	sbarrier.arrive $0xFFFF  }
0x476: {  	p0 =	sne.s32 s0, $0x0;
	s0 =	rddreg [dreg:$0x3]  }
0x477: {  	s0 =	sadd.s32 @!p0 $0x100000, s0  }
0x478: {  	[sflag:s0] =	ssyncadd.tile.s32 @!p0 $0x1;
	_ =	shalt  }
.Lfunc_end2:
_tile_overlayer_lowered:
.L_overlay_start_2:
0x479: {  	(tag) =	ssettag $0x2  }
0x47a: {  	s0 =	rddreg [dreg:$0x0];
	s2 =	stileid.u32  }
0x47b: {  	s1 =	rddreg [dreg:$0x1];
	p0 =	sne.s32 s2, $0x0  }
0x47c: {  	s3 =	rddreg [dreg:$0x2];
	[bflag:$0x3] =	sbarrier.arrive $0xFFFF;
	s2 =	simm.s32 @!p0 $0x1C05  }
0x47d: {  	[timem:s3], [sflag:s2] =	dma.local @!p0 [hbm:s0], s1  }
0x47e: {  	s0 =	simm.s32 @!p0 $0x5  }
0x47f: {  	_ =	swait.ge @!p0 [sflag:s0], s1  }
0x480: {  	s1 =	ssub.s32 @!p0 $0x0, s1;
	[sflag:s0] =	ssyncset.done @!p0 $0x0  }
0x481: {  	[sflag:s0] =	ssyncadd.s32 @!p0 s1  }
0x482: {  	[bflag:$0x3] =	sbarrier.arrive $0xFFFF  }
0x483: {  	_ =	shalt  }

</sc_bundles>
